<compile_context>
chip_gen: v7x
topology: tpu7x:2x2x1
jax: 0.10.2.dev20260603
libtpu: 0.0.44.dev20260713+nightly
codegen_flags: <defaults>
</compile_context>

<pallas_src>
import functools

import jax
import jax.numpy as jnp
from jax import lax
from jax.experimental import pallas as pl
from jax.experimental.pallas import tpu as pltpu
from jax.experimental.pallas import tpu_sc as plsc

N = 10000
E = 160000
D = 256
DH = D // 2

CHUNK = 128
CHUNKS_PER_TILE = 80
E_PAD = 16 * CHUNKS_PER_TILE * CHUNK
ACC_R = 10112
ZROWS = ACC_R // 16
OUT_PT = 624

BN = 5000


def _tc_first_body(x_ref, wlT_ref, wrT_ref, bl_ref, xl2_ref, xr_ref):
    h = x_ref[...]
    xl = jnp.dot(h, wlT_ref[...], preferred_element_type=jnp.float32)
    xl2_ref[0] = xl[:, :DH]
    xl2_ref[1] = xl[:, DH:]
    xr_ref[...] = jnp.dot(h, wrT_ref[...], preferred_element_type=jnp.float32) + bl_ref[...]


def _tc_mid_body(agg2_ref, xr_ref, wlT_ref, wrT_ref, bl_ref, xl2_ref, xrn_ref):
    h = jnp.concatenate([agg2_ref[0], agg2_ref[1]], axis=1) + xr_ref[...]
    h = jnp.maximum(h, 0.0)
    xl = jnp.dot(h, wlT_ref[...], preferred_element_type=jnp.float32)
    xl2_ref[0] = xl[:, :DH]
    xl2_ref[1] = xl[:, DH:]
    xrn_ref[...] = jnp.dot(h, wrT_ref[...], preferred_element_type=jnp.float32) + bl_ref[...]


def _tc_last_body(agg2_ref, xr_ref, out_ref):
    out_ref[...] = jnp.concatenate([agg2_ref[0], agg2_ref[1]], axis=1) + xr_ref[...]


_W_SPEC = pl.BlockSpec((D, D), lambda j: (0, 0))
_B_SPEC = pl.BlockSpec((1, D), lambda j: (0, 0))
_ROW_SPEC = pl.BlockSpec((BN, D), lambda j: (j, 0))
_XL2_SPEC = pl.BlockSpec((2, BN, DH), lambda j: (0, j, 0))

_tc_first = pl.pallas_call(
    _tc_first_body,
    grid=(N // BN,),
    in_specs=[_ROW_SPEC, _W_SPEC, _W_SPEC, _B_SPEC],
    out_specs=[_XL2_SPEC, _ROW_SPEC],
    out_shape=[
        jax.ShapeDtypeStruct((2, N, DH), jnp.float32),
        jax.ShapeDtypeStruct((N, D), jnp.float32),
    ],
)

_tc_mid = pl.pallas_call(
    _tc_mid_body,
    grid=(N // BN,),
    in_specs=[_XL2_SPEC, _ROW_SPEC, _W_SPEC, _W_SPEC, _B_SPEC],
    out_specs=[_XL2_SPEC, _ROW_SPEC],
    out_shape=[
        jax.ShapeDtypeStruct((2, N, DH), jnp.float32),
        jax.ShapeDtypeStruct((N, D), jnp.float32),
    ],
)

_tc_last = pl.pallas_call(
    _tc_last_body,
    grid=(N // BN,),
    in_specs=[_XL2_SPEC, _ROW_SPEC],
    out_specs=_ROW_SPEC,
    out_shape=jax.ShapeDtypeStruct((N, D), jnp.float32),
)


def _sc_body(xl_flat, src4, dst3, zeros_hbm, out, sidx_all,
             r0, r1, di0, di1, acc,
             g0, g1, s0, s1, i0, i1):
    c = lax.axis_index("c")
    s = lax.axis_index("s")
    rows = [r0, r1]
    di = [di0, di1]
    gsem = [g0, g1]
    ssem = [s0, s1]
    isem = [i0, i1]

    pltpu.sync_copy(zeros_hbm, r0)
    zbase = s * ZROWS
    for k in range(4):
        pltpu.sync_copy(r0, acc.at[pl.ds(zbase + k * CHUNK, CHUNK)])
    pltpu.sync_copy(r0.at[pl.ds(0, ZROWS - 4 * CHUNK)],
                    acc.at[pl.ds(zbase + 4 * CHUNK, ZROWS - 4 * CHUNK)])

    pltpu.sync_copy(src4.at[c, s], sidx_all)
    for b in range(2):
        pltpu.async_copy(xl_flat.at[sidx_all.at[b]], rows[b], gsem[b])
        pltpu.async_copy(dst3.at[s, b], di[b], isem[b])
    plsc.subcore_barrier()

    def body(j, carry):
        for b in range(2):
            g = 2 * j + b
            pltpu.make_async_copy(xl_flat.at[sidx_all.at[b]], rows[b],
                                  gsem[b]).wait()
            pltpu.make_async_copy(dst3.at[s, b], di[b], isem[b]).wait()
            pltpu.async_copy(rows[b], acc.at[di[b]], ssem[b], add=True)
            pltpu.make_async_copy(rows[b], acc.at[di[b]], ssem[b]).wait()
            pltpu.async_copy(xl_flat.at[sidx_all.at[g + 2]], rows[b],
                             gsem[b])
            pltpu.async_copy(dst3.at[s, g + 2], di[b], isem[b])
        return carry

    lax.fori_loop(0, CHUNKS_PER_TILE // 2 - 1, body, 0)
    for b in range(2):
        pltpu.make_async_copy(xl_flat.at[sidx_all.at[b]], rows[b],
                              gsem[b]).wait()
        pltpu.make_async_copy(dst3.at[s, b], di[b], isem[b]).wait()
        pltpu.async_copy(rows[b], acc.at[di[b]], ssem[b], add=True)
        pltpu.make_async_copy(rows[b], acc.at[di[b]], ssem[b]).wait()
    plsc.subcore_barrier()

    pltpu.sync_copy(acc.at[pl.ds(s * OUT_PT, OUT_PT)],
                    out.at[c, pl.ds(s * OUT_PT, OUT_PT)])

    @pl.when(s == 15)
    def _write_tail():
        pltpu.sync_copy(acc.at[pl.ds(16 * OUT_PT, N - 16 * OUT_PT)],
                        out.at[c, pl.ds(16 * OUT_PT, N - 16 * OUT_PT)])


_sc_segsum = functools.partial(
    pl.kernel,
    out_type=jax.ShapeDtypeStruct((2, N, DH), jnp.float32),
    mesh=plsc.VectorSubcoreMesh(core_axis_name="c", subcore_axis_name="s"),
    scratch_types=[
        pltpu.VMEM((CHUNKS_PER_TILE, CHUNK), jnp.int32),
        pltpu.VMEM((CHUNK, DH), jnp.float32),
        pltpu.VMEM((CHUNK, DH), jnp.float32),
        pltpu.VMEM((CHUNK,), jnp.int32),
        pltpu.VMEM((CHUNK,), jnp.int32),
        pltpu.VMEM_SHARED((ACC_R, DH), jnp.float32),
    ] + [pltpu.SemaphoreType.DMA] * 6,
)(_sc_body)


def kernel(in_feat, edge_index, Wl0, bl0, Wr0, Wl1, bl1, Wr1, Wl2, bl2, Wr2):
    src = edge_index[0].astype(jnp.int32)
    dst = edge_index[1].astype(jnp.int32)
    pad = E_PAD - E
    ar = jnp.arange(pad, dtype=jnp.int32)
    src_p = jnp.concatenate([src, (ar * 37) % N])
    src4 = jnp.stack([src_p, src_p + N]).reshape(2, 16, CHUNKS_PER_TILE, CHUNK)
    dst_p = jnp.concatenate([dst, N + (ar % 16)])
    dst3 = dst_p.reshape(16, CHUNKS_PER_TILE, CHUNK)
    zeros = jnp.zeros((CHUNK, DH), jnp.float32)

    def layer_agg(xl2):
        return _sc_segsum(xl2.reshape(2 * N, DH), src4, dst3, zeros)

    xl2, xr = _tc_first(in_feat, Wl0.T, Wr0.T, bl0.reshape(1, D))
    agg2 = layer_agg(xl2)
    xl2, xr = _tc_mid(agg2, xr, Wl1.T, Wr1.T, bl1.reshape(1, D))
    agg2 = layer_agg(xl2)
    xl2, xr = _tc_mid(agg2, xr, Wl2.T, Wr2.T, bl2.reshape(1, D))
    agg2 = layer_agg(xl2)
    return _tc_last(agg2, xr)

# --- scband reference (transcript-rebuilt; emitter-appended) ---
"""Pipeline reference for scband-gnnmodel-23502061044547 (READ-ONLY COPY).

The authoritative reference and input builder live on the scoring server;
editing this copy changes nothing except your own understanding.
"""

import jax, jax.numpy as jnp
import numpy as np

N = 10000
E = 160000
D = 256


def setup_inputs(seed: int = 0) -> dict:
    key = jax.random.key(seed)
    ks = jax.random.split(key, 12)
    in_feat = jax.random.normal(ks[0], (N, D), dtype=jnp.float32)
    edge_index = jax.random.randint(ks[1], (2, E), 0, N, dtype=jnp.int64)
    s = 1.0 / np.sqrt(D)
    params = {}
    # SAGEConv params per layer: lin_l (with bias) applied to aggregated neighbors,
    # lin_r (no bias) applied to root/self features.
    for i in range(3):
        params[f"Wl{i}"] = jax.random.normal(ks[2 + 3 * i], (D, D), dtype=jnp.float32) * s
        params[f"bl{i}"] = jnp.zeros((D,), dtype=jnp.float32)
        params[f"Wr{i}"] = jax.random.normal(ks[3 + 3 * i], (D, D), dtype=jnp.float32) * s
    return {"in_feat": in_feat, "edge_index": edge_index, **params}


def _sage_conv(x, edge_index, Wl, bl, Wr):
    src = edge_index[0]
    dst = edge_index[1]
    # message = x_j (source node features), sum-aggregated at destination nodes
    agg = jax.ops.segment_sum(jnp.take(x, src, axis=0), dst, num_segments=x.shape[0])
    return agg @ Wl.T + bl + x @ Wr.T


def reference(in_feat, edge_index, Wl0, bl0, Wr0, Wl1, bl1, Wr1, Wl2, bl2, Wr2):
    # layer 0 + ReLU (dropout p=0.0 -> identity; no layer norm)
    h = _sage_conv(in_feat, edge_index, Wl0, bl0, Wr0)
    h = jax.nn.relu(h)
    # middle layer + ReLU (residual=False)
    h = _sage_conv(h, edge_index, Wl1, bl1, Wr1)
    h = jax.nn.relu(h)
    # output layer (no activation)
    h = _sage_conv(h, edge_index, Wl2, bl2, Wr2)
    return h

if __name__ == "__main__":
    import jax
    _d = setup_inputs()
    print(jax.jit(kernel)(*tuple(_d.values())))

</pallas_src>

<mosaic_0001>
#map = affine_map<(d0, d1) -> (0, 0)>
#map1 = affine_map<(d0, d1) -> (0, 0, 0, 0)>
#map2 = affine_map<(d0, d1) -> (0, 0, 0)>
module attributes {stable_mosaic.version = 14 : i64} {
  func.func @_sc_body(%arg0: i32, %arg1: i32, %arg2: memref<20000x128xf32, #tpu.memory_space<hbm>>, %arg3: memref<2x16x80x128xi32, #tpu.memory_space<hbm>>, %arg4: memref<16x80x128xi32, #tpu.memory_space<hbm>>, %arg5: memref<128x128xf32, #tpu.memory_space<hbm>>, %arg6: memref<2x10000x128xf32, #tpu.memory_space<hbm>>, %arg7: memref<80x128xi32, #tpu.memory_space<vmem>>, %arg8: memref<128x128xf32, #tpu.memory_space<vmem>>, %arg9: memref<128x128xf32, #tpu.memory_space<vmem>>, %arg10: memref<128xi32, #tpu.memory_space<vmem>>, %arg11: memref<128xi32, #tpu.memory_space<vmem>>, %arg12: memref<10112x128xf32, #tpu.memory_space<vmem_shared>>, %arg13: memref<!tpu.dma_semaphore, #tpu.memory_space<semaphore_mem>>, %arg14: memref<!tpu.dma_semaphore, #tpu.memory_space<semaphore_mem>>, %arg15: memref<!tpu.dma_semaphore, #tpu.memory_space<semaphore_mem>>, %arg16: memref<!tpu.dma_semaphore, #tpu.memory_space<semaphore_mem>>, %arg17: memref<!tpu.dma_semaphore, #tpu.memory_space<semaphore_mem>>, %arg18: memref<!tpu.dma_semaphore, #tpu.memory_space<semaphore_mem>>) attributes {dimension_semantics = [#tpu.dimension_semantics<core_parallel>, #tpu.dimension_semantics<subcore_parallel>], iteration_bounds = array<i64: 2, 16>, scalar_prefetch = 0 : i64, scratch_operands = 12 : i64, tpu.core_type = #tpu.core_type<sc_vector_subcore>, window_params = [{transform_indices = #map}, {transform_indices = #map1}, {transform_indices = #map2}, {transform_indices = #map}, {transform_indices = #map2}]} {
    "tpu.region"() ({
      %run_scoped3A = tpu.sem_alloc : memref<!tpu.dma_semaphore, #tpu.memory_space<semaphore_mem>>
      tpu.enqueue_dma source(%arg5 : memref<128x128xf32, #tpu.memory_space<hbm>>) target(%arg8 : memref<128x128xf32, #tpu.memory_space<vmem>>) target_semaphore(%run_scoped3A : memref<!tpu.dma_semaphore, #tpu.memory_space<semaphore_mem>>)
      tpu.wait_dma2 semaphore(%run_scoped3A : memref<!tpu.dma_semaphore, #tpu.memory_space<semaphore_mem>>) src(%arg5 : memref<128x128xf32, #tpu.memory_space<hbm>>) dst(%arg8 : memref<128x128xf32, #tpu.memory_space<vmem>>)
      tpu.yield
    }) : () -> ()
    %mul3A = arith.constant 632 : i32
    %mul3A_0 = arith.muli %arg1, %mul3A : i32
    %add3A = arith.constant 0 : i32
    %add3A_1 = arith.addi %mul3A_0, %add3A : i32
    "tpu.region"() ({
      %run_scoped3A = tpu.sem_alloc : memref<!tpu.dma_semaphore, #tpu.memory_space<semaphore_mem>>
      %dma_start3A_88 = arith.constant 0 : i32
      %dma_start3A_89 = tpu.memref_slice %arg12[%add3A_1, %dma_start3A_88] : memref<10112x128xf32, #tpu.memory_space<vmem_shared>> -> memref<128x128xf32, #tpu.memory_space<vmem_shared>>
      %dma_start3A_90 = arith.constant 0 : i32
      %dma_start3A_91 = tpu.memref_slice %arg12[%add3A_1, %dma_start3A_90] : memref<10112x128xf32, #tpu.memory_space<vmem_shared>> -> memref<128x128xf32, #tpu.memory_space<vmem_shared>>
      tpu.enqueue_dma source(%arg8 : memref<128x128xf32, #tpu.memory_space<vmem>>) target(%dma_start3A_91 : memref<128x128xf32, #tpu.memory_space<vmem_shared>>) target_semaphore(%run_scoped3A : memref<!tpu.dma_semaphore, #tpu.memory_space<semaphore_mem>>)
      %dma_wait3A_92 = arith.constant 0 : i32
      %dma_wait3A_93 = tpu.memref_slice %arg12[%add3A_1, %dma_wait3A_92] : memref<10112x128xf32, #tpu.memory_space<vmem_shared>> -> memref<128x128xf32, #tpu.memory_space<vmem_shared>>
      %dma_wait3A_94 = arith.constant 0 : i32
      %dma_wait3A_95 = tpu.memref_slice %arg12[%add3A_1, %dma_wait3A_94] : memref<10112x128xf32, #tpu.memory_space<vmem_shared>> -> memref<128x128xf32, #tpu.memory_space<vmem_shared>>
      tpu.wait_dma2 semaphore(%run_scoped3A : memref<!tpu.dma_semaphore, #tpu.memory_space<semaphore_mem>>) src(%arg8 : memref<128x128xf32, #tpu.memory_space<vmem>>) dst(%dma_wait3A_95 : memref<128x128xf32, #tpu.memory_space<vmem_shared>>)
      tpu.yield
    }) : () -> ()
    %add3A_2 = arith.constant 128 : i32
    %add3A_3 = arith.addi %mul3A_0, %add3A_2 : i32
    "tpu.region"() ({
      %run_scoped3A = tpu.sem_alloc : memref<!tpu.dma_semaphore, #tpu.memory_space<semaphore_mem>>
      %dma_start3A_88 = arith.constant 0 : i32
      %dma_start3A_89 = tpu.memref_slice %arg12[%add3A_3, %dma_start3A_88] : memref<10112x128xf32, #tpu.memory_space<vmem_shared>> -> memref<128x128xf32, #tpu.memory_space<vmem_shared>>
      %dma_start3A_90 = arith.constant 0 : i32
      %dma_start3A_91 = tpu.memref_slice %arg12[%add3A_3, %dma_start3A_90] : memref<10112x128xf32, #tpu.memory_space<vmem_shared>> -> memref<128x128xf32, #tpu.memory_space<vmem_shared>>
      tpu.enqueue_dma source(%arg8 : memref<128x128xf32, #tpu.memory_space<vmem>>) target(%dma_start3A_91 : memref<128x128xf32, #tpu.memory_space<vmem_shared>>) target_semaphore(%run_scoped3A : memref<!tpu.dma_semaphore, #tpu.memory_space<semaphore_mem>>)
      %dma_wait3A_92 = arith.constant 0 : i32
      %dma_wait3A_93 = tpu.memref_slice %arg12[%add3A_3, %dma_wait3A_92] : memref<10112x128xf32, #tpu.memory_space<vmem_shared>> -> memref<128x128xf32, #tpu.memory_space<vmem_shared>>
      %dma_wait3A_94 = arith.constant 0 : i32
      %dma_wait3A_95 = tpu.memref_slice %arg12[%add3A_3, %dma_wait3A_94] : memref<10112x128xf32, #tpu.memory_space<vmem_shared>> -> memref<128x128xf32, #tpu.memory_space<vmem_shared>>
      tpu.wait_dma2 semaphore(%run_scoped3A : memref<!tpu.dma_semaphore, #tpu.memory_space<semaphore_mem>>) src(%arg8 : memref<128x128xf32, #tpu.memory_space<vmem>>) dst(%dma_wait3A_95 : memref<128x128xf32, #tpu.memory_space<vmem_shared>>)
      tpu.yield
    }) : () -> ()
    %add3A_4 = arith.constant 256 : i32
    %add3A_5 = arith.addi %mul3A_0, %add3A_4 : i32
    "tpu.region"() ({
      %run_scoped3A = tpu.sem_alloc : memref<!tpu.dma_semaphore, #tpu.memory_space<semaphore_mem>>
      %dma_start3A_88 = arith.constant 0 : i32
      %dma_start3A_89 = tpu.memref_slice %arg12[%add3A_5, %dma_start3A_88] : memref<10112x128xf32, #tpu.memory_space<vmem_shared>> -> memref<128x128xf32, #tpu.memory_space<vmem_shared>>
      %dma_start3A_90 = arith.constant 0 : i32
      %dma_start3A_91 = tpu.memref_slice %arg12[%add3A_5, %dma_start3A_90] : memref<10112x128xf32, #tpu.memory_space<vmem_shared>> -> memref<128x128xf32, #tpu.memory_space<vmem_shared>>
      tpu.enqueue_dma source(%arg8 : memref<128x128xf32, #tpu.memory_space<vmem>>) target(%dma_start3A_91 : memref<128x128xf32, #tpu.memory_space<vmem_shared>>) target_semaphore(%run_scoped3A : memref<!tpu.dma_semaphore, #tpu.memory_space<semaphore_mem>>)
      %dma_wait3A_92 = arith.constant 0 : i32
      %dma_wait3A_93 = tpu.memref_slice %arg12[%add3A_5, %dma_wait3A_92] : memref<10112x128xf32, #tpu.memory_space<vmem_shared>> -> memref<128x128xf32, #tpu.memory_space<vmem_shared>>
      %dma_wait3A_94 = arith.constant 0 : i32
      %dma_wait3A_95 = tpu.memref_slice %arg12[%add3A_5, %dma_wait3A_94] : memref<10112x128xf32, #tpu.memory_space<vmem_shared>> -> memref<128x128xf32, #tpu.memory_space<vmem_shared>>
      tpu.wait_dma2 semaphore(%run_scoped3A : memref<!tpu.dma_semaphore, #tpu.memory_space<semaphore_mem>>) src(%arg8 : memref<128x128xf32, #tpu.memory_space<vmem>>) dst(%dma_wait3A_95 : memref<128x128xf32, #tpu.memory_space<vmem_shared>>)
      tpu.yield
    }) : () -> ()
    %add3A_6 = arith.constant 384 : i32
    %add3A_7 = arith.addi %mul3A_0, %add3A_6 : i32
    "tpu.region"() ({
      %run_scoped3A = tpu.sem_alloc : memref<!tpu.dma_semaphore, #tpu.memory_space<semaphore_mem>>
      %dma_start3A_88 = arith.constant 0 : i32
      %dma_start3A_89 = tpu.memref_slice %arg12[%add3A_7, %dma_start3A_88] : memref<10112x128xf32, #tpu.memory_space<vmem_shared>> -> memref<128x128xf32, #tpu.memory_space<vmem_shared>>
      %dma_start3A_90 = arith.constant 0 : i32
      %dma_start3A_91 = tpu.memref_slice %arg12[%add3A_7, %dma_start3A_90] : memref<10112x128xf32, #tpu.memory_space<vmem_shared>> -> memref<128x128xf32, #tpu.memory_space<vmem_shared>>
      tpu.enqueue_dma source(%arg8 : memref<128x128xf32, #tpu.memory_space<vmem>>) target(%dma_start3A_91 : memref<128x128xf32, #tpu.memory_space<vmem_shared>>) target_semaphore(%run_scoped3A : memref<!tpu.dma_semaphore, #tpu.memory_space<semaphore_mem>>)
      %dma_wait3A_92 = arith.constant 0 : i32
      %dma_wait3A_93 = tpu.memref_slice %arg12[%add3A_7, %dma_wait3A_92] : memref<10112x128xf32, #tpu.memory_space<vmem_shared>> -> memref<128x128xf32, #tpu.memory_space<vmem_shared>>
      %dma_wait3A_94 = arith.constant 0 : i32
      %dma_wait3A_95 = tpu.memref_slice %arg12[%add3A_7, %dma_wait3A_94] : memref<10112x128xf32, #tpu.memory_space<vmem_shared>> -> memref<128x128xf32, #tpu.memory_space<vmem_shared>>
      tpu.wait_dma2 semaphore(%run_scoped3A : memref<!tpu.dma_semaphore, #tpu.memory_space<semaphore_mem>>) src(%arg8 : memref<128x128xf32, #tpu.memory_space<vmem>>) dst(%dma_wait3A_95 : memref<128x128xf32, #tpu.memory_space<vmem_shared>>)
      tpu.yield
    }) : () -> ()
    %add3A_8 = arith.constant 512 : i32
    %add3A_9 = arith.addi %mul3A_0, %add3A_8 : i32
    "tpu.region"() ({
      %run_scoped3A = tpu.sem_alloc : memref<!tpu.dma_semaphore, #tpu.memory_space<semaphore_mem>>
      %dma_start3A_88 = arith.constant 0 : i32
      %dma_start3A_89 = arith.constant 0 : i32
      %dma_start3A_90 = tpu.memref_slice %arg8[%dma_start3A_88, %dma_start3A_89] : memref<128x128xf32, #tpu.memory_space<vmem>> -> memref<120x128xf32, #tpu.memory_space<vmem>>
      %dma_start3A_91 = arith.constant 0 : i32
      %dma_start3A_92 = tpu.memref_slice %arg12[%add3A_9, %dma_start3A_91] : memref<10112x128xf32, #tpu.memory_space<vmem_shared>> -> memref<120x128xf32, #tpu.memory_space<vmem_shared>>
      %dma_start3A_93 = arith.constant 0 : i32
      %dma_start3A_94 = tpu.memref_slice %arg12[%add3A_9, %dma_start3A_93] : memref<10112x128xf32, #tpu.memory_space<vmem_shared>> -> memref<120x128xf32, #tpu.memory_space<vmem_shared>>
      %dma_start3A_95 = arith.constant 0 : i32
      %dma_start3A_96 = arith.constant 0 : i32
      %dma_start3A_97 = tpu.memref_slice %arg8[%dma_start3A_95, %dma_start3A_96] : memref<128x128xf32, #tpu.memory_space<vmem>> -> memref<120x128xf32, #tpu.memory_space<vmem>>
      tpu.enqueue_dma source(%dma_start3A_97 : memref<120x128xf32, #tpu.memory_space<vmem>>) target(%dma_start3A_94 : memref<120x128xf32, #tpu.memory_space<vmem_shared>>) target_semaphore(%run_scoped3A : memref<!tpu.dma_semaphore, #tpu.memory_space<semaphore_mem>>)
      %dma_wait3A_98 = arith.constant 0 : i32
      %dma_wait3A_99 = arith.constant 0 : i32
      %dma_wait3A_100 = tpu.memref_slice %arg8[%dma_wait3A_98, %dma_wait3A_99] : memref<128x128xf32, #tpu.memory_space<vmem>> -> memref<120x128xf32, #tpu.memory_space<vmem>>
      %dma_wait3A_101 = arith.constant 0 : i32
      %dma_wait3A_102 = tpu.memref_slice %arg12[%add3A_9, %dma_wait3A_101] : memref<10112x128xf32, #tpu.memory_space<vmem_shared>> -> memref<120x128xf32, #tpu.memory_space<vmem_shared>>
      %dma_wait3A_103 = arith.constant 0 : i32
      %dma_wait3A_104 = tpu.memref_slice %arg12[%add3A_9, %dma_wait3A_103] : memref<10112x128xf32, #tpu.memory_space<vmem_shared>> -> memref<120x128xf32, #tpu.memory_space<vmem_shared>>
      %dma_wait3A_105 = arith.constant 0 : i32
      %dma_wait3A_106 = arith.constant 0 : i32
      %dma_wait3A_107 = tpu.memref_slice %arg8[%dma_wait3A_105, %dma_wait3A_106] : memref<128x128xf32, #tpu.memory_space<vmem>> -> memref<120x128xf32, #tpu.memory_space<vmem>>
      tpu.wait_dma2 semaphore(%run_scoped3A : memref<!tpu.dma_semaphore, #tpu.memory_space<semaphore_mem>>) src(%dma_wait3A_107 : memref<120x128xf32, #tpu.memory_space<vmem>>) dst(%dma_wait3A_104 : memref<120x128xf32, #tpu.memory_space<vmem_shared>>)
      tpu.yield
    }) : () -> ()
    "tpu.region"() ({
      %run_scoped3A = tpu.sem_alloc : memref<!tpu.dma_semaphore, #tpu.memory_space<semaphore_mem>>
      %dma_start3A_88 = arith.constant 0 : i32
      %dma_start3A_89 = arith.constant 0 : i32
      %dma_start3A_90 = tpu.memref_slice %arg3[%arg0, %arg1, %dma_start3A_88, %dma_start3A_89] : memref<2x16x80x128xi32, #tpu.memory_space<hbm>> -> memref<1x1x80x128xi32, #tpu.memory_space<hbm>>
      %dma_start3A_91 = tpu.memref_squeeze %dma_start3A_90 : memref<1x1x80x128xi32, #tpu.memory_space<hbm>> -> memref<80x128xi32, #tpu.memory_space<hbm>>
      %dma_start3A_92 = arith.constant 0 : i32
      %dma_start3A_93 = arith.constant 0 : i32
      %dma_start3A_94 = tpu.memref_slice %arg3[%arg0, %arg1, %dma_start3A_92, %dma_start3A_93] : memref<2x16x80x128xi32, #tpu.memory_space<hbm>> -> memref<1x1x80x128xi32, #tpu.memory_space<hbm>>
      %dma_start3A_95 = tpu.memref_squeeze %dma_start3A_94 : memref<1x1x80x128xi32, #tpu.memory_space<hbm>> -> memref<80x128xi32, #tpu.memory_space<hbm>>
      tpu.enqueue_dma source(%dma_start3A_95 : memref<80x128xi32, #tpu.memory_space<hbm>>) target(%arg7 : memref<80x128xi32, #tpu.memory_space<vmem>>) target_semaphore(%run_scoped3A : memref<!tpu.dma_semaphore, #tpu.memory_space<semaphore_mem>>)
      %dma_wait3A_96 = arith.constant 0 : i32
      %dma_wait3A_97 = arith.constant 0 : i32
      %dma_wait3A_98 = tpu.memref_slice %arg3[%arg0, %arg1, %dma_wait3A_96, %dma_wait3A_97] : memref<2x16x80x128xi32, #tpu.memory_space<hbm>> -> memref<1x1x80x128xi32, #tpu.memory_space<hbm>>
      %dma_wait3A_99 = tpu.memref_squeeze %dma_wait3A_98 : memref<1x1x80x128xi32, #tpu.memory_space<hbm>> -> memref<80x128xi32, #tpu.memory_space<hbm>>
      %dma_wait3A_100 = arith.constant 0 : i32
      %dma_wait3A_101 = arith.constant 0 : i32
      %dma_wait3A_102 = tpu.memref_slice %arg3[%arg0, %arg1, %dma_wait3A_100, %dma_wait3A_101] : memref<2x16x80x128xi32, #tpu.memory_space<hbm>> -> memref<1x1x80x128xi32, #tpu.memory_space<hbm>>
      %dma_wait3A_103 = tpu.memref_squeeze %dma_wait3A_102 : memref<1x1x80x128xi32, #tpu.memory_space<hbm>> -> memref<80x128xi32, #tpu.memory_space<hbm>>
      tpu.wait_dma2 semaphore(%run_scoped3A : memref<!tpu.dma_semaphore, #tpu.memory_space<semaphore_mem>>) src(%dma_wait3A_103 : memref<80x128xi32, #tpu.memory_space<hbm>>) dst(%arg7 : memref<80x128xi32, #tpu.memory_space<vmem>>)
      tpu.yield
    }) : () -> ()
    %dma_start3A = arith.constant 0 : i32
    %dma_start3A_10 = arith.constant 0 : i32
    %dma_start3A_11 = tpu.memref_slice %arg7[%dma_start3A, %dma_start3A_10] : memref<80x128xi32, #tpu.memory_space<vmem>> -> memref<1x128xi32, #tpu.memory_space<vmem>>
    %dma_start3A_12 = tpu.memref_squeeze %dma_start3A_11 : memref<1x128xi32, #tpu.memory_space<vmem>> -> memref<128xi32, #tpu.memory_space<vmem>>
    %dma_start3A_13 = arith.constant 0 : i32
    %dma_start3A_14 = arith.constant 0 : i32
    %dma_start3A_15 = tpu.memref_slice %arg2[%dma_start3A_13, %dma_start3A_14] : memref<20000x128xf32, #tpu.memory_space<hbm>> -> memref<20000x128xf32, #tpu.memory_space<hbm>>
    tpu.enqueue_indirect_dma source(%dma_start3A_15 : memref<20000x128xf32, #tpu.memory_space<hbm>>) target(%arg8 : memref<128x128xf32, #tpu.memory_space<vmem>>) offsets(%dma_start3A_12 : memref<128xi32, #tpu.memory_space<vmem>>) semaphore(%arg13 : memref<!tpu.dma_semaphore, #tpu.memory_space<semaphore_mem>>)
    %dma_start3A_16 = arith.constant 0 : i32
    %dma_start3A_17 = arith.constant 0 : i32
    %dma_start3A_18 = tpu.memref_slice %arg4[%arg1, %dma_start3A_16, %dma_start3A_17] : memref<16x80x128xi32, #tpu.memory_space<hbm>> -> memref<1x1x128xi32, #tpu.memory_space<hbm>>
    %dma_start3A_19 = tpu.memref_squeeze %dma_start3A_18 : memref<1x1x128xi32, #tpu.memory_space<hbm>> -> memref<128xi32, #tpu.memory_space<hbm>>
    %dma_start3A_20 = arith.constant 0 : i32
    %dma_start3A_21 = tpu.memref_slice %arg4[%arg1, %dma_start3A_16, %dma_start3A_20] : memref<16x80x128xi32, #tpu.memory_space<hbm>> -> memref<1x1x128xi32, #tpu.memory_space<hbm>>
    %dma_start3A_22 = tpu.memref_squeeze %dma_start3A_21 : memref<1x1x128xi32, #tpu.memory_space<hbm>> -> memref<128xi32, #tpu.memory_space<hbm>>
    tpu.enqueue_dma source(%dma_start3A_22 : memref<128xi32, #tpu.memory_space<hbm>>) target(%arg10 : memref<128xi32, #tpu.memory_space<vmem>>) target_semaphore(%arg17 : memref<!tpu.dma_semaphore, #tpu.memory_space<semaphore_mem>>)
    %dma_start3A_23 = arith.constant 1 : i32
    %dma_start3A_24 = arith.constant 0 : i32
    %dma_start3A_25 = tpu.memref_slice %arg7[%dma_start3A_23, %dma_start3A_24] : memref<80x128xi32, #tpu.memory_space<vmem>> -> memref<1x128xi32, #tpu.memory_space<vmem>>
    %dma_start3A_26 = tpu.memref_squeeze %dma_start3A_25 : memref<1x128xi32, #tpu.memory_space<vmem>> -> memref<128xi32, #tpu.memory_space<vmem>>
    %dma_start3A_27 = arith.constant 0 : i32
    %dma_start3A_28 = arith.constant 0 : i32
    %dma_start3A_29 = tpu.memref_slice %arg2[%dma_start3A_27, %dma_start3A_28] : memref<20000x128xf32, #tpu.memory_space<hbm>> -> memref<20000x128xf32, #tpu.memory_space<hbm>>
    tpu.enqueue_indirect_dma source(%dma_start3A_29 : memref<20000x128xf32, #tpu.memory_space<hbm>>) target(%arg9 : memref<128x128xf32, #tpu.memory_space<vmem>>) offsets(%dma_start3A_26 : memref<128xi32, #tpu.memory_space<vmem>>) semaphore(%arg14 : memref<!tpu.dma_semaphore, #tpu.memory_space<semaphore_mem>>)
    %dma_start3A_30 = arith.constant 1 : i32
    %dma_start3A_31 = arith.constant 0 : i32
    %dma_start3A_32 = tpu.memref_slice %arg4[%arg1, %dma_start3A_30, %dma_start3A_31] : memref<16x80x128xi32, #tpu.memory_space<hbm>> -> memref<1x1x128xi32, #tpu.memory_space<hbm>>
    %dma_start3A_33 = tpu.memref_squeeze %dma_start3A_32 : memref<1x1x128xi32, #tpu.memory_space<hbm>> -> memref<128xi32, #tpu.memory_space<hbm>>
    %dma_start3A_34 = arith.constant 0 : i32
    %dma_start3A_35 = tpu.memref_slice %arg4[%arg1, %dma_start3A_30, %dma_start3A_34] : memref<16x80x128xi32, #tpu.memory_space<hbm>> -> memref<1x1x128xi32, #tpu.memory_space<hbm>>
    %dma_start3A_36 = tpu.memref_squeeze %dma_start3A_35 : memref<1x1x128xi32, #tpu.memory_space<hbm>> -> memref<128xi32, #tpu.memory_space<hbm>>
    tpu.enqueue_dma source(%dma_start3A_36 : memref<128xi32, #tpu.memory_space<hbm>>) target(%arg11 : memref<128xi32, #tpu.memory_space<vmem>>) target_semaphore(%arg18 : memref<!tpu.dma_semaphore, #tpu.memory_space<semaphore_mem>>)
    %barrier3A = arith.constant 0 : index
    tpu.barrier barrier_id(%barrier3A)
    %scan3A = arith.constant 0 : i32
    %scan3A_37 = arith.constant 0 : i32
    %scan3A_38 = arith.constant 39 : i32
    %scan3A_39 = arith.addi %scan3A_37, %scan3A_38 : i32
    %scan3A_40 = arith.constant 1 : i32
    scf.for %scan3A_88 = %scan3A_37 to %scan3A_39 step %scan3A_40  : i32 {
      %mul3A_89 = arith.constant 2 : i32
      %mul3A_90 = arith.muli %mul3A_89, %scan3A_88 : i32
      %add3A_91 = arith.constant 0 : i32
      %add3A_92 = arith.addi %mul3A_90, %add3A_91 : i32
      %dma_wait3A_93 = arith.constant 0 : i32
      %dma_wait3A_94 = arith.constant 0 : i32
      %dma_wait3A_95 = tpu.memref_slice %arg7[%dma_wait3A_93, %dma_wait3A_94] : memref<80x128xi32, #tpu.memory_space<vmem>> -> memref<1x128xi32, #tpu.memory_space<vmem>>
      %dma_wait3A_96 = tpu.memref_squeeze %dma_wait3A_95 : memref<1x128xi32, #tpu.memory_space<vmem>> -> memref<128xi32, #tpu.memory_space<vmem>>
      %dma_wait3A_97 = arith.constant 0 : i32
      %dma_wait3A_98 = arith.constant 0 : i32
      %dma_wait3A_99 = tpu.memref_slice %arg2[%dma_wait3A_97, %dma_wait3A_98] : memref<20000x128xf32, #tpu.memory_space<hbm>> -> memref<20000x128xf32, #tpu.memory_space<hbm>>
      tpu.wait_indirect_dma semaphore(%arg13 : memref<!tpu.dma_semaphore, #tpu.memory_space<semaphore_mem>>) src(%dma_wait3A_99 : memref<20000x128xf32, #tpu.memory_space<hbm>>) dst(%arg8 : memref<128x128xf32, #tpu.memory_space<vmem>>)
      %dma_wait3A_100 = arith.constant 0 : i32
      %dma_wait3A_101 = arith.constant 0 : i32
      %dma_wait3A_102 = tpu.memref_slice %arg4[%arg1, %dma_wait3A_100, %dma_wait3A_101] : memref<16x80x128xi32, #tpu.memory_space<hbm>> -> memref<1x1x128xi32, #tpu.memory_space<hbm>>
      %dma_wait3A_103 = tpu.memref_squeeze %dma_wait3A_102 : memref<1x1x128xi32, #tpu.memory_space<hbm>> -> memref<128xi32, #tpu.memory_space<hbm>>
      %dma_wait3A_104 = arith.constant 0 : i32
      %dma_wait3A_105 = tpu.memref_slice %arg4[%arg1, %dma_wait3A_100, %dma_wait3A_104] : memref<16x80x128xi32, #tpu.memory_space<hbm>> -> memref<1x1x128xi32, #tpu.memory_space<hbm>>
      %dma_wait3A_106 = tpu.memref_squeeze %dma_wait3A_105 : memref<1x1x128xi32, #tpu.memory_space<hbm>> -> memref<128xi32, #tpu.memory_space<hbm>>
      tpu.wait_dma2 semaphore(%arg17 : memref<!tpu.dma_semaphore, #tpu.memory_space<semaphore_mem>>) src(%dma_wait3A_106 : memref<128xi32, #tpu.memory_space<hbm>>) dst(%arg10 : memref<128xi32, #tpu.memory_space<vmem>>)
      %dma_start3A_107 = arith.constant 0 : i32
      %dma_start3A_108 = arith.constant 0 : i32
      %dma_start3A_109 = tpu.memref_slice %arg12[%dma_start3A_107, %dma_start3A_108] : memref<10112x128xf32, #tpu.memory_space<vmem_shared>> -> memref<10112x128xf32, #tpu.memory_space<vmem_shared>>
      tpu.enqueue_indirect_dma source(%arg8 : memref<128x128xf32, #tpu.memory_space<vmem>>) target(%dma_start3A_109 : memref<10112x128xf32, #tpu.memory_space<vmem_shared>>) offsets(%arg10 : memref<128xi32, #tpu.memory_space<vmem>>) semaphore(%arg15 : memref<!tpu.dma_semaphore, #tpu.memory_space<semaphore_mem>>) {add = true}
      %dma_wait3A_110 = arith.constant 0 : i32
      %dma_wait3A_111 = arith.constant 0 : i32
      %dma_wait3A_112 = tpu.memref_slice %arg12[%dma_wait3A_110, %dma_wait3A_111] : memref<10112x128xf32, #tpu.memory_space<vmem_shared>> -> memref<10112x128xf32, #tpu.memory_space<vmem_shared>>
      tpu.wait_indirect_dma semaphore(%arg15 : memref<!tpu.dma_semaphore, #tpu.memory_space<semaphore_mem>>) src(%arg8 : memref<128x128xf32, #tpu.memory_space<vmem>>) dst(%dma_wait3A_112 : memref<10112x128xf32, #tpu.memory_space<vmem_shared>>)
      %add3A_113 = arith.constant 2 : i32
      %add3A_114 = arith.addi %add3A_92, %add3A_113 : i32
      %dma_start3A_115 = arith.constant 0 : i32
      %dma_start3A_116 = tpu.memref_slice %arg7[%add3A_114, %dma_start3A_115] : memref<80x128xi32, #tpu.memory_space<vmem>> -> memref<1x128xi32, #tpu.memory_space<vmem>>
      %dma_start3A_117 = tpu.memref_squeeze %dma_start3A_116 : memref<1x128xi32, #tpu.memory_space<vmem>> -> memref<128xi32, #tpu.memory_space<vmem>>
      %dma_start3A_118 = arith.constant 0 : i32
      %dma_start3A_119 = arith.constant 0 : i32
      %dma_start3A_120 = tpu.memref_slice %arg2[%dma_start3A_118, %dma_start3A_119] : memref<20000x128xf32, #tpu.memory_space<hbm>> -> memref<20000x128xf32, #tpu.memory_space<hbm>>
      tpu.enqueue_indirect_dma source(%dma_start3A_120 : memref<20000x128xf32, #tpu.memory_space<hbm>>) target(%arg8 : memref<128x128xf32, #tpu.memory_space<vmem>>) offsets(%dma_start3A_117 : memref<128xi32, #tpu.memory_space<vmem>>) semaphore(%arg13 : memref<!tpu.dma_semaphore, #tpu.memory_space<semaphore_mem>>)
      %add3A_121 = arith.constant 2 : i32
      %add3A_122 = arith.addi %add3A_92, %add3A_121 : i32
      %dma_start3A_123 = arith.constant 0 : i32
      %dma_start3A_124 = tpu.memref_slice %arg4[%arg1, %add3A_122, %dma_start3A_123] : memref<16x80x128xi32, #tpu.memory_space<hbm>> -> memref<1x1x128xi32, #tpu.memory_space<hbm>>
      %dma_start3A_125 = tpu.memref_squeeze %dma_start3A_124 : memref<1x1x128xi32, #tpu.memory_space<hbm>> -> memref<128xi32, #tpu.memory_space<hbm>>
      %dma_start3A_126 = arith.constant 0 : i32
      %dma_start3A_127 = tpu.memref_slice %arg4[%arg1, %add3A_122, %dma_start3A_126] : memref<16x80x128xi32, #tpu.memory_space<hbm>> -> memref<1x1x128xi32, #tpu.memory_space<hbm>>
      %dma_start3A_128 = tpu.memref_squeeze %dma_start3A_127 : memref<1x1x128xi32, #tpu.memory_space<hbm>> -> memref<128xi32, #tpu.memory_space<hbm>>
      tpu.enqueue_dma source(%dma_start3A_128 : memref<128xi32, #tpu.memory_space<hbm>>) target(%arg10 : memref<128xi32, #tpu.memory_space<vmem>>) target_semaphore(%arg17 : memref<!tpu.dma_semaphore, #tpu.memory_space<semaphore_mem>>)
      %mul3A_129 = arith.constant 2 : i32
      %mul3A_130 = arith.muli %mul3A_129, %scan3A_88 : i32
      %add3A_131 = arith.constant 1 : i32
      %add3A_132 = arith.addi %mul3A_130, %add3A_131 : i32
      %dma_wait3A_133 = arith.constant 1 : i32
      %dma_wait3A_134 = arith.constant 0 : i32
      %dma_wait3A_135 = tpu.memref_slice %arg7[%dma_wait3A_133, %dma_wait3A_134] : memref<80x128xi32, #tpu.memory_space<vmem>> -> memref<1x128xi32, #tpu.memory_space<vmem>>
      %dma_wait3A_136 = tpu.memref_squeeze %dma_wait3A_135 : memref<1x128xi32, #tpu.memory_space<vmem>> -> memref<128xi32, #tpu.memory_space<vmem>>
      %dma_wait3A_137 = arith.constant 0 : i32
      %dma_wait3A_138 = arith.constant 0 : i32
      %dma_wait3A_139 = tpu.memref_slice %arg2[%dma_wait3A_137, %dma_wait3A_138] : memref<20000x128xf32, #tpu.memory_space<hbm>> -> memref<20000x128xf32, #tpu.memory_space<hbm>>
      tpu.wait_indirect_dma semaphore(%arg14 : memref<!tpu.dma_semaphore, #tpu.memory_space<semaphore_mem>>) src(%dma_wait3A_139 : memref<20000x128xf32, #tpu.memory_space<hbm>>) dst(%arg9 : memref<128x128xf32, #tpu.memory_space<vmem>>)
      %dma_wait3A_140 = arith.constant 1 : i32
      %dma_wait3A_141 = arith.constant 0 : i32
      %dma_wait3A_142 = tpu.memref_slice %arg4[%arg1, %dma_wait3A_140, %dma_wait3A_141] : memref<16x80x128xi32, #tpu.memory_space<hbm>> -> memref<1x1x128xi32, #tpu.memory_space<hbm>>
      %dma_wait3A_143 = tpu.memref_squeeze %dma_wait3A_142 : memref<1x1x128xi32, #tpu.memory_space<hbm>> -> memref<128xi32, #tpu.memory_space<hbm>>
      %dma_wait3A_144 = arith.constant 0 : i32
      %dma_wait3A_145 = tpu.memref_slice %arg4[%arg1, %dma_wait3A_140, %dma_wait3A_144] : memref<16x80x128xi32, #tpu.memory_space<hbm>> -> memref<1x1x128xi32, #tpu.memory_space<hbm>>
      %dma_wait3A_146 = tpu.memref_squeeze %dma_wait3A_145 : memref<1x1x128xi32, #tpu.memory_space<hbm>> -> memref<128xi32, #tpu.memory_space<hbm>>
      tpu.wait_dma2 semaphore(%arg18 : memref<!tpu.dma_semaphore, #tpu.memory_space<semaphore_mem>>) src(%dma_wait3A_146 : memref<128xi32, #tpu.memory_space<hbm>>) dst(%arg11 : memref<128xi32, #tpu.memory_space<vmem>>)
      %dma_start3A_147 = arith.constant 0 : i32
      %dma_start3A_148 = arith.constant 0 : i32
      %dma_start3A_149 = tpu.memref_slice %arg12[%dma_start3A_147, %dma_start3A_148] : memref<10112x128xf32, #tpu.memory_space<vmem_shared>> -> memref<10112x128xf32, #tpu.memory_space<vmem_shared>>
      tpu.enqueue_indirect_dma source(%arg9 : memref<128x128xf32, #tpu.memory_space<vmem>>) target(%dma_start3A_149 : memref<10112x128xf32, #tpu.memory_space<vmem_shared>>) offsets(%arg11 : memref<128xi32, #tpu.memory_space<vmem>>) semaphore(%arg16 : memref<!tpu.dma_semaphore, #tpu.memory_space<semaphore_mem>>) {add = true}
      %dma_wait3A_150 = arith.constant 0 : i32
      %dma_wait3A_151 = arith.constant 0 : i32
      %dma_wait3A_152 = tpu.memref_slice %arg12[%dma_wait3A_150, %dma_wait3A_151] : memref<10112x128xf32, #tpu.memory_space<vmem_shared>> -> memref<10112x128xf32, #tpu.memory_space<vmem_shared>>
      tpu.wait_indirect_dma semaphore(%arg16 : memref<!tpu.dma_semaphore, #tpu.memory_space<semaphore_mem>>) src(%arg9 : memref<128x128xf32, #tpu.memory_space<vmem>>) dst(%dma_wait3A_152 : memref<10112x128xf32, #tpu.memory_space<vmem_shared>>)
      %add3A_153 = arith.constant 2 : i32
      %add3A_154 = arith.addi %add3A_132, %add3A_153 : i32
      %dma_start3A_155 = arith.constant 0 : i32
      %dma_start3A_156 = tpu.memref_slice %arg7[%add3A_154, %dma_start3A_155] : memref<80x128xi32, #tpu.memory_space<vmem>> -> memref<1x128xi32, #tpu.memory_space<vmem>>
      %dma_start3A_157 = tpu.memref_squeeze %dma_start3A_156 : memref<1x128xi32, #tpu.memory_space<vmem>> -> memref<128xi32, #tpu.memory_space<vmem>>
      %dma_start3A_158 = arith.constant 0 : i32
      %dma_start3A_159 = arith.constant 0 : i32
      %dma_start3A_160 = tpu.memref_slice %arg2[%dma_start3A_158, %dma_start3A_159] : memref<20000x128xf32, #tpu.memory_space<hbm>> -> memref<20000x128xf32, #tpu.memory_space<hbm>>
      tpu.enqueue_indirect_dma source(%dma_start3A_160 : memref<20000x128xf32, #tpu.memory_space<hbm>>) target(%arg9 : memref<128x128xf32, #tpu.memory_space<vmem>>) offsets(%dma_start3A_157 : memref<128xi32, #tpu.memory_space<vmem>>) semaphore(%arg14 : memref<!tpu.dma_semaphore, #tpu.memory_space<semaphore_mem>>)
      %add3A_161 = arith.constant 2 : i32
      %add3A_162 = arith.addi %add3A_132, %add3A_161 : i32
      %dma_start3A_163 = arith.constant 0 : i32
      %dma_start3A_164 = tpu.memref_slice %arg4[%arg1, %add3A_162, %dma_start3A_163] : memref<16x80x128xi32, #tpu.memory_space<hbm>> -> memref<1x1x128xi32, #tpu.memory_space<hbm>>
      %dma_start3A_165 = tpu.memref_squeeze %dma_start3A_164 : memref<1x1x128xi32, #tpu.memory_space<hbm>> -> memref<128xi32, #tpu.memory_space<hbm>>
      %dma_start3A_166 = arith.constant 0 : i32
      %dma_start3A_167 = tpu.memref_slice %arg4[%arg1, %add3A_162, %dma_start3A_166] : memref<16x80x128xi32, #tpu.memory_space<hbm>> -> memref<1x1x128xi32, #tpu.memory_space<hbm>>
      %dma_start3A_168 = tpu.memref_squeeze %dma_start3A_167 : memref<1x1x128xi32, #tpu.memory_space<hbm>> -> memref<128xi32, #tpu.memory_space<hbm>>
      tpu.enqueue_dma source(%dma_start3A_168 : memref<128xi32, #tpu.memory_space<hbm>>) target(%arg11 : memref<128xi32, #tpu.memory_space<vmem>>) target_semaphore(%arg18 : memref<!tpu.dma_semaphore, #tpu.memory_space<semaphore_mem>>)
    }
    %scan3A_41 = arith.constant 39 : i32
    %dma_wait3A = arith.constant 0 : i32
    %dma_wait3A_42 = arith.constant 0 : i32
    %dma_wait3A_43 = tpu.memref_slice %arg7[%dma_wait3A, %dma_wait3A_42] : memref<80x128xi32, #tpu.memory_space<vmem>> -> memref<1x128xi32, #tpu.memory_space<vmem>>
    %dma_wait3A_44 = tpu.memref_squeeze %dma_wait3A_43 : memref<1x128xi32, #tpu.memory_space<vmem>> -> memref<128xi32, #tpu.memory_space<vmem>>
    %dma_wait3A_45 = arith.constant 0 : i32
    %dma_wait3A_46 = arith.constant 0 : i32
    %dma_wait3A_47 = tpu.memref_slice %arg2[%dma_wait3A_45, %dma_wait3A_46] : memref<20000x128xf32, #tpu.memory_space<hbm>> -> memref<20000x128xf32, #tpu.memory_space<hbm>>
    tpu.wait_indirect_dma semaphore(%arg13 : memref<!tpu.dma_semaphore, #tpu.memory_space<semaphore_mem>>) src(%dma_wait3A_47 : memref<20000x128xf32, #tpu.memory_space<hbm>>) dst(%arg8 : memref<128x128xf32, #tpu.memory_space<vmem>>)
    %dma_wait3A_48 = arith.constant 0 : i32
    %dma_wait3A_49 = arith.constant 0 : i32
    %dma_wait3A_50 = tpu.memref_slice %arg4[%arg1, %dma_wait3A_48, %dma_wait3A_49] : memref<16x80x128xi32, #tpu.memory_space<hbm>> -> memref<1x1x128xi32, #tpu.memory_space<hbm>>
    %dma_wait3A_51 = tpu.memref_squeeze %dma_wait3A_50 : memref<1x1x128xi32, #tpu.memory_space<hbm>> -> memref<128xi32, #tpu.memory_space<hbm>>
    %dma_wait3A_52 = arith.constant 0 : i32
    %dma_wait3A_53 = tpu.memref_slice %arg4[%arg1, %dma_wait3A_48, %dma_wait3A_52] : memref<16x80x128xi32, #tpu.memory_space<hbm>> -> memref<1x1x128xi32, #tpu.memory_space<hbm>>
    %dma_wait3A_54 = tpu.memref_squeeze %dma_wait3A_53 : memref<1x1x128xi32, #tpu.memory_space<hbm>> -> memref<128xi32, #tpu.memory_space<hbm>>
    tpu.wait_dma2 semaphore(%arg17 : memref<!tpu.dma_semaphore, #tpu.memory_space<semaphore_mem>>) src(%dma_wait3A_54 : memref<128xi32, #tpu.memory_space<hbm>>) dst(%arg10 : memref<128xi32, #tpu.memory_space<vmem>>)
    %dma_start3A_55 = arith.constant 0 : i32
    %dma_start3A_56 = arith.constant 0 : i32
    %dma_start3A_57 = tpu.memref_slice %arg12[%dma_start3A_55, %dma_start3A_56] : memref<10112x128xf32, #tpu.memory_space<vmem_shared>> -> memref<10112x128xf32, #tpu.memory_space<vmem_shared>>
    tpu.enqueue_indirect_dma source(%arg8 : memref<128x128xf32, #tpu.memory_space<vmem>>) target(%dma_start3A_57 : memref<10112x128xf32, #tpu.memory_space<vmem_shared>>) offsets(%arg10 : memref<128xi32, #tpu.memory_space<vmem>>) semaphore(%arg15 : memref<!tpu.dma_semaphore, #tpu.memory_space<semaphore_mem>>) {add = true}
    %dma_wait3A_58 = arith.constant 0 : i32
    %dma_wait3A_59 = arith.constant 0 : i32
    %dma_wait3A_60 = tpu.memref_slice %arg12[%dma_wait3A_58, %dma_wait3A_59] : memref<10112x128xf32, #tpu.memory_space<vmem_shared>> -> memref<10112x128xf32, #tpu.memory_space<vmem_shared>>
    tpu.wait_indirect_dma semaphore(%arg15 : memref<!tpu.dma_semaphore, #tpu.memory_space<semaphore_mem>>) src(%arg8 : memref<128x128xf32, #tpu.memory_space<vmem>>) dst(%dma_wait3A_60 : memref<10112x128xf32, #tpu.memory_space<vmem_shared>>)
    %dma_wait3A_61 = arith.constant 1 : i32
    %dma_wait3A_62 = arith.constant 0 : i32
    %dma_wait3A_63 = tpu.memref_slice %arg7[%dma_wait3A_61, %dma_wait3A_62] : memref<80x128xi32, #tpu.memory_space<vmem>> -> memref<1x128xi32, #tpu.memory_space<vmem>>
    %dma_wait3A_64 = tpu.memref_squeeze %dma_wait3A_63 : memref<1x128xi32, #tpu.memory_space<vmem>> -> memref<128xi32, #tpu.memory_space<vmem>>
    %dma_wait3A_65 = arith.constant 0 : i32
    %dma_wait3A_66 = arith.constant 0 : i32
    %dma_wait3A_67 = tpu.memref_slice %arg2[%dma_wait3A_65, %dma_wait3A_66] : memref<20000x128xf32, #tpu.memory_space<hbm>> -> memref<20000x128xf32, #tpu.memory_space<hbm>>
    tpu.wait_indirect_dma semaphore(%arg14 : memref<!tpu.dma_semaphore, #tpu.memory_space<semaphore_mem>>) src(%dma_wait3A_67 : memref<20000x128xf32, #tpu.memory_space<hbm>>) dst(%arg9 : memref<128x128xf32, #tpu.memory_space<vmem>>)
    %dma_wait3A_68 = arith.constant 1 : i32
    %dma_wait3A_69 = arith.constant 0 : i32
    %dma_wait3A_70 = tpu.memref_slice %arg4[%arg1, %dma_wait3A_68, %dma_wait3A_69] : memref<16x80x128xi32, #tpu.memory_space<hbm>> -> memref<1x1x128xi32, #tpu.memory_space<hbm>>
    %dma_wait3A_71 = tpu.memref_squeeze %dma_wait3A_70 : memref<1x1x128xi32, #tpu.memory_space<hbm>> -> memref<128xi32, #tpu.memory_space<hbm>>
    %dma_wait3A_72 = arith.constant 0 : i32
    %dma_wait3A_73 = tpu.memref_slice %arg4[%arg1, %dma_wait3A_68, %dma_wait3A_72] : memref<16x80x128xi32, #tpu.memory_space<hbm>> -> memref<1x1x128xi32, #tpu.memory_space<hbm>>
    %dma_wait3A_74 = tpu.memref_squeeze %dma_wait3A_73 : memref<1x1x128xi32, #tpu.memory_space<hbm>> -> memref<128xi32, #tpu.memory_space<hbm>>
    tpu.wait_dma2 semaphore(%arg18 : memref<!tpu.dma_semaphore, #tpu.memory_space<semaphore_mem>>) src(%dma_wait3A_74 : memref<128xi32, #tpu.memory_space<hbm>>) dst(%arg11 : memref<128xi32, #tpu.memory_space<vmem>>)
    %dma_start3A_75 = arith.constant 0 : i32
    %dma_start3A_76 = arith.constant 0 : i32
    %dma_start3A_77 = tpu.memref_slice %arg12[%dma_start3A_75, %dma_start3A_76] : memref<10112x128xf32, #tpu.memory_space<vmem_shared>> -> memref<10112x128xf32, #tpu.memory_space<vmem_shared>>
    tpu.enqueue_indirect_dma source(%arg9 : memref<128x128xf32, #tpu.memory_space<vmem>>) target(%dma_start3A_77 : memref<10112x128xf32, #tpu.memory_space<vmem_shared>>) offsets(%arg11 : memref<128xi32, #tpu.memory_space<vmem>>) semaphore(%arg16 : memref<!tpu.dma_semaphore, #tpu.memory_space<semaphore_mem>>) {add = true}
    %dma_wait3A_78 = arith.constant 0 : i32
    %dma_wait3A_79 = arith.constant 0 : i32
    %dma_wait3A_80 = tpu.memref_slice %arg12[%dma_wait3A_78, %dma_wait3A_79] : memref<10112x128xf32, #tpu.memory_space<vmem_shared>> -> memref<10112x128xf32, #tpu.memory_space<vmem_shared>>
    tpu.wait_indirect_dma semaphore(%arg16 : memref<!tpu.dma_semaphore, #tpu.memory_space<semaphore_mem>>) src(%arg9 : memref<128x128xf32, #tpu.memory_space<vmem>>) dst(%dma_wait3A_80 : memref<10112x128xf32, #tpu.memory_space<vmem_shared>>)
    %barrier3A_81 = arith.constant 0 : index
    tpu.barrier barrier_id(%barrier3A_81)
    %mul3A_82 = arith.constant 624 : i32
    %mul3A_83 = arith.muli %arg1, %mul3A_82 : i32
    %mul3A_84 = arith.constant 624 : i32
    %mul3A_85 = arith.muli %arg1, %mul3A_84 : i32
    "tpu.region"() ({
      %run_scoped3A = tpu.sem_alloc : memref<!tpu.dma_semaphore, #tpu.memory_space<semaphore_mem>>
      %dma_start3A_88 = arith.constant 0 : i32
      %dma_start3A_89 = tpu.memref_slice %arg6[%arg0, %mul3A_85, %dma_start3A_88] : memref<2x10000x128xf32, #tpu.memory_space<hbm>> -> memref<1x624x128xf32, #tpu.memory_space<hbm>>
      %dma_start3A_90 = tpu.memref_squeeze %dma_start3A_89 : memref<1x624x128xf32, #tpu.memory_space<hbm>> -> memref<624x128xf32, #tpu.memory_space<hbm>>
      %dma_start3A_91 = arith.constant 0 : i32
      %dma_start3A_92 = tpu.memref_slice %arg12[%mul3A_83, %dma_start3A_91] : memref<10112x128xf32, #tpu.memory_space<vmem_shared>> -> memref<624x128xf32, #tpu.memory_space<vmem_shared>>
      tpu.enqueue_dma source(%dma_start3A_92 : memref<624x128xf32, #tpu.memory_space<vmem_shared>>) target(%dma_start3A_90 : memref<624x128xf32, #tpu.memory_space<hbm>>) target_semaphore(%run_scoped3A : memref<!tpu.dma_semaphore, #tpu.memory_space<semaphore_mem>>)
      %dma_wait3A_93 = arith.constant 0 : i32
      %dma_wait3A_94 = tpu.memref_slice %arg6[%arg0, %mul3A_85, %dma_wait3A_93] : memref<2x10000x128xf32, #tpu.memory_space<hbm>> -> memref<1x624x128xf32, #tpu.memory_space<hbm>>
      %dma_wait3A_95 = tpu.memref_squeeze %dma_wait3A_94 : memref<1x624x128xf32, #tpu.memory_space<hbm>> -> memref<624x128xf32, #tpu.memory_space<hbm>>
      %dma_wait3A_96 = arith.constant 0 : i32
      %dma_wait3A_97 = tpu.memref_slice %arg12[%mul3A_83, %dma_wait3A_96] : memref<10112x128xf32, #tpu.memory_space<vmem_shared>> -> memref<624x128xf32, #tpu.memory_space<vmem_shared>>
      tpu.wait_dma2 semaphore(%run_scoped3A : memref<!tpu.dma_semaphore, #tpu.memory_space<semaphore_mem>>) src(%dma_wait3A_97 : memref<624x128xf32, #tpu.memory_space<vmem_shared>>) dst(%dma_wait3A_95 : memref<624x128xf32, #tpu.memory_space<hbm>>)
      tpu.yield
    }) : () -> ()
    %eq3A = arith.constant 15 : i32
    %eq3A_86 = arith.cmpi eq, %arg1, %eq3A : i32
    %convert_element_type3A = arith.extui %eq3A_86 : i1 to i32
    %cond3A = arith.constant 0 : i32
    %cond3A_87 = arith.cmpi ne, %convert_element_type3A, %cond3A : i32
    scf.if %cond3A_87 {
      "tpu.region"() ({
        %run_scoped3A = tpu.sem_alloc : memref<!tpu.dma_semaphore, #tpu.memory_space<semaphore_mem>>
        %dma_start3A_88 = arith.constant 9984 : i32
        %dma_start3A_89 = arith.constant 0 : i32
        %dma_start3A_90 = tpu.memref_slice %arg6[%arg0, %dma_start3A_88, %dma_start3A_89] : memref<2x10000x128xf32, #tpu.memory_space<hbm>> -> memref<1x16x128xf32, #tpu.memory_space<hbm>>
        %dma_start3A_91 = tpu.memref_squeeze %dma_start3A_90 : memref<1x16x128xf32, #tpu.memory_space<hbm>> -> memref<16x128xf32, #tpu.memory_space<hbm>>
        %dma_start3A_92 = arith.constant 9984 : i32
        %dma_start3A_93 = arith.constant 0 : i32
        %dma_start3A_94 = tpu.memref_slice %arg12[%dma_start3A_92, %dma_start3A_93] : memref<10112x128xf32, #tpu.memory_space<vmem_shared>> -> memref<16x128xf32, #tpu.memory_space<vmem_shared>>
        tpu.enqueue_dma source(%dma_start3A_94 : memref<16x128xf32, #tpu.memory_space<vmem_shared>>) target(%dma_start3A_91 : memref<16x128xf32, #tpu.memory_space<hbm>>) target_semaphore(%run_scoped3A : memref<!tpu.dma_semaphore, #tpu.memory_space<semaphore_mem>>)
        %dma_wait3A_95 = arith.constant 9984 : i32
        %dma_wait3A_96 = arith.constant 0 : i32
        %dma_wait3A_97 = tpu.memref_slice %arg6[%arg0, %dma_wait3A_95, %dma_wait3A_96] : memref<2x10000x128xf32, #tpu.memory_space<hbm>> -> memref<1x16x128xf32, #tpu.memory_space<hbm>>
        %dma_wait3A_98 = tpu.memref_squeeze %dma_wait3A_97 : memref<1x16x128xf32, #tpu.memory_space<hbm>> -> memref<16x128xf32, #tpu.memory_space<hbm>>
        %dma_wait3A_99 = arith.constant 9984 : i32
        %dma_wait3A_100 = arith.constant 0 : i32
        %dma_wait3A_101 = tpu.memref_slice %arg12[%dma_wait3A_99, %dma_wait3A_100] : memref<10112x128xf32, #tpu.memory_space<vmem_shared>> -> memref<16x128xf32, #tpu.memory_space<vmem_shared>>
        tpu.wait_dma2 semaphore(%run_scoped3A : memref<!tpu.dma_semaphore, #tpu.memory_space<semaphore_mem>>) src(%dma_wait3A_101 : memref<16x128xf32, #tpu.memory_space<vmem_shared>>) dst(%dma_wait3A_98 : memref<16x128xf32, #tpu.memory_space<hbm>>)
        tpu.yield
      }) : () -> ()
    } else {
    }
    return
  }
}

#map = affine_map<(d0, d1) -> (0, 0)>
#map1 = affine_map<(d0, d1) -> (0, 0, 0, 0)>
#map2 = affine_map<(d0, d1) -> (0, 0, 0)>
module attributes {stable_mosaic.version = 14 : i64} {
  func.func @_sc_body(%arg0: i32, %arg1: i32, %arg2: memref<20000x128xf32, #tpu.memory_space<hbm>>, %arg3: memref<2x16x80x128xi32, #tpu.memory_space<hbm>>, %arg4: memref<16x80x128xi32, #tpu.memory_space<hbm>>, %arg5: memref<128x128xf32, #tpu.memory_space<hbm>>, %arg6: memref<2x10000x128xf32, #tpu.memory_space<hbm>>, %arg7: memref<80x128xi32, #tpu.memory_space<vmem>>, %arg8: memref<128x128xf32, #tpu.memory_space<vmem>>, %arg9: memref<128x128xf32, #tpu.memory_space<vmem>>, %arg10: memref<128xi32, #tpu.memory_space<vmem>>, %arg11: memref<128xi32, #tpu.memory_space<vmem>>, %arg12: memref<10112x128xf32, #tpu.memory_space<vmem_shared>>, %arg13: memref<!tpu.dma_semaphore, #tpu.memory_space<semaphore_mem>>, %arg14: memref<!tpu.dma_semaphore, #tpu.memory_space<semaphore_mem>>, %arg15: memref<!tpu.dma_semaphore, #tpu.memory_space<semaphore_mem>>, %arg16: memref<!tpu.dma_semaphore, #tpu.memory_space<semaphore_mem>>, %arg17: memref<!tpu.dma_semaphore, #tpu.memory_space<semaphore_mem>>, %arg18: memref<!tpu.dma_semaphore, #tpu.memory_space<semaphore_mem>>) attributes {dimension_semantics = [#tpu.dimension_semantics<core_parallel>, #tpu.dimension_semantics<subcore_parallel>], iteration_bounds = array<i64: 2, 16>, scalar_prefetch = 0 : i64, scratch_operands = 12 : i64, tpu.core_type = #tpu.core_type<sc_vector_subcore>, window_params = [{transform_indices = #map}, {transform_indices = #map1}, {transform_indices = #map2}, {transform_indices = #map}, {transform_indices = #map2}]} {
    "tpu.region"() ({
      %run_scoped3A = tpu.sem_alloc : memref<!tpu.dma_semaphore, #tpu.memory_space<semaphore_mem>>
      tpu.enqueue_dma source(%arg5 : memref<128x128xf32, #tpu.memory_space<hbm>>) target(%arg8 : memref<128x128xf32, #tpu.memory_space<vmem>>) target_semaphore(%run_scoped3A : memref<!tpu.dma_semaphore, #tpu.memory_space<semaphore_mem>>)
      tpu.wait_dma2 semaphore(%run_scoped3A : memref<!tpu.dma_semaphore, #tpu.memory_space<semaphore_mem>>) src(%arg5 : memref<128x128xf32, #tpu.memory_space<hbm>>) dst(%arg8 : memref<128x128xf32, #tpu.memory_space<vmem>>)
      tpu.yield
    }) : () -> ()
    %mul3A = arith.constant 632 : i32
    %mul3A_0 = arith.muli %arg1, %mul3A : i32
    %add3A = arith.constant 0 : i32
    %add3A_1 = arith.addi %mul3A_0, %add3A : i32
    "tpu.region"() ({
      %run_scoped3A = tpu.sem_alloc : memref<!tpu.dma_semaphore, #tpu.memory_space<semaphore_mem>>
      %dma_start3A_88 = arith.constant 0 : i32
      %dma_start3A_89 = tpu.memref_slice %arg12[%add3A_1, %dma_start3A_88] : memref<10112x128xf32, #tpu.memory_space<vmem_shared>> -> memref<128x128xf32, #tpu.memory_space<vmem_shared>>
      %dma_start3A_90 = arith.constant 0 : i32
      %dma_start3A_91 = tpu.memref_slice %arg12[%add3A_1, %dma_start3A_90] : memref<10112x128xf32, #tpu.memory_space<vmem_shared>> -> memref<128x128xf32, #tpu.memory_space<vmem_shared>>
      tpu.enqueue_dma source(%arg8 : memref<128x128xf32, #tpu.memory_space<vmem>>) target(%dma_start3A_91 : memref<128x128xf32, #tpu.memory_space<vmem_shared>>) target_semaphore(%run_scoped3A : memref<!tpu.dma_semaphore, #tpu.memory_space<semaphore_mem>>)
      %dma_wait3A_92 = arith.constant 0 : i32
      %dma_wait3A_93 = tpu.memref_slice %arg12[%add3A_1, %dma_wait3A_92] : memref<10112x128xf32, #tpu.memory_space<vmem_shared>> -> memref<128x128xf32, #tpu.memory_space<vmem_shared>>
      %dma_wait3A_94 = arith.constant 0 : i32
      %dma_wait3A_95 = tpu.memref_slice %arg12[%add3A_1, %dma_wait3A_94] : memref<10112x128xf32, #tpu.memory_space<vmem_shared>> -> memref<128x128xf32, #tpu.memory_space<vmem_shared>>
      tpu.wait_dma2 semaphore(%run_scoped3A : memref<!tpu.dma_semaphore, #tpu.memory_space<semaphore_mem>>) src(%arg8 : memref<128x128xf32, #tpu.memory_space<vmem>>) dst(%dma_wait3A_95 : memref<128x128xf32, #tpu.memory_space<vmem_shared>>)
      tpu.yield
    }) : () -> ()
    %add3A_2 = arith.constant 128 : i32
    %add3A_3 = arith.addi %mul3A_0, %add3A_2 : i32
    "tpu.region"() ({
      %run_scoped3A = tpu.sem_alloc : memref<!tpu.dma_semaphore, #tpu.memory_space<semaphore_mem>>
      %dma_start3A_88 = arith.constant 0 : i32
      %dma_start3A_89 = tpu.memref_slice %arg12[%add3A_3, %dma_start3A_88] : memref<10112x128xf32, #tpu.memory_space<vmem_shared>> -> memref<128x128xf32, #tpu.memory_space<vmem_shared>>
      %dma_start3A_90 = arith.constant 0 : i32
      %dma_start3A_91 = tpu.memref_slice %arg12[%add3A_3, %dma_start3A_90] : memref<10112x128xf32, #tpu.memory_space<vmem_shared>> -> memref<128x128xf32, #tpu.memory_space<vmem_shared>>
      tpu.enqueue_dma source(%arg8 : memref<128x128xf32, #tpu.memory_space<vmem>>) target(%dma_start3A_91 : memref<128x128xf32, #tpu.memory_space<vmem_shared>>) target_semaphore(%run_scoped3A : memref<!tpu.dma_semaphore, #tpu.memory_space<semaphore_mem>>)
      %dma_wait3A_92 = arith.constant 0 : i32
      %dma_wait3A_93 = tpu.memref_slice %arg12[%add3A_3, %dma_wait3A_92] : memref<10112x128xf32, #tpu.memory_space<vmem_shared>> -> memref<128x128xf32, #tpu.memory_space<vmem_shared>>
      %dma_wait3A_94 = arith.constant 0 : i32
      %dma_wait3A_95 = tpu.memref_slice %arg12[%add3A_3, %dma_wait3A_94] : memref<10112x128xf32, #tpu.memory_space<vmem_shared>> -> memref<128x128xf32, #tpu.memory_space<vmem_shared>>
      tpu.wait_dma2 semaphore(%run_scoped3A : memref<!tpu.dma_semaphore, #tpu.memory_space<semaphore_mem>>) src(%arg8 : memref<128x128xf32, #tpu.memory_space<vmem>>) dst(%dma_wait3A_95 : memref<128x128xf32, #tpu.memory_space<vmem_shared>>)
      tpu.yield
    }) : () -> ()
    %add3A_4 = arith.constant 256 : i32
    %add3A_5 = arith.addi %mul3A_0, %add3A_4 : i32
    "tpu.region"() ({
      %run_scoped3A = tpu.sem_alloc : memref<!tpu.dma_semaphore, #tpu.memory_space<semaphore_mem>>
      %dma_start3A_88 = arith.constant 0 : i32
      %dma_start3A_89 = tpu.memref_slice %arg12[%add3A_5, %dma_start3A_88] : memref<10112x128xf32, #tpu.memory_space<vmem_shared>> -> memref<128x128xf32, #tpu.memory_space<vmem_shared>>
      %dma_start3A_90 = arith.constant 0 : i32
      %dma_start3A_91 = tpu.memref_slice %arg12[%add3A_5, %dma_start3A_90] : memref<10112x128xf32, #tpu.memory_space<vmem_shared>> -> memref<128x128xf32, #tpu.memory_space<vmem_shared>>
      tpu.enqueue_dma source(%arg8 : memref<128x128xf32, #tpu.memory_space<vmem>>) target(%dma_start3A_91 : memref<128x128xf32, #tpu.memory_space<vmem_shared>>) target_semaphore(%run_scoped3A : memref<!tpu.dma_semaphore, #tpu.memory_space<semaphore_mem>>)
      %dma_wait3A_92 = arith.constant 0 : i32
      %dma_wait3A_93 = tpu.memref_slice %arg12[%add3A_5, %dma_wait3A_92] : memref<10112x128xf32, #tpu.memory_space<vmem_shared>> -> memref<128x128xf32, #tpu.memory_space<vmem_shared>>
      %dma_wait3A_94 = arith.constant 0 : i32
      %dma_wait3A_95 = tpu.memref_slice %arg12[%add3A_5, %dma_wait3A_94] : memref<10112x128xf32, #tpu.memory_space<vmem_shared>> -> memref<128x128xf32, #tpu.memory_space<vmem_shared>>
      tpu.wait_dma2 semaphore(%run_scoped3A : memref<!tpu.dma_semaphore, #tpu.memory_space<semaphore_mem>>) src(%arg8 : memref<128x128xf32, #tpu.memory_space<vmem>>) dst(%dma_wait3A_95 : memref<128x128xf32, #tpu.memory_space<vmem_shared>>)
      tpu.yield
    }) : () -> ()
    %add3A_6 = arith.constant 384 : i32
    %add3A_7 = arith.addi %mul3A_0, %add3A_6 : i32
    "tpu.region"() ({
      %run_scoped3A = tpu.sem_alloc : memref<!tpu.dma_semaphore, #tpu.memory_space<semaphore_mem>>
      %dma_start3A_88 = arith.constant 0 : i32
      %dma_start3A_89 = tpu.memref_slice %arg12[%add3A_7, %dma_start3A_88] : memref<10112x128xf32, #tpu.memory_space<vmem_shared>> -> memref<128x128xf32, #tpu.memory_space<vmem_shared>>
      %dma_start3A_90 = arith.constant 0 : i32
      %dma_start3A_91 = tpu.memref_slice %arg12[%add3A_7, %dma_start3A_90] : memref<10112x128xf32, #tpu.memory_space<vmem_shared>> -> memref<128x128xf32, #tpu.memory_space<vmem_shared>>
      tpu.enqueue_dma source(%arg8 : memref<128x128xf32, #tpu.memory_space<vmem>>) target(%dma_start3A_91 : memref<128x128xf32, #tpu.memory_space<vmem_shared>>) target_semaphore(%run_scoped3A : memref<!tpu.dma_semaphore, #tpu.memory_space<semaphore_mem>>)
      %dma_wait3A_92 = arith.constant 0 : i32
      %dma_wait3A_93 = tpu.memref_slice %arg12[%add3A_7, %dma_wait3A_92] : memref<10112x128xf32, #tpu.memory_space<vmem_shared>> -> memref<128x128xf32, #tpu.memory_space<vmem_shared>>
      %dma_wait3A_94 = arith.constant 0 : i32
      %dma_wait3A_95 = tpu.memref_slice %arg12[%add3A_7, %dma_wait3A_94] : memref<10112x128xf32, #tpu.memory_space<vmem_shared>> -> memref<128x128xf32, #tpu.memory_space<vmem_shared>>
      tpu.wait_dma2 semaphore(%run_scoped3A : memref<!tpu.dma_semaphore, #tpu.memory_space<semaphore_mem>>) src(%arg8 : memref<128x128xf32, #tpu.memory_space<vmem>>) dst(%dma_wait3A_95 : memref<128x128xf32, #tpu.memory_space<vmem_shared>>)
      tpu.yield
    }) : () -> ()
    %add3A_8 = arith.constant 512 : i32
    %add3A_9 = arith.addi %mul3A_0, %add3A_8 : i32
    "tpu.region"() ({
      %run_scoped3A = tpu.sem_alloc : memref<!tpu.dma_semaphore, #tpu.memory_space<semaphore_mem>>
      %dma_start3A_88 = arith.constant 0 : i32
      %dma_start3A_89 = arith.constant 0 : i32
      %dma_start3A_90 = tpu.memref_slice %arg8[%dma_start3A_88, %dma_start3A_89] : memref<128x128xf32, #tpu.memory_space<vmem>> -> memref<120x128xf32, #tpu.memory_space<vmem>>
      %dma_start3A_91 = arith.constant 0 : i32
      %dma_start3A_92 = tpu.memref_slice %arg12[%add3A_9, %dma_start3A_91] : memref<10112x128xf32, #tpu.memory_space<vmem_shared>> -> memref<120x128xf32, #tpu.memory_space<vmem_shared>>
      %dma_start3A_93 = arith.constant 0 : i32
      %dma_start3A_94 = tpu.memref_slice %arg12[%add3A_9, %dma_start3A_93] : memref<10112x128xf32, #tpu.memory_space<vmem_shared>> -> memref<120x128xf32, #tpu.memory_space<vmem_shared>>
      %dma_start3A_95 = arith.constant 0 : i32
      %dma_start3A_96 = arith.constant 0 : i32
      %dma_start3A_97 = tpu.memref_slice %arg8[%dma_start3A_95, %dma_start3A_96] : memref<128x128xf32, #tpu.memory_space<vmem>> -> memref<120x128xf32, #tpu.memory_space<vmem>>
      tpu.enqueue_dma source(%dma_start3A_97 : memref<120x128xf32, #tpu.memory_space<vmem>>) target(%dma_start3A_94 : memref<120x128xf32, #tpu.memory_space<vmem_shared>>) target_semaphore(%run_scoped3A : memref<!tpu.dma_semaphore, #tpu.memory_space<semaphore_mem>>)
      %dma_wait3A_98 = arith.constant 0 : i32
      %dma_wait3A_99 = arith.constant 0 : i32
      %dma_wait3A_100 = tpu.memref_slice %arg8[%dma_wait3A_98, %dma_wait3A_99] : memref<128x128xf32, #tpu.memory_space<vmem>> -> memref<120x128xf32, #tpu.memory_space<vmem>>
      %dma_wait3A_101 = arith.constant 0 : i32
      %dma_wait3A_102 = tpu.memref_slice %arg12[%add3A_9, %dma_wait3A_101] : memref<10112x128xf32, #tpu.memory_space<vmem_shared>> -> memref<120x128xf32, #tpu.memory_space<vmem_shared>>
      %dma_wait3A_103 = arith.constant 0 : i32
      %dma_wait3A_104 = tpu.memref_slice %arg12[%add3A_9, %dma_wait3A_103] : memref<10112x128xf32, #tpu.memory_space<vmem_shared>> -> memref<120x128xf32, #tpu.memory_space<vmem_shared>>
      %dma_wait3A_105 = arith.constant 0 : i32
      %dma_wait3A_106 = arith.constant 0 : i32
      %dma_wait3A_107 = tpu.memref_slice %arg8[%dma_wait3A_105, %dma_wait3A_106] : memref<128x128xf32, #tpu.memory_space<vmem>> -> memref<120x128xf32, #tpu.memory_space<vmem>>
      tpu.wait_dma2 semaphore(%run_scoped3A : memref<!tpu.dma_semaphore, #tpu.memory_space<semaphore_mem>>) src(%dma_wait3A_107 : memref<120x128xf32, #tpu.memory_space<vmem>>) dst(%dma_wait3A_104 : memref<120x128xf32, #tpu.memory_space<vmem_shared>>)
      tpu.yield
    }) : () -> ()
    "tpu.region"() ({
      %run_scoped3A = tpu.sem_alloc : memref<!tpu.dma_semaphore, #tpu.memory_space<semaphore_mem>>
      %dma_start3A_88 = arith.constant 0 : i32
      %dma_start3A_89 = arith.constant 0 : i32
      %dma_start3A_90 = tpu.memref_slice %arg3[%arg0, %arg1, %dma_start3A_88, %dma_start3A_89] : memref<2x16x80x128xi32, #tpu.memory_space<hbm>> -> memref<1x1x80x128xi32, #tpu.memory_space<hbm>>
      %dma_start3A_91 = tpu.memref_squeeze %dma_start3A_90 : memref<1x1x80x128xi32, #tpu.memory_space<hbm>> -> memref<80x128xi32, #tpu.memory_space<hbm>>
      %dma_start3A_92 = arith.constant 0 : i32
      %dma_start3A_93 = arith.constant 0 : i32
      %dma_start3A_94 = tpu.memref_slice %arg3[%arg0, %arg1, %dma_start3A_92, %dma_start3A_93] : memref<2x16x80x128xi32, #tpu.memory_space<hbm>> -> memref<1x1x80x128xi32, #tpu.memory_space<hbm>>
      %dma_start3A_95 = tpu.memref_squeeze %dma_start3A_94 : memref<1x1x80x128xi32, #tpu.memory_space<hbm>> -> memref<80x128xi32, #tpu.memory_space<hbm>>
      tpu.enqueue_dma source(%dma_start3A_95 : memref<80x128xi32, #tpu.memory_space<hbm>>) target(%arg7 : memref<80x128xi32, #tpu.memory_space<vmem>>) target_semaphore(%run_scoped3A : memref<!tpu.dma_semaphore, #tpu.memory_space<semaphore_mem>>)
      %dma_wait3A_96 = arith.constant 0 : i32
      %dma_wait3A_97 = arith.constant 0 : i32
      %dma_wait3A_98 = tpu.memref_slice %arg3[%arg0, %arg1, %dma_wait3A_96, %dma_wait3A_97] : memref<2x16x80x128xi32, #tpu.memory_space<hbm>> -> memref<1x1x80x128xi32, #tpu.memory_space<hbm>>
      %dma_wait3A_99 = tpu.memref_squeeze %dma_wait3A_98 : memref<1x1x80x128xi32, #tpu.memory_space<hbm>> -> memref<80x128xi32, #tpu.memory_space<hbm>>
      %dma_wait3A_100 = arith.constant 0 : i32
      %dma_wait3A_101 = arith.constant 0 : i32
      %dma_wait3A_102 = tpu.memref_slice %arg3[%arg0, %arg1, %dma_wait3A_100, %dma_wait3A_101] : memref<2x16x80x128xi32, #tpu.memory_space<hbm>> -> memref<1x1x80x128xi32, #tpu.memory_space<hbm>>
      %dma_wait3A_103 = tpu.memref_squeeze %dma_wait3A_102 : memref<1x1x80x128xi32, #tpu.memory_space<hbm>> -> memref<80x128xi32, #tpu.memory_space<hbm>>
      tpu.wait_dma2 semaphore(%run_scoped3A : memref<!tpu.dma_semaphore, #tpu.memory_space<semaphore_mem>>) src(%dma_wait3A_103 : memref<80x128xi32, #tpu.memory_space<hbm>>) dst(%arg7 : memref<80x128xi32, #tpu.memory_space<vmem>>)
      tpu.yield
    }) : () -> ()
    %dma_start3A = arith.constant 0 : i32
    %dma_start3A_10 = arith.constant 0 : i32
    %dma_start3A_11 = tpu.memref_slice %arg7[%dma_start3A, %dma_start3A_10] : memref<80x128xi32, #tpu.memory_space<vmem>> -> memref<1x128xi32, #tpu.memory_space<vmem>>
    %dma_start3A_12 = tpu.memref_squeeze %dma_start3A_11 : memref<1x128xi32, #tpu.memory_space<vmem>> -> memref<128xi32, #tpu.memory_space<vmem>>
    %dma_start3A_13 = arith.constant 0 : i32
    %dma_start3A_14 = arith.constant 0 : i32
    %dma_start3A_15 = tpu.memref_slice %arg2[%dma_start3A_13, %dma_start3A_14] : memref<20000x128xf32, #tpu.memory_space<hbm>> -> memref<20000x128xf32, #tpu.memory_space<hbm>>
    tpu.enqueue_indirect_dma source(%dma_start3A_15 : memref<20000x128xf32, #tpu.memory_space<hbm>>) target(%arg8 : memref<128x128xf32, #tpu.memory_space<vmem>>) offsets(%dma_start3A_12 : memref<128xi32, #tpu.memory_space<vmem>>) semaphore(%arg13 : memref<!tpu.dma_semaphore, #tpu.memory_space<semaphore_mem>>)
    %dma_start3A_16 = arith.constant 0 : i32
    %dma_start3A_17 = arith.constant 0 : i32
    %dma_start3A_18 = tpu.memref_slice %arg4[%arg1, %dma_start3A_16, %dma_start3A_17] : memref<16x80x128xi32, #tpu.memory_space<hbm>> -> memref<1x1x128xi32, #tpu.memory_space<hbm>>
    %dma_start3A_19 = tpu.memref_squeeze %dma_start3A_18 : memref<1x1x128xi32, #tpu.memory_space<hbm>> -> memref<128xi32, #tpu.memory_space<hbm>>
    %dma_start3A_20 = arith.constant 0 : i32
    %dma_start3A_21 = tpu.memref_slice %arg4[%arg1, %dma_start3A_16, %dma_start3A_20] : memref<16x80x128xi32, #tpu.memory_space<hbm>> -> memref<1x1x128xi32, #tpu.memory_space<hbm>>
    %dma_start3A_22 = tpu.memref_squeeze %dma_start3A_21 : memref<1x1x128xi32, #tpu.memory_space<hbm>> -> memref<128xi32, #tpu.memory_space<hbm>>
    tpu.enqueue_dma source(%dma_start3A_22 : memref<128xi32, #tpu.memory_space<hbm>>) target(%arg10 : memref<128xi32, #tpu.memory_space<vmem>>) target_semaphore(%arg17 : memref<!tpu.dma_semaphore, #tpu.memory_space<semaphore_mem>>)
    %dma_start3A_23 = arith.constant 1 : i32
    %dma_start3A_24 = arith.constant 0 : i32
    %dma_start3A_25 = tpu.memref_slice %arg7[%dma_start3A_23, %dma_start3A_24] : memref<80x128xi32, #tpu.memory_space<vmem>> -> memref<1x128xi32, #tpu.memory_space<vmem>>
    %dma_start3A_26 = tpu.memref_squeeze %dma_start3A_25 : memref<1x128xi32, #tpu.memory_space<vmem>> -> memref<128xi32, #tpu.memory_space<vmem>>
    %dma_start3A_27 = arith.constant 0 : i32
    %dma_start3A_28 = arith.constant 0 : i32
    %dma_start3A_29 = tpu.memref_slice %arg2[%dma_start3A_27, %dma_start3A_28] : memref<20000x128xf32, #tpu.memory_space<hbm>> -> memref<20000x128xf32, #tpu.memory_space<hbm>>
    tpu.enqueue_indirect_dma source(%dma_start3A_29 : memref<20000x128xf32, #tpu.memory_space<hbm>>) target(%arg9 : memref<128x128xf32, #tpu.memory_space<vmem>>) offsets(%dma_start3A_26 : memref<128xi32, #tpu.memory_space<vmem>>) semaphore(%arg14 : memref<!tpu.dma_semaphore, #tpu.memory_space<semaphore_mem>>)
    %dma_start3A_30 = arith.constant 1 : i32
    %dma_start3A_31 = arith.constant 0 : i32
    %dma_start3A_32 = tpu.memref_slice %arg4[%arg1, %dma_start3A_30, %dma_start3A_31] : memref<16x80x128xi32, #tpu.memory_space<hbm>> -> memref<1x1x128xi32, #tpu.memory_space<hbm>>
    %dma_start3A_33 = tpu.memref_squeeze %dma_start3A_32 : memref<1x1x128xi32, #tpu.memory_space<hbm>> -> memref<128xi32, #tpu.memory_space<hbm>>
    %dma_start3A_34 = arith.constant 0 : i32
    %dma_start3A_35 = tpu.memref_slice %arg4[%arg1, %dma_start3A_30, %dma_start3A_34] : memref<16x80x128xi32, #tpu.memory_space<hbm>> -> memref<1x1x128xi32, #tpu.memory_space<hbm>>
    %dma_start3A_36 = tpu.memref_squeeze %dma_start3A_35 : memref<1x1x128xi32, #tpu.memory_space<hbm>> -> memref<128xi32, #tpu.memory_space<hbm>>
    tpu.enqueue_dma source(%dma_start3A_36 : memref<128xi32, #tpu.memory_space<hbm>>) target(%arg11 : memref<128xi32, #tpu.memory_space<vmem>>) target_semaphore(%arg18 : memref<!tpu.dma_semaphore, #tpu.memory_space<semaphore_mem>>)
    %barrier3A = arith.constant 0 : index
    tpu.barrier barrier_id(%barrier3A)
    %scan3A = arith.constant 0 : i32
    %scan3A_37 = arith.constant 0 : i32
    %scan3A_38 = arith.constant 39 : i32
    %scan3A_39 = arith.addi %scan3A_37, %scan3A_38 : i32
    %scan3A_40 = arith.constant 1 : i32
    scf.for %scan3A_88 = %scan3A_37 to %scan3A_39 step %scan3A_40  : i32 {
      %mul3A_89 = arith.constant 2 : i32
      %mul3A_90 = arith.muli %mul3A_89, %scan3A_88 : i32
      %add3A_91 = arith.constant 0 : i32
      %add3A_92 = arith.addi %mul3A_90, %add3A_91 : i32
      %dma_wait3A_93 = arith.constant 0 : i32
      %dma_wait3A_94 = arith.constant 0 : i32
      %dma_wait3A_95 = tpu.memref_slice %arg7[%dma_wait3A_93, %dma_wait3A_94] : memref<80x128xi32, #tpu.memory_space<vmem>> -> memref<1x128xi32, #tpu.memory_space<vmem>>
      %dma_wait3A_96 = tpu.memref_squeeze %dma_wait3A_95 : memref<1x128xi32, #tpu.memory_space<vmem>> -> memref<128xi32, #tpu.memory_space<vmem>>
      %dma_wait3A_97 = arith.constant 0 : i32
      %dma_wait3A_98 = arith.constant 0 : i32
      %dma_wait3A_99 = tpu.memref_slice %arg2[%dma_wait3A_97, %dma_wait3A_98] : memref<20000x128xf32, #tpu.memory_space<hbm>> -> memref<20000x128xf32, #tpu.memory_space<hbm>>
      tpu.wait_indirect_dma semaphore(%arg13 : memref<!tpu.dma_semaphore, #tpu.memory_space<semaphore_mem>>) src(%dma_wait3A_99 : memref<20000x128xf32, #tpu.memory_space<hbm>>) dst(%arg8 : memref<128x128xf32, #tpu.memory_space<vmem>>)
      %dma_wait3A_100 = arith.constant 0 : i32
      %dma_wait3A_101 = arith.constant 0 : i32
      %dma_wait3A_102 = tpu.memref_slice %arg4[%arg1, %dma_wait3A_100, %dma_wait3A_101] : memref<16x80x128xi32, #tpu.memory_space<hbm>> -> memref<1x1x128xi32, #tpu.memory_space<hbm>>
      %dma_wait3A_103 = tpu.memref_squeeze %dma_wait3A_102 : memref<1x1x128xi32, #tpu.memory_space<hbm>> -> memref<128xi32, #tpu.memory_space<hbm>>
      %dma_wait3A_104 = arith.constant 0 : i32
      %dma_wait3A_105 = tpu.memref_slice %arg4[%arg1, %dma_wait3A_100, %dma_wait3A_104] : memref<16x80x128xi32, #tpu.memory_space<hbm>> -> memref<1x1x128xi32, #tpu.memory_space<hbm>>
      %dma_wait3A_106 = tpu.memref_squeeze %dma_wait3A_105 : memref<1x1x128xi32, #tpu.memory_space<hbm>> -> memref<128xi32, #tpu.memory_space<hbm>>
      tpu.wait_dma2 semaphore(%arg17 : memref<!tpu.dma_semaphore, #tpu.memory_space<semaphore_mem>>) src(%dma_wait3A_106 : memref<128xi32, #tpu.memory_space<hbm>>) dst(%arg10 : memref<128xi32, #tpu.memory_space<vmem>>)
      %dma_start3A_107 = arith.constant 0 : i32
      %dma_start3A_108 = arith.constant 0 : i32
      %dma_start3A_109 = tpu.memref_slice %arg12[%dma_start3A_107, %dma_start3A_108] : memref<10112x128xf32, #tpu.memory_space<vmem_shared>> -> memref<10112x128xf32, #tpu.memory_space<vmem_shared>>
      tpu.enqueue_indirect_dma source(%arg8 : memref<128x128xf32, #tpu.memory_space<vmem>>) target(%dma_start3A_109 : memref<10112x128xf32, #tpu.memory_space<vmem_shared>>) offsets(%arg10 : memref<128xi32, #tpu.memory_space<vmem>>) semaphore(%arg15 : memref<!tpu.dma_semaphore, #tpu.memory_space<semaphore_mem>>) {add = true}
      %dma_wait3A_110 = arith.constant 0 : i32
      %dma_wait3A_111 = arith.constant 0 : i32
      %dma_wait3A_112 = tpu.memref_slice %arg12[%dma_wait3A_110, %dma_wait3A_111] : memref<10112x128xf32, #tpu.memory_space<vmem_shared>> -> memref<10112x128xf32, #tpu.memory_space<vmem_shared>>
      tpu.wait_indirect_dma semaphore(%arg15 : memref<!tpu.dma_semaphore, #tpu.memory_space<semaphore_mem>>) src(%arg8 : memref<128x128xf32, #tpu.memory_space<vmem>>) dst(%dma_wait3A_112 : memref<10112x128xf32, #tpu.memory_space<vmem_shared>>)
      %add3A_113 = arith.constant 2 : i32
      %add3A_114 = arith.addi %add3A_92, %add3A_113 : i32
      %dma_start3A_115 = arith.constant 0 : i32
      %dma_start3A_116 = tpu.memref_slice %arg7[%add3A_114, %dma_start3A_115] : memref<80x128xi32, #tpu.memory_space<vmem>> -> memref<1x128xi32, #tpu.memory_space<vmem>>
      %dma_start3A_117 = tpu.memref_squeeze %dma_start3A_116 : memref<1x128xi32, #tpu.memory_space<vmem>> -> memref<128xi32, #tpu.memory_space<vmem>>
      %dma_start3A_118 = arith.constant 0 : i32
      %dma_start3A_119 = arith.constant 0 : i32
      %dma_start3A_120 = tpu.memref_slice %arg2[%dma_start3A_118, %dma_start3A_119] : memref<20000x128xf32, #tpu.memory_space<hbm>> -> memref<20000x128xf32, #tpu.memory_space<hbm>>
      tpu.enqueue_indirect_dma source(%dma_start3A_120 : memref<20000x128xf32, #tpu.memory_space<hbm>>) target(%arg8 : memref<128x128xf32, #tpu.memory_space<vmem>>) offsets(%dma_start3A_117 : memref<128xi32, #tpu.memory_space<vmem>>) semaphore(%arg13 : memref<!tpu.dma_semaphore, #tpu.memory_space<semaphore_mem>>)
      %add3A_121 = arith.constant 2 : i32
      %add3A_122 = arith.addi %add3A_92, %add3A_121 : i32
      %dma_start3A_123 = arith.constant 0 : i32
      %dma_start3A_124 = tpu.memref_slice %arg4[%arg1, %add3A_122, %dma_start3A_123] : memref<16x80x128xi32, #tpu.memory_space<hbm>> -> memref<1x1x128xi32, #tpu.memory_space<hbm>>
      %dma_start3A_125 = tpu.memref_squeeze %dma_start3A_124 : memref<1x1x128xi32, #tpu.memory_space<hbm>> -> memref<128xi32, #tpu.memory_space<hbm>>
      %dma_start3A_126 = arith.constant 0 : i32
      %dma_start3A_127 = tpu.memref_slice %arg4[%arg1, %add3A_122, %dma_start3A_126] : memref<16x80x128xi32, #tpu.memory_space<hbm>> -> memref<1x1x128xi32, #tpu.memory_space<hbm>>
      %dma_start3A_128 = tpu.memref_squeeze %dma_start3A_127 : memref<1x1x128xi32, #tpu.memory_space<hbm>> -> memref<128xi32, #tpu.memory_space<hbm>>
      tpu.enqueue_dma source(%dma_start3A_128 : memref<128xi32, #tpu.memory_space<hbm>>) target(%arg10 : memref<128xi32, #tpu.memory_space<vmem>>) target_semaphore(%arg17 : memref<!tpu.dma_semaphore, #tpu.memory_space<semaphore_mem>>)
      %mul3A_129 = arith.constant 2 : i32
      %mul3A_130 = arith.muli %mul3A_129, %scan3A_88 : i32
      %add3A_131 = arith.constant 1 : i32
      %add3A_132 = arith.addi %mul3A_130, %add3A_131 : i32
      %dma_wait3A_133 = arith.constant 1 : i32
      %dma_wait3A_134 = arith.constant 0 : i32
      %dma_wait3A_135 = tpu.memref_slice %arg7[%dma_wait3A_133, %dma_wait3A_134] : memref<80x128xi32, #tpu.memory_space<vmem>> -> memref<1x128xi32, #tpu.memory_space<vmem>>
      %dma_wait3A_136 = tpu.memref_squeeze %dma_wait3A_135 : memref<1x128xi32, #tpu.memory_space<vmem>> -> memref<128xi32, #tpu.memory_space<vmem>>
      %dma_wait3A_137 = arith.constant 0 : i32
      %dma_wait3A_138 = arith.constant 0 : i32
      %dma_wait3A_139 = tpu.memref_slice %arg2[%dma_wait3A_137, %dma_wait3A_138] : memref<20000x128xf32, #tpu.memory_space<hbm>> -> memref<20000x128xf32, #tpu.memory_space<hbm>>
      tpu.wait_indirect_dma semaphore(%arg14 : memref<!tpu.dma_semaphore, #tpu.memory_space<semaphore_mem>>) src(%dma_wait3A_139 : memref<20000x128xf32, #tpu.memory_space<hbm>>) dst(%arg9 : memref<128x128xf32, #tpu.memory_space<vmem>>)
      %dma_wait3A_140 = arith.constant 1 : i32
      %dma_wait3A_141 = arith.constant 0 : i32
      %dma_wait3A_142 = tpu.memref_slice %arg4[%arg1, %dma_wait3A_140, %dma_wait3A_141] : memref<16x80x128xi32, #tpu.memory_space<hbm>> -> memref<1x1x128xi32, #tpu.memory_space<hbm>>
      %dma_wait3A_143 = tpu.memref_squeeze %dma_wait3A_142 : memref<1x1x128xi32, #tpu.memory_space<hbm>> -> memref<128xi32, #tpu.memory_space<hbm>>
      %dma_wait3A_144 = arith.constant 0 : i32
      %dma_wait3A_145 = tpu.memref_slice %arg4[%arg1, %dma_wait3A_140, %dma_wait3A_144] : memref<16x80x128xi32, #tpu.memory_space<hbm>> -> memref<1x1x128xi32, #tpu.memory_space<hbm>>
      %dma_wait3A_146 = tpu.memref_squeeze %dma_wait3A_145 : memref<1x1x128xi32, #tpu.memory_space<hbm>> -> memref<128xi32, #tpu.memory_space<hbm>>
      tpu.wait_dma2 semaphore(%arg18 : memref<!tpu.dma_semaphore, #tpu.memory_space<semaphore_mem>>) src(%dma_wait3A_146 : memref<128xi32, #tpu.memory_space<hbm>>) dst(%arg11 : memref<128xi32, #tpu.memory_space<vmem>>)
      %dma_start3A_147 = arith.constant 0 : i32
      %dma_start3A_148 = arith.constant 0 : i32
      %dma_start3A_149 = tpu.memref_slice %arg12[%dma_start3A_147, %dma_start3A_148] : memref<10112x128xf32, #tpu.memory_space<vmem_shared>> -> memref<10112x128xf32, #tpu.memory_space<vmem_shared>>
      tpu.enqueue_indirect_dma source(%arg9 : memref<128x128xf32, #tpu.memory_space<vmem>>) target(%dma_start3A_149 : memref<10112x128xf32, #tpu.memory_space<vmem_shared>>) offsets(%arg11 : memref<128xi32, #tpu.memory_space<vmem>>) semaphore(%arg16 : memref<!tpu.dma_semaphore, #tpu.memory_space<semaphore_mem>>) {add = true}
      %dma_wait3A_150 = arith.constant 0 : i32
      %dma_wait3A_151 = arith.constant 0 : i32
      %dma_wait3A_152 = tpu.memref_slice %arg12[%dma_wait3A_150, %dma_wait3A_151] : memref<10112x128xf32, #tpu.memory_space<vmem_shared>> -> memref<10112x128xf32, #tpu.memory_space<vmem_shared>>
      tpu.wait_indirect_dma semaphore(%arg16 : memref<!tpu.dma_semaphore, #tpu.memory_space<semaphore_mem>>) src(%arg9 : memref<128x128xf32, #tpu.memory_space<vmem>>) dst(%dma_wait3A_152 : memref<10112x128xf32, #tpu.memory_space<vmem_shared>>)
      %add3A_153 = arith.constant 2 : i32
      %add3A_154 = arith.addi %add3A_132, %add3A_153 : i32
      %dma_start3A_155 = arith.constant 0 : i32
      %dma_start3A_156 = tpu.memref_slice %arg7[%add3A_154, %dma_start3A_155] : memref<80x128xi32, #tpu.memory_space<vmem>> -> memref<1x128xi32, #tpu.memory_space<vmem>>
      %dma_start3A_157 = tpu.memref_squeeze %dma_start3A_156 : memref<1x128xi32, #tpu.memory_space<vmem>> -> memref<128xi32, #tpu.memory_space<vmem>>
      %dma_start3A_158 = arith.constant 0 : i32
      %dma_start3A_159 = arith.constant 0 : i32
      %dma_start3A_160 = tpu.memref_slice %arg2[%dma_start3A_158, %dma_start3A_159] : memref<20000x128xf32, #tpu.memory_space<hbm>> -> memref<20000x128xf32, #tpu.memory_space<hbm>>
      tpu.enqueue_indirect_dma source(%dma_start3A_160 : memref<20000x128xf32, #tpu.memory_space<hbm>>) target(%arg9 : memref<128x128xf32, #tpu.memory_space<vmem>>) offsets(%dma_start3A_157 : memref<128xi32, #tpu.memory_space<vmem>>) semaphore(%arg14 : memref<!tpu.dma_semaphore, #tpu.memory_space<semaphore_mem>>)
      %add3A_161 = arith.constant 2 : i32
      %add3A_162 = arith.addi %add3A_132, %add3A_161 : i32
      %dma_start3A_163 = arith.constant 0 : i32
      %dma_start3A_164 = tpu.memref_slice %arg4[%arg1, %add3A_162, %dma_start3A_163] : memref<16x80x128xi32, #tpu.memory_space<hbm>> -> memref<1x1x128xi32, #tpu.memory_space<hbm>>
      %dma_start3A_165 = tpu.memref_squeeze %dma_start3A_164 : memref<1x1x128xi32, #tpu.memory_space<hbm>> -> memref<128xi32, #tpu.memory_space<hbm>>
      %dma_start3A_166 = arith.constant 0 : i32
      %dma_start3A_167 = tpu.memref_slice %arg4[%arg1, %add3A_162, %dma_start3A_166] : memref<16x80x128xi32, #tpu.memory_space<hbm>> -> memref<1x1x128xi32, #tpu.memory_space<hbm>>
      %dma_start3A_168 = tpu.memref_squeeze %dma_start3A_167 : memref<1x1x128xi32, #tpu.memory_space<hbm>> -> memref<128xi32, #tpu.memory_space<hbm>>
      tpu.enqueue_dma source(%dma_start3A_168 : memref<128xi32, #tpu.memory_space<hbm>>) target(%arg11 : memref<128xi32, #tpu.memory_space<vmem>>) target_semaphore(%arg18 : memref<!tpu.dma_semaphore, #tpu.memory_space<semaphore_mem>>)
    }
    %scan3A_41 = arith.constant 39 : i32
    %dma_wait3A = arith.constant 0 : i32
    %dma_wait3A_42 = arith.constant 0 : i32
    %dma_wait3A_43 = tpu.memref_slice %arg7[%dma_wait3A, %dma_wait3A_42] : memref<80x128xi32, #tpu.memory_space<vmem>> -> memref<1x128xi32, #tpu.memory_space<vmem>>
    %dma_wait3A_44 = tpu.memref_squeeze %dma_wait3A_43 : memref<1x128xi32, #tpu.memory_space<vmem>> -> memref<128xi32, #tpu.memory_space<vmem>>
    %dma_wait3A_45 = arith.constant 0 : i32
    %dma_wait3A_46 = arith.constant 0 : i32
    %dma_wait3A_47 = tpu.memref_slice %arg2[%dma_wait3A_45, %dma_wait3A_46] : memref<20000x128xf32, #tpu.memory_space<hbm>> -> memref<20000x128xf32, #tpu.memory_space<hbm>>
    tpu.wait_indirect_dma semaphore(%arg13 : memref<!tpu.dma_semaphore, #tpu.memory_space<semaphore_mem>>) src(%dma_wait3A_47 : memref<20000x128xf32, #tpu.memory_space<hbm>>) dst(%arg8 : memref<128x128xf32, #tpu.memory_space<vmem>>)
    %dma_wait3A_48 = arith.constant 0 : i32
    %dma_wait3A_49 = arith.constant 0 : i32
    %dma_wait3A_50 = tpu.memref_slice %arg4[%arg1, %dma_wait3A_48, %dma_wait3A_49] : memref<16x80x128xi32, #tpu.memory_space<hbm>> -> memref<1x1x128xi32, #tpu.memory_space<hbm>>
    %dma_wait3A_51 = tpu.memref_squeeze %dma_wait3A_50 : memref<1x1x128xi32, #tpu.memory_space<hbm>> -> memref<128xi32, #tpu.memory_space<hbm>>
    %dma_wait3A_52 = arith.constant 0 : i32
    %dma_wait3A_53 = tpu.memref_slice %arg4[%arg1, %dma_wait3A_48, %dma_wait3A_52] : memref<16x80x128xi32, #tpu.memory_space<hbm>> -> memref<1x1x128xi32, #tpu.memory_space<hbm>>
    %dma_wait3A_54 = tpu.memref_squeeze %dma_wait3A_53 : memref<1x1x128xi32, #tpu.memory_space<hbm>> -> memref<128xi32, #tpu.memory_space<hbm>>
    tpu.wait_dma2 semaphore(%arg17 : memref<!tpu.dma_semaphore, #tpu.memory_space<semaphore_mem>>) src(%dma_wait3A_54 : memref<128xi32, #tpu.memory_space<hbm>>) dst(%arg10 : memref<128xi32, #tpu.memory_space<vmem>>)
    %dma_start3A_55 = arith.constant 0 : i32
    %dma_start3A_56 = arith.constant 0 : i32
    %dma_start3A_57 = tpu.memref_slice %arg12[%dma_start3A_55, %dma_start3A_56] : memref<10112x128xf32, #tpu.memory_space<vmem_shared>> -> memref<10112x128xf32, #tpu.memory_space<vmem_shared>>
    tpu.enqueue_indirect_dma source(%arg8 : memref<128x128xf32, #tpu.memory_space<vmem>>) target(%dma_start3A_57 : memref<10112x128xf32, #tpu.memory_space<vmem_shared>>) offsets(%arg10 : memref<128xi32, #tpu.memory_space<vmem>>) semaphore(%arg15 : memref<!tpu.dma_semaphore, #tpu.memory_space<semaphore_mem>>) {add = true}
    %dma_wait3A_58 = arith.constant 0 : i32
    %dma_wait3A_59 = arith.constant 0 : i32
    %dma_wait3A_60 = tpu.memref_slice %arg12[%dma_wait3A_58, %dma_wait3A_59] : memref<10112x128xf32, #tpu.memory_space<vmem_shared>> -> memref<10112x128xf32, #tpu.memory_space<vmem_shared>>
    tpu.wait_indirect_dma semaphore(%arg15 : memref<!tpu.dma_semaphore, #tpu.memory_space<semaphore_mem>>) src(%arg8 : memref<128x128xf32, #tpu.memory_space<vmem>>) dst(%dma_wait3A_60 : memref<10112x128xf32, #tpu.memory_space<vmem_shared>>)
    %dma_wait3A_61 = arith.constant 1 : i32
    %dma_wait3A_62 = arith.constant 0 : i32
    %dma_wait3A_63 = tpu.memref_slice %arg7[%dma_wait3A_61, %dma_wait3A_62] : memref<80x128xi32, #tpu.memory_space<vmem>> -> memref<1x128xi32, #tpu.memory_space<vmem>>
    %dma_wait3A_64 = tpu.memref_squeeze %dma_wait3A_63 : memref<1x128xi32, #tpu.memory_space<vmem>> -> memref<128xi32, #tpu.memory_space<vmem>>
    %dma_wait3A_65 = arith.constant 0 : i32
    %dma_wait3A_66 = arith.constant 0 : i32
    %dma_wait3A_67 = tpu.memref_slice %arg2[%dma_wait3A_65, %dma_wait3A_66] : memref<20000x128xf32, #tpu.memory_space<hbm>> -> memref<20000x128xf32, #tpu.memory_space<hbm>>
    tpu.wait_indirect_dma semaphore(%arg14 : memref<!tpu.dma_semaphore, #tpu.memory_space<semaphore_mem>>) src(%dma_wait3A_67 : memref<20000x128xf32, #tpu.memory_space<hbm>>) dst(%arg9 : memref<128x128xf32, #tpu.memory_space<vmem>>)
    %dma_wait3A_68 = arith.constant 1 : i32
    %dma_wait3A_69 = arith.constant 0 : i32
    %dma_wait3A_70 = tpu.memref_slice %arg4[%arg1, %dma_wait3A_68, %dma_wait3A_69] : memref<16x80x128xi32, #tpu.memory_space<hbm>> -> memref<1x1x128xi32, #tpu.memory_space<hbm>>
    %dma_wait3A_71 = tpu.memref_squeeze %dma_wait3A_70 : memref<1x1x128xi32, #tpu.memory_space<hbm>> -> memref<128xi32, #tpu.memory_space<hbm>>
    %dma_wait3A_72 = arith.constant 0 : i32
    %dma_wait3A_73 = tpu.memref_slice %arg4[%arg1, %dma_wait3A_68, %dma_wait3A_72] : memref<16x80x128xi32, #tpu.memory_space<hbm>> -> memref<1x1x128xi32, #tpu.memory_space<hbm>>
    %dma_wait3A_74 = tpu.memref_squeeze %dma_wait3A_73 : memref<1x1x128xi32, #tpu.memory_space<hbm>> -> memref<128xi32, #tpu.memory_space<hbm>>
    tpu.wait_dma2 semaphore(%arg18 : memref<!tpu.dma_semaphore, #tpu.memory_space<semaphore_mem>>) src(%dma_wait3A_74 : memref<128xi32, #tpu.memory_space<hbm>>) dst(%arg11 : memref<128xi32, #tpu.memory_space<vmem>>)
    %dma_start3A_75 = arith.constant 0 : i32
    %dma_start3A_76 = arith.constant 0 : i32
    %dma_start3A_77 = tpu.memref_slice %arg12[%dma_start3A_75, %dma_start3A_76] : memref<10112x128xf32, #tpu.memory_space<vmem_shared>> -> memref<10112x128xf32, #tpu.memory_space<vmem_shared>>
    tpu.enqueue_indirect_dma source(%arg9 : memref<128x128xf32, #tpu.memory_space<vmem>>) target(%dma_start3A_77 : memref<10112x128xf32, #tpu.memory_space<vmem_shared>>) offsets(%arg11 : memref<128xi32, #tpu.memory_space<vmem>>) semaphore(%arg16 : memref<!tpu.dma_semaphore, #tpu.memory_space<semaphore_mem>>) {add = true}
    %dma_wait3A_78 = arith.constant 0 : i32
    %dma_wait3A_79 = arith.constant 0 : i32
    %dma_wait3A_80 = tpu.memref_slice %arg12[%dma_wait3A_78, %dma_wait3A_79] : memref<10112x128xf32, #tpu.memory_space<vmem_shared>> -> memref<10112x128xf32, #tpu.memory_space<vmem_shared>>
    tpu.wait_indirect_dma semaphore(%arg16 : memref<!tpu.dma_semaphore, #tpu.memory_space<semaphore_mem>>) src(%arg9 : memref<128x128xf32, #tpu.memory_space<vmem>>) dst(%dma_wait3A_80 : memref<10112x128xf32, #tpu.memory_space<vmem_shared>>)
    %barrier3A_81 = arith.constant 0 : index
    tpu.barrier barrier_id(%barrier3A_81)
    %mul3A_82 = arith.constant 624 : i32
    %mul3A_83 = arith.muli %arg1, %mul3A_82 : i32
    %mul3A_84 = arith.constant 624 : i32
    %mul3A_85 = arith.muli %arg1, %mul3A_84 : i32
    "tpu.region"() ({
      %run_scoped3A = tpu.sem_alloc : memref<!tpu.dma_semaphore, #tpu.memory_space<semaphore_mem>>
      %dma_start3A_88 = arith.constant 0 : i32
      %dma_start3A_89 = tpu.memref_slice %arg6[%arg0, %mul3A_85, %dma_start3A_88] : memref<2x10000x128xf32, #tpu.memory_space<hbm>> -> memref<1x624x128xf32, #tpu.memory_space<hbm>>
      %dma_start3A_90 = tpu.memref_squeeze %dma_start3A_89 : memref<1x624x128xf32, #tpu.memory_space<hbm>> -> memref<624x128xf32, #tpu.memory_space<hbm>>
      %dma_start3A_91 = arith.constant 0 : i32
      %dma_start3A_92 = tpu.memref_slice %arg12[%mul3A_83, %dma_start3A_91] : memref<10112x128xf32, #tpu.memory_space<vmem_shared>> -> memref<624x128xf32, #tpu.memory_space<vmem_shared>>
      tpu.enqueue_dma source(%dma_start3A_92 : memref<624x128xf32, #tpu.memory_space<vmem_shared>>) target(%dma_start3A_90 : memref<624x128xf32, #tpu.memory_space<hbm>>) target_semaphore(%run_scoped3A : memref<!tpu.dma_semaphore, #tpu.memory_space<semaphore_mem>>)
      %dma_wait3A_93 = arith.constant 0 : i32
      %dma_wait3A_94 = tpu.memref_slice %arg6[%arg0, %mul3A_85, %dma_wait3A_93] : memref<2x10000x128xf32, #tpu.memory_space<hbm>> -> memref<1x624x128xf32, #tpu.memory_space<hbm>>
      %dma_wait3A_95 = tpu.memref_squeeze %dma_wait3A_94 : memref<1x624x128xf32, #tpu.memory_space<hbm>> -> memref<624x128xf32, #tpu.memory_space<hbm>>
      %dma_wait3A_96 = arith.constant 0 : i32
      %dma_wait3A_97 = tpu.memref_slice %arg12[%mul3A_83, %dma_wait3A_96] : memref<10112x128xf32, #tpu.memory_space<vmem_shared>> -> memref<624x128xf32, #tpu.memory_space<vmem_shared>>
      tpu.wait_dma2 semaphore(%run_scoped3A : memref<!tpu.dma_semaphore, #tpu.memory_space<semaphore_mem>>) src(%dma_wait3A_97 : memref<624x128xf32, #tpu.memory_space<vmem_shared>>) dst(%dma_wait3A_95 : memref<624x128xf32, #tpu.memory_space<hbm>>)
      tpu.yield
    }) : () -> ()
    %eq3A = arith.constant 15 : i32
    %eq3A_86 = arith.cmpi eq, %arg1, %eq3A : i32
    %convert_element_type3A = arith.extui %eq3A_86 : i1 to i32
    %cond3A = arith.constant 0 : i32
    %cond3A_87 = arith.cmpi ne, %convert_element_type3A, %cond3A : i32
    scf.if %cond3A_87 {
      "tpu.region"() ({
        %run_scoped3A = tpu.sem_alloc : memref<!tpu.dma_semaphore, #tpu.memory_space<semaphore_mem>>
        %dma_start3A_88 = arith.constant 9984 : i32
        %dma_start3A_89 = arith.constant 0 : i32
        %dma_start3A_90 = tpu.memref_slice %arg6[%arg0, %dma_start3A_88, %dma_start3A_89] : memref<2x10000x128xf32, #tpu.memory_space<hbm>> -> memref<1x16x128xf32, #tpu.memory_space<hbm>>
        %dma_start3A_91 = tpu.memref_squeeze %dma_start3A_90 : memref<1x16x128xf32, #tpu.memory_space<hbm>> -> memref<16x128xf32, #tpu.memory_space<hbm>>
        %dma_start3A_92 = arith.constant 9984 : i32
        %dma_start3A_93 = arith.constant 0 : i32
        %dma_start3A_94 = tpu.memref_slice %arg12[%dma_start3A_92, %dma_start3A_93] : memref<10112x128xf32, #tpu.memory_space<vmem_shared>> -> memref<16x128xf32, #tpu.memory_space<vmem_shared>>
        tpu.enqueue_dma source(%dma_start3A_94 : memref<16x128xf32, #tpu.memory_space<vmem_shared>>) target(%dma_start3A_91 : memref<16x128xf32, #tpu.memory_space<hbm>>) target_semaphore(%run_scoped3A : memref<!tpu.dma_semaphore, #tpu.memory_space<semaphore_mem>>)
        %dma_wait3A_95 = arith.constant 9984 : i32
        %dma_wait3A_96 = arith.constant 0 : i32
        %dma_wait3A_97 = tpu.memref_slice %arg6[%arg0, %dma_wait3A_95, %dma_wait3A_96] : memref<2x10000x128xf32, #tpu.memory_space<hbm>> -> memref<1x16x128xf32, #tpu.memory_space<hbm>>
        %dma_wait3A_98 = tpu.memref_squeeze %dma_wait3A_97 : memref<1x16x128xf32, #tpu.memory_space<hbm>> -> memref<16x128xf32, #tpu.memory_space<hbm>>
        %dma_wait3A_99 = arith.constant 9984 : i32
        %dma_wait3A_100 = arith.constant 0 : i32
        %dma_wait3A_101 = tpu.memref_slice %arg12[%dma_wait3A_99, %dma_wait3A_100] : memref<10112x128xf32, #tpu.memory_space<vmem_shared>> -> memref<16x128xf32, #tpu.memory_space<vmem_shared>>
        tpu.wait_dma2 semaphore(%run_scoped3A : memref<!tpu.dma_semaphore, #tpu.memory_space<semaphore_mem>>) src(%dma_wait3A_101 : memref<16x128xf32, #tpu.memory_space<vmem_shared>>) dst(%dma_wait3A_98 : memref<16x128xf32, #tpu.memory_space<hbm>>)
        tpu.yield
      }) : () -> ()
    } else {
    }
    return
  }
}

#map = affine_map<(d0, d1) -> (0, 0)>
#map1 = affine_map<(d0, d1) -> (0, 0, 0, 0)>
#map2 = affine_map<(d0, d1) -> (0, 0, 0)>
module attributes {stable_mosaic.version = 14 : i64} {
  func.func @_sc_body(%arg0: i32, %arg1: i32, %arg2: memref<20000x128xf32, #tpu.memory_space<hbm>>, %arg3: memref<2x16x80x128xi32, #tpu.memory_space<hbm>>, %arg4: memref<16x80x128xi32, #tpu.memory_space<hbm>>, %arg5: memref<128x128xf32, #tpu.memory_space<hbm>>, %arg6: memref<2x10000x128xf32, #tpu.memory_space<hbm>>, %arg7: memref<80x128xi32, #tpu.memory_space<vmem>>, %arg8: memref<128x128xf32, #tpu.memory_space<vmem>>, %arg9: memref<128x128xf32, #tpu.memory_space<vmem>>, %arg10: memref<128xi32, #tpu.memory_space<vmem>>, %arg11: memref<128xi32, #tpu.memory_space<vmem>>, %arg12: memref<10112x128xf32, #tpu.memory_space<vmem_shared>>, %arg13: memref<!tpu.dma_semaphore, #tpu.memory_space<semaphore_mem>>, %arg14: memref<!tpu.dma_semaphore, #tpu.memory_space<semaphore_mem>>, %arg15: memref<!tpu.dma_semaphore, #tpu.memory_space<semaphore_mem>>, %arg16: memref<!tpu.dma_semaphore, #tpu.memory_space<semaphore_mem>>, %arg17: memref<!tpu.dma_semaphore, #tpu.memory_space<semaphore_mem>>, %arg18: memref<!tpu.dma_semaphore, #tpu.memory_space<semaphore_mem>>) attributes {dimension_semantics = [#tpu.dimension_semantics<core_parallel>, #tpu.dimension_semantics<subcore_parallel>], iteration_bounds = array<i64: 2, 16>, scalar_prefetch = 0 : i64, scratch_operands = 12 : i64, tpu.core_type = #tpu.core_type<sc_vector_subcore>, window_params = [{transform_indices = #map}, {transform_indices = #map1}, {transform_indices = #map2}, {transform_indices = #map}, {transform_indices = #map2}]} {
    "tpu.region"() ({
      %run_scoped3A = tpu.sem_alloc : memref<!tpu.dma_semaphore, #tpu.memory_space<semaphore_mem>>
      tpu.enqueue_dma source(%arg5 : memref<128x128xf32, #tpu.memory_space<hbm>>) target(%arg8 : memref<128x128xf32, #tpu.memory_space<vmem>>) target_semaphore(%run_scoped3A : memref<!tpu.dma_semaphore, #tpu.memory_space<semaphore_mem>>)
      tpu.wait_dma2 semaphore(%run_scoped3A : memref<!tpu.dma_semaphore, #tpu.memory_space<semaphore_mem>>) src(%arg5 : memref<128x128xf32, #tpu.memory_space<hbm>>) dst(%arg8 : memref<128x128xf32, #tpu.memory_space<vmem>>)
      tpu.yield
    }) : () -> ()
    %mul3A = arith.constant 632 : i32
    %mul3A_0 = arith.muli %arg1, %mul3A : i32
    %add3A = arith.constant 0 : i32
    %add3A_1 = arith.addi %mul3A_0, %add3A : i32
    "tpu.region"() ({
      %run_scoped3A = tpu.sem_alloc : memref<!tpu.dma_semaphore, #tpu.memory_space<semaphore_mem>>
      %dma_start3A_88 = arith.constant 0 : i32
      %dma_start3A_89 = tpu.memref_slice %arg12[%add3A_1, %dma_start3A_88] : memref<10112x128xf32, #tpu.memory_space<vmem_shared>> -> memref<128x128xf32, #tpu.memory_space<vmem_shared>>
      %dma_start3A_90 = arith.constant 0 : i32
      %dma_start3A_91 = tpu.memref_slice %arg12[%add3A_1, %dma_start3A_90] : memref<10112x128xf32, #tpu.memory_space<vmem_shared>> -> memref<128x128xf32, #tpu.memory_space<vmem_shared>>
      tpu.enqueue_dma source(%arg8 : memref<128x128xf32, #tpu.memory_space<vmem>>) target(%dma_start3A_91 : memref<128x128xf32, #tpu.memory_space<vmem_shared>>) target_semaphore(%run_scoped3A : memref<!tpu.dma_semaphore, #tpu.memory_space<semaphore_mem>>)
      %dma_wait3A_92 = arith.constant 0 : i32
      %dma_wait3A_93 = tpu.memref_slice %arg12[%add3A_1, %dma_wait3A_92] : memref<10112x128xf32, #tpu.memory_space<vmem_shared>> -> memref<128x128xf32, #tpu.memory_space<vmem_shared>>
      %dma_wait3A_94 = arith.constant 0 : i32
      %dma_wait3A_95 = tpu.memref_slice %arg12[%add3A_1, %dma_wait3A_94] : memref<10112x128xf32, #tpu.memory_space<vmem_shared>> -> memref<128x128xf32, #tpu.memory_space<vmem_shared>>
      tpu.wait_dma2 semaphore(%run_scoped3A : memref<!tpu.dma_semaphore, #tpu.memory_space<semaphore_mem>>) src(%arg8 : memref<128x128xf32, #tpu.memory_space<vmem>>) dst(%dma_wait3A_95 : memref<128x128xf32, #tpu.memory_space<vmem_shared>>)
      tpu.yield
    }) : () -> ()
    %add3A_2 = arith.constant 128 : i32
    %add3A_3 = arith.addi %mul3A_0, %add3A_2 : i32
    "tpu.region"() ({
      %run_scoped3A = tpu.sem_alloc : memref<!tpu.dma_semaphore, #tpu.memory_space<semaphore_mem>>
      %dma_start3A_88 = arith.constant 0 : i32
      %dma_start3A_89 = tpu.memref_slice %arg12[%add3A_3, %dma_start3A_88] : memref<10112x128xf32, #tpu.memory_space<vmem_shared>> -> memref<128x128xf32, #tpu.memory_space<vmem_shared>>
      %dma_start3A_90 = arith.constant 0 : i32
      %dma_start3A_91 = tpu.memref_slice %arg12[%add3A_3, %dma_start3A_90] : memref<10112x128xf32, #tpu.memory_space<vmem_shared>> -> memref<128x128xf32, #tpu.memory_space<vmem_shared>>
      tpu.enqueue_dma source(%arg8 : memref<128x128xf32, #tpu.memory_space<vmem>>) target(%dma_start3A_91 : memref<128x128xf32, #tpu.memory_space<vmem_shared>>) target_semaphore(%run_scoped3A : memref<!tpu.dma_semaphore, #tpu.memory_space<semaphore_mem>>)
      %dma_wait3A_92 = arith.constant 0 : i32
      %dma_wait3A_93 = tpu.memref_slice %arg12[%add3A_3, %dma_wait3A_92] : memref<10112x128xf32, #tpu.memory_space<vmem_shared>> -> memref<128x128xf32, #tpu.memory_space<vmem_shared>>
      %dma_wait3A_94 = arith.constant 0 : i32
      %dma_wait3A_95 = tpu.memref_slice %arg12[%add3A_3, %dma_wait3A_94] : memref<10112x128xf32, #tpu.memory_space<vmem_shared>> -> memref<128x128xf32, #tpu.memory_space<vmem_shared>>
      tpu.wait_dma2 semaphore(%run_scoped3A : memref<!tpu.dma_semaphore, #tpu.memory_space<semaphore_mem>>) src(%arg8 : memref<128x128xf32, #tpu.memory_space<vmem>>) dst(%dma_wait3A_95 : memref<128x128xf32, #tpu.memory_space<vmem_shared>>)
      tpu.yield
    }) : () -> ()
    %add3A_4 = arith.constant 256 : i32
    %add3A_5 = arith.addi %mul3A_0, %add3A_4 : i32
    "tpu.region"() ({
      %run_scoped3A = tpu.sem_alloc : memref<!tpu.dma_semaphore, #tpu.memory_space<semaphore_mem>>
      %dma_start3A_88 = arith.constant 0 : i32
      %dma_start3A_89 = tpu.memref_slice %arg12[%add3A_5, %dma_start3A_88] : memref<10112x128xf32, #tpu.memory_space<vmem_shared>> -> memref<128x128xf32, #tpu.memory_space<vmem_shared>>
      %dma_start3A_90 = arith.constant 0 : i32
      %dma_start3A_91 = tpu.memref_slice %arg12[%add3A_5, %dma_start3A_90] : memref<10112x128xf32, #tpu.memory_space<vmem_shared>> -> memref<128x128xf32, #tpu.memory_space<vmem_shared>>
      tpu.enqueue_dma source(%arg8 : memref<128x128xf32, #tpu.memory_space<vmem>>) target(%dma_start3A_91 : memref<128x128xf32, #tpu.memory_space<vmem_shared>>) target_semaphore(%run_scoped3A : memref<!tpu.dma_semaphore, #tpu.memory_space<semaphore_mem>>)
      %dma_wait3A_92 = arith.constant 0 : i32
      %dma_wait3A_93 = tpu.memref_slice %arg12[%add3A_5, %dma_wait3A_92] : memref<10112x128xf32, #tpu.memory_space<vmem_shared>> -> memref<128x128xf32, #tpu.memory_space<vmem_shared>>
      %dma_wait3A_94 = arith.constant 0 : i32
      %dma_wait3A_95 = tpu.memref_slice %arg12[%add3A_5, %dma_wait3A_94] : memref<10112x128xf32, #tpu.memory_space<vmem_shared>> -> memref<128x128xf32, #tpu.memory_space<vmem_shared>>
      tpu.wait_dma2 semaphore(%run_scoped3A : memref<!tpu.dma_semaphore, #tpu.memory_space<semaphore_mem>>) src(%arg8 : memref<128x128xf32, #tpu.memory_space<vmem>>) dst(%dma_wait3A_95 : memref<128x128xf32, #tpu.memory_space<vmem_shared>>)
      tpu.yield
    }) : () -> ()
    %add3A_6 = arith.constant 384 : i32
    %add3A_7 = arith.addi %mul3A_0, %add3A_6 : i32
    "tpu.region"() ({
      %run_scoped3A = tpu.sem_alloc : memref<!tpu.dma_semaphore, #tpu.memory_space<semaphore_mem>>
      %dma_start3A_88 = arith.constant 0 : i32
      %dma_start3A_89 = tpu.memref_slice %arg12[%add3A_7, %dma_start3A_88] : memref<10112x128xf32, #tpu.memory_space<vmem_shared>> -> memref<128x128xf32, #tpu.memory_space<vmem_shared>>
      %dma_start3A_90 = arith.constant 0 : i32
      %dma_start3A_91 = tpu.memref_slice %arg12[%add3A_7, %dma_start3A_90] : memref<10112x128xf32, #tpu.memory_space<vmem_shared>> -> memref<128x128xf32, #tpu.memory_space<vmem_shared>>
      tpu.enqueue_dma source(%arg8 : memref<128x128xf32, #tpu.memory_space<vmem>>) target(%dma_start3A_91 : memref<128x128xf32, #tpu.memory_space<vmem_shared>>) target_semaphore(%run_scoped3A : memref<!tpu.dma_semaphore, #tpu.memory_space<semaphore_mem>>)
      %dma_wait3A_92 = arith.constant 0 : i32
      %dma_wait3A_93 = tpu.memref_slice %arg12[%add3A_7, %dma_wait3A_92] : memref<10112x128xf32, #tpu.memory_space<vmem_shared>> -> memref<128x128xf32, #tpu.memory_space<vmem_shared>>
      %dma_wait3A_94 = arith.constant 0 : i32
      %dma_wait3A_95 = tpu.memref_slice %arg12[%add3A_7, %dma_wait3A_94] : memref<10112x128xf32, #tpu.memory_space<vmem_shared>> -> memref<128x128xf32, #tpu.memory_space<vmem_shared>>
      tpu.wait_dma2 semaphore(%run_scoped3A : memref<!tpu.dma_semaphore, #tpu.memory_space<semaphore_mem>>) src(%arg8 : memref<128x128xf32, #tpu.memory_space<vmem>>) dst(%dma_wait3A_95 : memref<128x128xf32, #tpu.memory_space<vmem_shared>>)
      tpu.yield
    }) : () -> ()
    %add3A_8 = arith.constant 512 : i32
    %add3A_9 = arith.addi %mul3A_0, %add3A_8 : i32
    "tpu.region"() ({
      %run_scoped3A = tpu.sem_alloc : memref<!tpu.dma_semaphore, #tpu.memory_space<semaphore_mem>>
      %dma_start3A_88 = arith.constant 0 : i32
      %dma_start3A_89 = arith.constant 0 : i32
      %dma_start3A_90 = tpu.memref_slice %arg8[%dma_start3A_88, %dma_start3A_89] : memref<128x128xf32, #tpu.memory_space<vmem>> -> memref<120x128xf32, #tpu.memory_space<vmem>>
      %dma_start3A_91 = arith.constant 0 : i32
      %dma_start3A_92 = tpu.memref_slice %arg12[%add3A_9, %dma_start3A_91] : memref<10112x128xf32, #tpu.memory_space<vmem_shared>> -> memref<120x128xf32, #tpu.memory_space<vmem_shared>>
      %dma_start3A_93 = arith.constant 0 : i32
      %dma_start3A_94 = tpu.memref_slice %arg12[%add3A_9, %dma_start3A_93] : memref<10112x128xf32, #tpu.memory_space<vmem_shared>> -> memref<120x128xf32, #tpu.memory_space<vmem_shared>>
      %dma_start3A_95 = arith.constant 0 : i32
      %dma_start3A_96 = arith.constant 0 : i32
      %dma_start3A_97 = tpu.memref_slice %arg8[%dma_start3A_95, %dma_start3A_96] : memref<128x128xf32, #tpu.memory_space<vmem>> -> memref<120x128xf32, #tpu.memory_space<vmem>>
      tpu.enqueue_dma source(%dma_start3A_97 : memref<120x128xf32, #tpu.memory_space<vmem>>) target(%dma_start3A_94 : memref<120x128xf32, #tpu.memory_space<vmem_shared>>) target_semaphore(%run_scoped3A : memref<!tpu.dma_semaphore, #tpu.memory_space<semaphore_mem>>)
      %dma_wait3A_98 = arith.constant 0 : i32
      %dma_wait3A_99 = arith.constant 0 : i32
      %dma_wait3A_100 = tpu.memref_slice %arg8[%dma_wait3A_98, %dma_wait3A_99] : memref<128x128xf32, #tpu.memory_space<vmem>> -> memref<120x128xf32, #tpu.memory_space<vmem>>
      %dma_wait3A_101 = arith.constant 0 : i32
      %dma_wait3A_102 = tpu.memref_slice %arg12[%add3A_9, %dma_wait3A_101] : memref<10112x128xf32, #tpu.memory_space<vmem_shared>> -> memref<120x128xf32, #tpu.memory_space<vmem_shared>>
      %dma_wait3A_103 = arith.constant 0 : i32
      %dma_wait3A_104 = tpu.memref_slice %arg12[%add3A_9, %dma_wait3A_103] : memref<10112x128xf32, #tpu.memory_space<vmem_shared>> -> memref<120x128xf32, #tpu.memory_space<vmem_shared>>
      %dma_wait3A_105 = arith.constant 0 : i32
      %dma_wait3A_106 = arith.constant 0 : i32
      %dma_wait3A_107 = tpu.memref_slice %arg8[%dma_wait3A_105, %dma_wait3A_106] : memref<128x128xf32, #tpu.memory_space<vmem>> -> memref<120x128xf32, #tpu.memory_space<vmem>>
      tpu.wait_dma2 semaphore(%run_scoped3A : memref<!tpu.dma_semaphore, #tpu.memory_space<semaphore_mem>>) src(%dma_wait3A_107 : memref<120x128xf32, #tpu.memory_space<vmem>>) dst(%dma_wait3A_104 : memref<120x128xf32, #tpu.memory_space<vmem_shared>>)
      tpu.yield
    }) : () -> ()
    "tpu.region"() ({
      %run_scoped3A = tpu.sem_alloc : memref<!tpu.dma_semaphore, #tpu.memory_space<semaphore_mem>>
      %dma_start3A_88 = arith.constant 0 : i32
      %dma_start3A_89 = arith.constant 0 : i32
      %dma_start3A_90 = tpu.memref_slice %arg3[%arg0, %arg1, %dma_start3A_88, %dma_start3A_89] : memref<2x16x80x128xi32, #tpu.memory_space<hbm>> -> memref<1x1x80x128xi32, #tpu.memory_space<hbm>>
      %dma_start3A_91 = tpu.memref_squeeze %dma_start3A_90 : memref<1x1x80x128xi32, #tpu.memory_space<hbm>> -> memref<80x128xi32, #tpu.memory_space<hbm>>
      %dma_start3A_92 = arith.constant 0 : i32
      %dma_start3A_93 = arith.constant 0 : i32
      %dma_start3A_94 = tpu.memref_slice %arg3[%arg0, %arg1, %dma_start3A_92, %dma_start3A_93] : memref<2x16x80x128xi32, #tpu.memory_space<hbm>> -> memref<1x1x80x128xi32, #tpu.memory_space<hbm>>
      %dma_start3A_95 = tpu.memref_squeeze %dma_start3A_94 : memref<1x1x80x128xi32, #tpu.memory_space<hbm>> -> memref<80x128xi32, #tpu.memory_space<hbm>>
      tpu.enqueue_dma source(%dma_start3A_95 : memref<80x128xi32, #tpu.memory_space<hbm>>) target(%arg7 : memref<80x128xi32, #tpu.memory_space<vmem>>) target_semaphore(%run_scoped3A : memref<!tpu.dma_semaphore, #tpu.memory_space<semaphore_mem>>)
      %dma_wait3A_96 = arith.constant 0 : i32
      %dma_wait3A_97 = arith.constant 0 : i32
      %dma_wait3A_98 = tpu.memref_slice %arg3[%arg0, %arg1, %dma_wait3A_96, %dma_wait3A_97] : memref<2x16x80x128xi32, #tpu.memory_space<hbm>> -> memref<1x1x80x128xi32, #tpu.memory_space<hbm>>
      %dma_wait3A_99 = tpu.memref_squeeze %dma_wait3A_98 : memref<1x1x80x128xi32, #tpu.memory_space<hbm>> -> memref<80x128xi32, #tpu.memory_space<hbm>>
      %dma_wait3A_100 = arith.constant 0 : i32
      %dma_wait3A_101 = arith.constant 0 : i32
      %dma_wait3A_102 = tpu.memref_slice %arg3[%arg0, %arg1, %dma_wait3A_100, %dma_wait3A_101] : memref<2x16x80x128xi32, #tpu.memory_space<hbm>> -> memref<1x1x80x128xi32, #tpu.memory_space<hbm>>
      %dma_wait3A_103 = tpu.memref_squeeze %dma_wait3A_102 : memref<1x1x80x128xi32, #tpu.memory_space<hbm>> -> memref<80x128xi32, #tpu.memory_space<hbm>>
      tpu.wait_dma2 semaphore(%run_scoped3A : memref<!tpu.dma_semaphore, #tpu.memory_space<semaphore_mem>>) src(%dma_wait3A_103 : memref<80x128xi32, #tpu.memory_space<hbm>>) dst(%arg7 : memref<80x128xi32, #tpu.memory_space<vmem>>)
      tpu.yield
    }) : () -> ()
    %dma_start3A = arith.constant 0 : i32
    %dma_start3A_10 = arith.constant 0 : i32
    %dma_start3A_11 = tpu.memref_slice %arg7[%dma_start3A, %dma_start3A_10] : memref<80x128xi32, #tpu.memory_space<vmem>> -> memref<1x128xi32, #tpu.memory_space<vmem>>
    %dma_start3A_12 = tpu.memref_squeeze %dma_start3A_11 : memref<1x128xi32, #tpu.memory_space<vmem>> -> memref<128xi32, #tpu.memory_space<vmem>>
    %dma_start3A_13 = arith.constant 0 : i32
    %dma_start3A_14 = arith.constant 0 : i32
    %dma_start3A_15 = tpu.memref_slice %arg2[%dma_start3A_13, %dma_start3A_14] : memref<20000x128xf32, #tpu.memory_space<hbm>> -> memref<20000x128xf32, #tpu.memory_space<hbm>>
    tpu.enqueue_indirect_dma source(%dma_start3A_15 : memref<20000x128xf32, #tpu.memory_space<hbm>>) target(%arg8 : memref<128x128xf32, #tpu.memory_space<vmem>>) offsets(%dma_start3A_12 : memref<128xi32, #tpu.memory_space<vmem>>) semaphore(%arg13 : memref<!tpu.dma_semaphore, #tpu.memory_space<semaphore_mem>>)
    %dma_start3A_16 = arith.constant 0 : i32
    %dma_start3A_17 = arith.constant 0 : i32
    %dma_start3A_18 = tpu.memref_slice %arg4[%arg1, %dma_start3A_16, %dma_start3A_17] : memref<16x80x128xi32, #tpu.memory_space<hbm>> -> memref<1x1x128xi32, #tpu.memory_space<hbm>>
    %dma_start3A_19 = tpu.memref_squeeze %dma_start3A_18 : memref<1x1x128xi32, #tpu.memory_space<hbm>> -> memref<128xi32, #tpu.memory_space<hbm>>
    %dma_start3A_20 = arith.constant 0 : i32
    %dma_start3A_21 = tpu.memref_slice %arg4[%arg1, %dma_start3A_16, %dma_start3A_20] : memref<16x80x128xi32, #tpu.memory_space<hbm>> -> memref<1x1x128xi32, #tpu.memory_space<hbm>>
    %dma_start3A_22 = tpu.memref_squeeze %dma_start3A_21 : memref<1x1x128xi32, #tpu.memory_space<hbm>> -> memref<128xi32, #tpu.memory_space<hbm>>
    tpu.enqueue_dma source(%dma_start3A_22 : memref<128xi32, #tpu.memory_space<hbm>>) target(%arg10 : memref<128xi32, #tpu.memory_space<vmem>>) target_semaphore(%arg17 : memref<!tpu.dma_semaphore, #tpu.memory_space<semaphore_mem>>)
    %dma_start3A_23 = arith.constant 1 : i32
    %dma_start3A_24 = arith.constant 0 : i32
    %dma_start3A_25 = tpu.memref_slice %arg7[%dma_start3A_23, %dma_start3A_24] : memref<80x128xi32, #tpu.memory_space<vmem>> -> memref<1x128xi32, #tpu.memory_space<vmem>>
    %dma_start3A_26 = tpu.memref_squeeze %dma_start3A_25 : memref<1x128xi32, #tpu.memory_space<vmem>> -> memref<128xi32, #tpu.memory_space<vmem>>
    %dma_start3A_27 = arith.constant 0 : i32
    %dma_start3A_28 = arith.constant 0 : i32
    %dma_start3A_29 = tpu.memref_slice %arg2[%dma_start3A_27, %dma_start3A_28] : memref<20000x128xf32, #tpu.memory_space<hbm>> -> memref<20000x128xf32, #tpu.memory_space<hbm>>
    tpu.enqueue_indirect_dma source(%dma_start3A_29 : memref<20000x128xf32, #tpu.memory_space<hbm>>) target(%arg9 : memref<128x128xf32, #tpu.memory_space<vmem>>) offsets(%dma_start3A_26 : memref<128xi32, #tpu.memory_space<vmem>>) semaphore(%arg14 : memref<!tpu.dma_semaphore, #tpu.memory_space<semaphore_mem>>)
    %dma_start3A_30 = arith.constant 1 : i32
    %dma_start3A_31 = arith.constant 0 : i32
    %dma_start3A_32 = tpu.memref_slice %arg4[%arg1, %dma_start3A_30, %dma_start3A_31] : memref<16x80x128xi32, #tpu.memory_space<hbm>> -> memref<1x1x128xi32, #tpu.memory_space<hbm>>
    %dma_start3A_33 = tpu.memref_squeeze %dma_start3A_32 : memref<1x1x128xi32, #tpu.memory_space<hbm>> -> memref<128xi32, #tpu.memory_space<hbm>>
    %dma_start3A_34 = arith.constant 0 : i32
    %dma_start3A_35 = tpu.memref_slice %arg4[%arg1, %dma_start3A_30, %dma_start3A_34] : memref<16x80x128xi32, #tpu.memory_space<hbm>> -> memref<1x1x128xi32, #tpu.memory_space<hbm>>
    %dma_start3A_36 = tpu.memref_squeeze %dma_start3A_35 : memref<1x1x128xi32, #tpu.memory_space<hbm>> -> memref<128xi32, #tpu.memory_space<hbm>>
    tpu.enqueue_dma source(%dma_start3A_36 : memref<128xi32, #tpu.memory_space<hbm>>) target(%arg11 : memref<128xi32, #tpu.memory_space<vmem>>) target_semaphore(%arg18 : memref<!tpu.dma_semaphore, #tpu.memory_space<semaphore_mem>>)
    %barrier3A = arith.constant 0 : index
    tpu.barrier barrier_id(%barrier3A)
    %scan3A = arith.constant 0 : i32
    %scan3A_37 = arith.constant 0 : i32
    %scan3A_38 = arith.constant 39 : i32
    %scan3A_39 = arith.addi %scan3A_37, %scan3A_38 : i32
    %scan3A_40 = arith.constant 1 : i32
    scf.for %scan3A_88 = %scan3A_37 to %scan3A_39 step %scan3A_40  : i32 {
      %mul3A_89 = arith.constant 2 : i32
      %mul3A_90 = arith.muli %mul3A_89, %scan3A_88 : i32
      %add3A_91 = arith.constant 0 : i32
      %add3A_92 = arith.addi %mul3A_90, %add3A_91 : i32
      %dma_wait3A_93 = arith.constant 0 : i32
      %dma_wait3A_94 = arith.constant 0 : i32
      %dma_wait3A_95 = tpu.memref_slice %arg7[%dma_wait3A_93, %dma_wait3A_94] : memref<80x128xi32, #tpu.memory_space<vmem>> -> memref<1x128xi32, #tpu.memory_space<vmem>>
      %dma_wait3A_96 = tpu.memref_squeeze %dma_wait3A_95 : memref<1x128xi32, #tpu.memory_space<vmem>> -> memref<128xi32, #tpu.memory_space<vmem>>
      %dma_wait3A_97 = arith.constant 0 : i32
      %dma_wait3A_98 = arith.constant 0 : i32
      %dma_wait3A_99 = tpu.memref_slice %arg2[%dma_wait3A_97, %dma_wait3A_98] : memref<20000x128xf32, #tpu.memory_space<hbm>> -> memref<20000x128xf32, #tpu.memory_space<hbm>>
      tpu.wait_indirect_dma semaphore(%arg13 : memref<!tpu.dma_semaphore, #tpu.memory_space<semaphore_mem>>) src(%dma_wait3A_99 : memref<20000x128xf32, #tpu.memory_space<hbm>>) dst(%arg8 : memref<128x128xf32, #tpu.memory_space<vmem>>)
      %dma_wait3A_100 = arith.constant 0 : i32
      %dma_wait3A_101 = arith.constant 0 : i32
      %dma_wait3A_102 = tpu.memref_slice %arg4[%arg1, %dma_wait3A_100, %dma_wait3A_101] : memref<16x80x128xi32, #tpu.memory_space<hbm>> -> memref<1x1x128xi32, #tpu.memory_space<hbm>>
      %dma_wait3A_103 = tpu.memref_squeeze %dma_wait3A_102 : memref<1x1x128xi32, #tpu.memory_space<hbm>> -> memref<128xi32, #tpu.memory_space<hbm>>
      %dma_wait3A_104 = arith.constant 0 : i32
      %dma_wait3A_105 = tpu.memref_slice %arg4[%arg1, %dma_wait3A_100, %dma_wait3A_104] : memref<16x80x128xi32, #tpu.memory_space<hbm>> -> memref<1x1x128xi32, #tpu.memory_space<hbm>>
      %dma_wait3A_106 = tpu.memref_squeeze %dma_wait3A_105 : memref<1x1x128xi32, #tpu.memory_space<hbm>> -> memref<128xi32, #tpu.memory_space<hbm>>
      tpu.wait_dma2 semaphore(%arg17 : memref<!tpu.dma_semaphore, #tpu.memory_space<semaphore_mem>>) src(%dma_wait3A_106 : memref<128xi32, #tpu.memory_space<hbm>>) dst(%arg10 : memref<128xi32, #tpu.memory_space<vmem>>)
      %dma_start3A_107 = arith.constant 0 : i32
      %dma_start3A_108 = arith.constant 0 : i32
      %dma_start3A_109 = tpu.memref_slice %arg12[%dma_start3A_107, %dma_start3A_108] : memref<10112x128xf32, #tpu.memory_space<vmem_shared>> -> memref<10112x128xf32, #tpu.memory_space<vmem_shared>>
      tpu.enqueue_indirect_dma source(%arg8 : memref<128x128xf32, #tpu.memory_space<vmem>>) target(%dma_start3A_109 : memref<10112x128xf32, #tpu.memory_space<vmem_shared>>) offsets(%arg10 : memref<128xi32, #tpu.memory_space<vmem>>) semaphore(%arg15 : memref<!tpu.dma_semaphore, #tpu.memory_space<semaphore_mem>>) {add = true}
      %dma_wait3A_110 = arith.constant 0 : i32
      %dma_wait3A_111 = arith.constant 0 : i32
      %dma_wait3A_112 = tpu.memref_slice %arg12[%dma_wait3A_110, %dma_wait3A_111] : memref<10112x128xf32, #tpu.memory_space<vmem_shared>> -> memref<10112x128xf32, #tpu.memory_space<vmem_shared>>
      tpu.wait_indirect_dma semaphore(%arg15 : memref<!tpu.dma_semaphore, #tpu.memory_space<semaphore_mem>>) src(%arg8 : memref<128x128xf32, #tpu.memory_space<vmem>>) dst(%dma_wait3A_112 : memref<10112x128xf32, #tpu.memory_space<vmem_shared>>)
      %add3A_113 = arith.constant 2 : i32
      %add3A_114 = arith.addi %add3A_92, %add3A_113 : i32
      %dma_start3A_115 = arith.constant 0 : i32
      %dma_start3A_116 = tpu.memref_slice %arg7[%add3A_114, %dma_start3A_115] : memref<80x128xi32, #tpu.memory_space<vmem>> -> memref<1x128xi32, #tpu.memory_space<vmem>>
      %dma_start3A_117 = tpu.memref_squeeze %dma_start3A_116 : memref<1x128xi32, #tpu.memory_space<vmem>> -> memref<128xi32, #tpu.memory_space<vmem>>
      %dma_start3A_118 = arith.constant 0 : i32
      %dma_start3A_119 = arith.constant 0 : i32
      %dma_start3A_120 = tpu.memref_slice %arg2[%dma_start3A_118, %dma_start3A_119] : memref<20000x128xf32, #tpu.memory_space<hbm>> -> memref<20000x128xf32, #tpu.memory_space<hbm>>
      tpu.enqueue_indirect_dma source(%dma_start3A_120 : memref<20000x128xf32, #tpu.memory_space<hbm>>) target(%arg8 : memref<128x128xf32, #tpu.memory_space<vmem>>) offsets(%dma_start3A_117 : memref<128xi32, #tpu.memory_space<vmem>>) semaphore(%arg13 : memref<!tpu.dma_semaphore, #tpu.memory_space<semaphore_mem>>)
      %add3A_121 = arith.constant 2 : i32
      %add3A_122 = arith.addi %add3A_92, %add3A_121 : i32
      %dma_start3A_123 = arith.constant 0 : i32
      %dma_start3A_124 = tpu.memref_slice %arg4[%arg1, %add3A_122, %dma_start3A_123] : memref<16x80x128xi32, #tpu.memory_space<hbm>> -> memref<1x1x128xi32, #tpu.memory_space<hbm>>
      %dma_start3A_125 = tpu.memref_squeeze %dma_start3A_124 : memref<1x1x128xi32, #tpu.memory_space<hbm>> -> memref<128xi32, #tpu.memory_space<hbm>>
      %dma_start3A_126 = arith.constant 0 : i32
      %dma_start3A_127 = tpu.memref_slice %arg4[%arg1, %add3A_122, %dma_start3A_126] : memref<16x80x128xi32, #tpu.memory_space<hbm>> -> memref<1x1x128xi32, #tpu.memory_space<hbm>>
      %dma_start3A_128 = tpu.memref_squeeze %dma_start3A_127 : memref<1x1x128xi32, #tpu.memory_space<hbm>> -> memref<128xi32, #tpu.memory_space<hbm>>
      tpu.enqueue_dma source(%dma_start3A_128 : memref<128xi32, #tpu.memory_space<hbm>>) target(%arg10 : memref<128xi32, #tpu.memory_space<vmem>>) target_semaphore(%arg17 : memref<!tpu.dma_semaphore, #tpu.memory_space<semaphore_mem>>)
      %mul3A_129 = arith.constant 2 : i32
      %mul3A_130 = arith.muli %mul3A_129, %scan3A_88 : i32
      %add3A_131 = arith.constant 1 : i32
      %add3A_132 = arith.addi %mul3A_130, %add3A_131 : i32
      %dma_wait3A_133 = arith.constant 1 : i32
      %dma_wait3A_134 = arith.constant 0 : i32
      %dma_wait3A_135 = tpu.memref_slice %arg7[%dma_wait3A_133, %dma_wait3A_134] : memref<80x128xi32, #tpu.memory_space<vmem>> -> memref<1x128xi32, #tpu.memory_space<vmem>>
      %dma_wait3A_136 = tpu.memref_squeeze %dma_wait3A_135 : memref<1x128xi32, #tpu.memory_space<vmem>> -> memref<128xi32, #tpu.memory_space<vmem>>
      %dma_wait3A_137 = arith.constant 0 : i32
      %dma_wait3A_138 = arith.constant 0 : i32
      %dma_wait3A_139 = tpu.memref_slice %arg2[%dma_wait3A_137, %dma_wait3A_138] : memref<20000x128xf32, #tpu.memory_space<hbm>> -> memref<20000x128xf32, #tpu.memory_space<hbm>>
      tpu.wait_indirect_dma semaphore(%arg14 : memref<!tpu.dma_semaphore, #tpu.memory_space<semaphore_mem>>) src(%dma_wait3A_139 : memref<20000x128xf32, #tpu.memory_space<hbm>>) dst(%arg9 : memref<128x128xf32, #tpu.memory_space<vmem>>)
      %dma_wait3A_140 = arith.constant 1 : i32
      %dma_wait3A_141 = arith.constant 0 : i32
      %dma_wait3A_142 = tpu.memref_slice %arg4[%arg1, %dma_wait3A_140, %dma_wait3A_141] : memref<16x80x128xi32, #tpu.memory_space<hbm>> -> memref<1x1x128xi32, #tpu.memory_space<hbm>>
      %dma_wait3A_143 = tpu.memref_squeeze %dma_wait3A_142 : memref<1x1x128xi32, #tpu.memory_space<hbm>> -> memref<128xi32, #tpu.memory_space<hbm>>
      %dma_wait3A_144 = arith.constant 0 : i32
      %dma_wait3A_145 = tpu.memref_slice %arg4[%arg1, %dma_wait3A_140, %dma_wait3A_144] : memref<16x80x128xi32, #tpu.memory_space<hbm>> -> memref<1x1x128xi32, #tpu.memory_space<hbm>>
      %dma_wait3A_146 = tpu.memref_squeeze %dma_wait3A_145 : memref<1x1x128xi32, #tpu.memory_space<hbm>> -> memref<128xi32, #tpu.memory_space<hbm>>
      tpu.wait_dma2 semaphore(%arg18 : memref<!tpu.dma_semaphore, #tpu.memory_space<semaphore_mem>>) src(%dma_wait3A_146 : memref<128xi32, #tpu.memory_space<hbm>>) dst(%arg11 : memref<128xi32, #tpu.memory_space<vmem>>)
      %dma_start3A_147 = arith.constant 0 : i32
      %dma_start3A_148 = arith.constant 0 : i32
      %dma_start3A_149 = tpu.memref_slice %arg12[%dma_start3A_147, %dma_start3A_148] : memref<10112x128xf32, #tpu.memory_space<vmem_shared>> -> memref<10112x128xf32, #tpu.memory_space<vmem_shared>>
      tpu.enqueue_indirect_dma source(%arg9 : memref<128x128xf32, #tpu.memory_space<vmem>>) target(%dma_start3A_149 : memref<10112x128xf32, #tpu.memory_space<vmem_shared>>) offsets(%arg11 : memref<128xi32, #tpu.memory_space<vmem>>) semaphore(%arg16 : memref<!tpu.dma_semaphore, #tpu.memory_space<semaphore_mem>>) {add = true}
      %dma_wait3A_150 = arith.constant 0 : i32
      %dma_wait3A_151 = arith.constant 0 : i32
      %dma_wait3A_152 = tpu.memref_slice %arg12[%dma_wait3A_150, %dma_wait3A_151] : memref<10112x128xf32, #tpu.memory_space<vmem_shared>> -> memref<10112x128xf32, #tpu.memory_space<vmem_shared>>
      tpu.wait_indirect_dma semaphore(%arg16 : memref<!tpu.dma_semaphore, #tpu.memory_space<semaphore_mem>>) src(%arg9 : memref<128x128xf32, #tpu.memory_space<vmem>>) dst(%dma_wait3A_152 : memref<10112x128xf32, #tpu.memory_space<vmem_shared>>)
      %add3A_153 = arith.constant 2 : i32
      %add3A_154 = arith.addi %add3A_132, %add3A_153 : i32
      %dma_start3A_155 = arith.constant 0 : i32
      %dma_start3A_156 = tpu.memref_slice %arg7[%add3A_154, %dma_start3A_155] : memref<80x128xi32, #tpu.memory_space<vmem>> -> memref<1x128xi32, #tpu.memory_space<vmem>>
      %dma_start3A_157 = tpu.memref_squeeze %dma_start3A_156 : memref<1x128xi32, #tpu.memory_space<vmem>> -> memref<128xi32, #tpu.memory_space<vmem>>
      %dma_start3A_158 = arith.constant 0 : i32
      %dma_start3A_159 = arith.constant 0 : i32
      %dma_start3A_160 = tpu.memref_slice %arg2[%dma_start3A_158, %dma_start3A_159] : memref<20000x128xf32, #tpu.memory_space<hbm>> -> memref<20000x128xf32, #tpu.memory_space<hbm>>
      tpu.enqueue_indirect_dma source(%dma_start3A_160 : memref<20000x128xf32, #tpu.memory_space<hbm>>) target(%arg9 : memref<128x128xf32, #tpu.memory_space<vmem>>) offsets(%dma_start3A_157 : memref<128xi32, #tpu.memory_space<vmem>>) semaphore(%arg14 : memref<!tpu.dma_semaphore, #tpu.memory_space<semaphore_mem>>)
      %add3A_161 = arith.constant 2 : i32
      %add3A_162 = arith.addi %add3A_132, %add3A_161 : i32
      %dma_start3A_163 = arith.constant 0 : i32
      %dma_start3A_164 = tpu.memref_slice %arg4[%arg1, %add3A_162, %dma_start3A_163] : memref<16x80x128xi32, #tpu.memory_space<hbm>> -> memref<1x1x128xi32, #tpu.memory_space<hbm>>
      %dma_start3A_165 = tpu.memref_squeeze %dma_start3A_164 : memref<1x1x128xi32, #tpu.memory_space<hbm>> -> memref<128xi32, #tpu.memory_space<hbm>>
      %dma_start3A_166 = arith.constant 0 : i32
      %dma_start3A_167 = tpu.memref_slice %arg4[%arg1, %add3A_162, %dma_start3A_166] : memref<16x80x128xi32, #tpu.memory_space<hbm>> -> memref<1x1x128xi32, #tpu.memory_space<hbm>>
      %dma_start3A_168 = tpu.memref_squeeze %dma_start3A_167 : memref<1x1x128xi32, #tpu.memory_space<hbm>> -> memref<128xi32, #tpu.memory_space<hbm>>
      tpu.enqueue_dma source(%dma_start3A_168 : memref<128xi32, #tpu.memory_space<hbm>>) target(%arg11 : memref<128xi32, #tpu.memory_space<vmem>>) target_semaphore(%arg18 : memref<!tpu.dma_semaphore, #tpu.memory_space<semaphore_mem>>)
    }
    %scan3A_41 = arith.constant 39 : i32
    %dma_wait3A = arith.constant 0 : i32
    %dma_wait3A_42 = arith.constant 0 : i32
    %dma_wait3A_43 = tpu.memref_slice %arg7[%dma_wait3A, %dma_wait3A_42] : memref<80x128xi32, #tpu.memory_space<vmem>> -> memref<1x128xi32, #tpu.memory_space<vmem>>
    %dma_wait3A_44 = tpu.memref_squeeze %dma_wait3A_43 : memref<1x128xi32, #tpu.memory_space<vmem>> -> memref<128xi32, #tpu.memory_space<vmem>>
    %dma_wait3A_45 = arith.constant 0 : i32
    %dma_wait3A_46 = arith.constant 0 : i32
    %dma_wait3A_47 = tpu.memref_slice %arg2[%dma_wait3A_45, %dma_wait3A_46] : memref<20000x128xf32, #tpu.memory_space<hbm>> -> memref<20000x128xf32, #tpu.memory_space<hbm>>
    tpu.wait_indirect_dma semaphore(%arg13 : memref<!tpu.dma_semaphore, #tpu.memory_space<semaphore_mem>>) src(%dma_wait3A_47 : memref<20000x128xf32, #tpu.memory_space<hbm>>) dst(%arg8 : memref<128x128xf32, #tpu.memory_space<vmem>>)
    %dma_wait3A_48 = arith.constant 0 : i32
    %dma_wait3A_49 = arith.constant 0 : i32
    %dma_wait3A_50 = tpu.memref_slice %arg4[%arg1, %dma_wait3A_48, %dma_wait3A_49] : memref<16x80x128xi32, #tpu.memory_space<hbm>> -> memref<1x1x128xi32, #tpu.memory_space<hbm>>
    %dma_wait3A_51 = tpu.memref_squeeze %dma_wait3A_50 : memref<1x1x128xi32, #tpu.memory_space<hbm>> -> memref<128xi32, #tpu.memory_space<hbm>>
    %dma_wait3A_52 = arith.constant 0 : i32
    %dma_wait3A_53 = tpu.memref_slice %arg4[%arg1, %dma_wait3A_48, %dma_wait3A_52] : memref<16x80x128xi32, #tpu.memory_space<hbm>> -> memref<1x1x128xi32, #tpu.memory_space<hbm>>
    %dma_wait3A_54 = tpu.memref_squeeze %dma_wait3A_53 : memref<1x1x128xi32, #tpu.memory_space<hbm>> -> memref<128xi32, #tpu.memory_space<hbm>>
    tpu.wait_dma2 semaphore(%arg17 : memref<!tpu.dma_semaphore, #tpu.memory_space<semaphore_mem>>) src(%dma_wait3A_54 : memref<128xi32, #tpu.memory_space<hbm>>) dst(%arg10 : memref<128xi32, #tpu.memory_space<vmem>>)
    %dma_start3A_55 = arith.constant 0 : i32
    %dma_start3A_56 = arith.constant 0 : i32
    %dma_start3A_57 = tpu.memref_slice %arg12[%dma_start3A_55, %dma_start3A_56] : memref<10112x128xf32, #tpu.memory_space<vmem_shared>> -> memref<10112x128xf32, #tpu.memory_space<vmem_shared>>
    tpu.enqueue_indirect_dma source(%arg8 : memref<128x128xf32, #tpu.memory_space<vmem>>) target(%dma_start3A_57 : memref<10112x128xf32, #tpu.memory_space<vmem_shared>>) offsets(%arg10 : memref<128xi32, #tpu.memory_space<vmem>>) semaphore(%arg15 : memref<!tpu.dma_semaphore, #tpu.memory_space<semaphore_mem>>) {add = true}
    %dma_wait3A_58 = arith.constant 0 : i32
    %dma_wait3A_59 = arith.constant 0 : i32
    %dma_wait3A_60 = tpu.memref_slice %arg12[%dma_wait3A_58, %dma_wait3A_59] : memref<10112x128xf32, #tpu.memory_space<vmem_shared>> -> memref<10112x128xf32, #tpu.memory_space<vmem_shared>>
    tpu.wait_indirect_dma semaphore(%arg15 : memref<!tpu.dma_semaphore, #tpu.memory_space<semaphore_mem>>) src(%arg8 : memref<128x128xf32, #tpu.memory_space<vmem>>) dst(%dma_wait3A_60 : memref<10112x128xf32, #tpu.memory_space<vmem_shared>>)
    %dma_wait3A_61 = arith.constant 1 : i32
    %dma_wait3A_62 = arith.constant 0 : i32
    %dma_wait3A_63 = tpu.memref_slice %arg7[%dma_wait3A_61, %dma_wait3A_62] : memref<80x128xi32, #tpu.memory_space<vmem>> -> memref<1x128xi32, #tpu.memory_space<vmem>>
    %dma_wait3A_64 = tpu.memref_squeeze %dma_wait3A_63 : memref<1x128xi32, #tpu.memory_space<vmem>> -> memref<128xi32, #tpu.memory_space<vmem>>
    %dma_wait3A_65 = arith.constant 0 : i32
    %dma_wait3A_66 = arith.constant 0 : i32
    %dma_wait3A_67 = tpu.memref_slice %arg2[%dma_wait3A_65, %dma_wait3A_66] : memref<20000x128xf32, #tpu.memory_space<hbm>> -> memref<20000x128xf32, #tpu.memory_space<hbm>>
    tpu.wait_indirect_dma semaphore(%arg14 : memref<!tpu.dma_semaphore, #tpu.memory_space<semaphore_mem>>) src(%dma_wait3A_67 : memref<20000x128xf32, #tpu.memory_space<hbm>>) dst(%arg9 : memref<128x128xf32, #tpu.memory_space<vmem>>)
    %dma_wait3A_68 = arith.constant 1 : i32
    %dma_wait3A_69 = arith.constant 0 : i32
    %dma_wait3A_70 = tpu.memref_slice %arg4[%arg1, %dma_wait3A_68, %dma_wait3A_69] : memref<16x80x128xi32, #tpu.memory_space<hbm>> -> memref<1x1x128xi32, #tpu.memory_space<hbm>>
    %dma_wait3A_71 = tpu.memref_squeeze %dma_wait3A_70 : memref<1x1x128xi32, #tpu.memory_space<hbm>> -> memref<128xi32, #tpu.memory_space<hbm>>
    %dma_wait3A_72 = arith.constant 0 : i32
    %dma_wait3A_73 = tpu.memref_slice %arg4[%arg1, %dma_wait3A_68, %dma_wait3A_72] : memref<16x80x128xi32, #tpu.memory_space<hbm>> -> memref<1x1x128xi32, #tpu.memory_space<hbm>>
    %dma_wait3A_74 = tpu.memref_squeeze %dma_wait3A_73 : memref<1x1x128xi32, #tpu.memory_space<hbm>> -> memref<128xi32, #tpu.memory_space<hbm>>
    tpu.wait_dma2 semaphore(%arg18 : memref<!tpu.dma_semaphore, #tpu.memory_space<semaphore_mem>>) src(%dma_wait3A_74 : memref<128xi32, #tpu.memory_space<hbm>>) dst(%arg11 : memref<128xi32, #tpu.memory_space<vmem>>)
    %dma_start3A_75 = arith.constant 0 : i32
    %dma_start3A_76 = arith.constant 0 : i32
    %dma_start3A_77 = tpu.memref_slice %arg12[%dma_start3A_75, %dma_start3A_76] : memref<10112x128xf32, #tpu.memory_space<vmem_shared>> -> memref<10112x128xf32, #tpu.memory_space<vmem_shared>>
    tpu.enqueue_indirect_dma source(%arg9 : memref<128x128xf32, #tpu.memory_space<vmem>>) target(%dma_start3A_77 : memref<10112x128xf32, #tpu.memory_space<vmem_shared>>) offsets(%arg11 : memref<128xi32, #tpu.memory_space<vmem>>) semaphore(%arg16 : memref<!tpu.dma_semaphore, #tpu.memory_space<semaphore_mem>>) {add = true}
    %dma_wait3A_78 = arith.constant 0 : i32
    %dma_wait3A_79 = arith.constant 0 : i32
    %dma_wait3A_80 = tpu.memref_slice %arg12[%dma_wait3A_78, %dma_wait3A_79] : memref<10112x128xf32, #tpu.memory_space<vmem_shared>> -> memref<10112x128xf32, #tpu.memory_space<vmem_shared>>
    tpu.wait_indirect_dma semaphore(%arg16 : memref<!tpu.dma_semaphore, #tpu.memory_space<semaphore_mem>>) src(%arg9 : memref<128x128xf32, #tpu.memory_space<vmem>>) dst(%dma_wait3A_80 : memref<10112x128xf32, #tpu.memory_space<vmem_shared>>)
    %barrier3A_81 = arith.constant 0 : index
    tpu.barrier barrier_id(%barrier3A_81)
    %mul3A_82 = arith.constant 624 : i32
    %mul3A_83 = arith.muli %arg1, %mul3A_82 : i32
    %mul3A_84 = arith.constant 624 : i32
    %mul3A_85 = arith.muli %arg1, %mul3A_84 : i32
    "tpu.region"() ({
      %run_scoped3A = tpu.sem_alloc : memref<!tpu.dma_semaphore, #tpu.memory_space<semaphore_mem>>
      %dma_start3A_88 = arith.constant 0 : i32
      %dma_start3A_89 = tpu.memref_slice %arg6[%arg0, %mul3A_85, %dma_start3A_88] : memref<2x10000x128xf32, #tpu.memory_space<hbm>> -> memref<1x624x128xf32, #tpu.memory_space<hbm>>
      %dma_start3A_90 = tpu.memref_squeeze %dma_start3A_89 : memref<1x624x128xf32, #tpu.memory_space<hbm>> -> memref<624x128xf32, #tpu.memory_space<hbm>>
      %dma_start3A_91 = arith.constant 0 : i32
      %dma_start3A_92 = tpu.memref_slice %arg12[%mul3A_83, %dma_start3A_91] : memref<10112x128xf32, #tpu.memory_space<vmem_shared>> -> memref<624x128xf32, #tpu.memory_space<vmem_shared>>
      tpu.enqueue_dma source(%dma_start3A_92 : memref<624x128xf32, #tpu.memory_space<vmem_shared>>) target(%dma_start3A_90 : memref<624x128xf32, #tpu.memory_space<hbm>>) target_semaphore(%run_scoped3A : memref<!tpu.dma_semaphore, #tpu.memory_space<semaphore_mem>>)
      %dma_wait3A_93 = arith.constant 0 : i32
      %dma_wait3A_94 = tpu.memref_slice %arg6[%arg0, %mul3A_85, %dma_wait3A_93] : memref<2x10000x128xf32, #tpu.memory_space<hbm>> -> memref<1x624x128xf32, #tpu.memory_space<hbm>>
      %dma_wait3A_95 = tpu.memref_squeeze %dma_wait3A_94 : memref<1x624x128xf32, #tpu.memory_space<hbm>> -> memref<624x128xf32, #tpu.memory_space<hbm>>
      %dma_wait3A_96 = arith.constant 0 : i32
      %dma_wait3A_97 = tpu.memref_slice %arg12[%mul3A_83, %dma_wait3A_96] : memref<10112x128xf32, #tpu.memory_space<vmem_shared>> -> memref<624x128xf32, #tpu.memory_space<vmem_shared>>
      tpu.wait_dma2 semaphore(%run_scoped3A : memref<!tpu.dma_semaphore, #tpu.memory_space<semaphore_mem>>) src(%dma_wait3A_97 : memref<624x128xf32, #tpu.memory_space<vmem_shared>>) dst(%dma_wait3A_95 : memref<624x128xf32, #tpu.memory_space<hbm>>)
      tpu.yield
    }) : () -> ()
    %eq3A = arith.constant 15 : i32
    %eq3A_86 = arith.cmpi eq, %arg1, %eq3A : i32
    %convert_element_type3A = arith.extui %eq3A_86 : i1 to i32
    %cond3A = arith.constant 0 : i32
    %cond3A_87 = arith.cmpi ne, %convert_element_type3A, %cond3A : i32
    scf.if %cond3A_87 {
      "tpu.region"() ({
        %run_scoped3A = tpu.sem_alloc : memref<!tpu.dma_semaphore, #tpu.memory_space<semaphore_mem>>
        %dma_start3A_88 = arith.constant 9984 : i32
        %dma_start3A_89 = arith.constant 0 : i32
        %dma_start3A_90 = tpu.memref_slice %arg6[%arg0, %dma_start3A_88, %dma_start3A_89] : memref<2x10000x128xf32, #tpu.memory_space<hbm>> -> memref<1x16x128xf32, #tpu.memory_space<hbm>>
        %dma_start3A_91 = tpu.memref_squeeze %dma_start3A_90 : memref<1x16x128xf32, #tpu.memory_space<hbm>> -> memref<16x128xf32, #tpu.memory_space<hbm>>
        %dma_start3A_92 = arith.constant 9984 : i32
        %dma_start3A_93 = arith.constant 0 : i32
        %dma_start3A_94 = tpu.memref_slice %arg12[%dma_start3A_92, %dma_start3A_93] : memref<10112x128xf32, #tpu.memory_space<vmem_shared>> -> memref<16x128xf32, #tpu.memory_space<vmem_shared>>
        tpu.enqueue_dma source(%dma_start3A_94 : memref<16x128xf32, #tpu.memory_space<vmem_shared>>) target(%dma_start3A_91 : memref<16x128xf32, #tpu.memory_space<hbm>>) target_semaphore(%run_scoped3A : memref<!tpu.dma_semaphore, #tpu.memory_space<semaphore_mem>>)
        %dma_wait3A_95 = arith.constant 9984 : i32
        %dma_wait3A_96 = arith.constant 0 : i32
        %dma_wait3A_97 = tpu.memref_slice %arg6[%arg0, %dma_wait3A_95, %dma_wait3A_96] : memref<2x10000x128xf32, #tpu.memory_space<hbm>> -> memref<1x16x128xf32, #tpu.memory_space<hbm>>
        %dma_wait3A_98 = tpu.memref_squeeze %dma_wait3A_97 : memref<1x16x128xf32, #tpu.memory_space<hbm>> -> memref<16x128xf32, #tpu.memory_space<hbm>>
        %dma_wait3A_99 = arith.constant 9984 : i32
        %dma_wait3A_100 = arith.constant 0 : i32
        %dma_wait3A_101 = tpu.memref_slice %arg12[%dma_wait3A_99, %dma_wait3A_100] : memref<10112x128xf32, #tpu.memory_space<vmem_shared>> -> memref<16x128xf32, #tpu.memory_space<vmem_shared>>
        tpu.wait_dma2 semaphore(%run_scoped3A : memref<!tpu.dma_semaphore, #tpu.memory_space<semaphore_mem>>) src(%dma_wait3A_101 : memref<16x128xf32, #tpu.memory_space<vmem_shared>>) dst(%dma_wait3A_98 : memref<16x128xf32, #tpu.memory_space<hbm>>)
        tpu.yield
      }) : () -> ()
    } else {
    }
    return
  }
}

module attributes {stable_mosaic.version = 14 : i64} {
  func.func @_tc_first_body(%arg0: i32, %arg1: memref<5000x256xf32, #tpu.memory_space<vmem>>, %arg2: memref<256x256xf32, #tpu.memory_space<vmem>>, %arg3: memref<256x256xf32, #tpu.memory_space<vmem>>, %arg4: memref<1x256xf32, #tpu.memory_space<vmem>>, %arg5: memref<2x5000x128xf32, #tpu.memory_space<vmem>>, %arg6: memref<5000x256xf32, #tpu.memory_space<vmem>>) attributes {dimension_semantics = [#tpu.dimension_semantics<arbitrary>], iteration_bounds = array<i64: 2>, scalar_prefetch = 0 : i64, scratch_operands = 0 : i64, tpu.core_type = #tpu.core_type<tc>, window_params = [{transform_indices = @transform_0, window_bounds = array<i64: 5000, 256>}, {pipeline_mode = #tpu.pipeline_mode<synchronous>, transform_indices = @transform_1, window_bounds = array<i64: 256, 256>}, {pipeline_mode = #tpu.pipeline_mode<synchronous>, transform_indices = @transform_2, window_bounds = array<i64: 256, 256>}, {pipeline_mode = #tpu.pipeline_mode<synchronous>, transform_indices = @transform_3, window_bounds = array<i64: 1, 256>}, {transform_indices = @transform_4, window_bounds = array<i64: 2, 5000, 128>}, {transform_indices = @transform_5, window_bounds = array<i64: 5000, 256>}]} {
    %get3A = arith.constant 0 : index
    %get3A_0 = arith.constant 0 : index
    %get3A_1 = vector.load %arg1[%get3A, %get3A_0] : memref<5000x256xf32, #tpu.memory_space<vmem>>, vector<5000x256xf32>
    %get3A_2 = arith.constant 0 : index
    %get3A_3 = arith.constant 0 : index
    %get3A_4 = vector.load %arg2[%get3A_2, %get3A_3] : memref<256x256xf32, #tpu.memory_space<vmem>>, vector<256x256xf32>
    %dot_general3A = arith.constant dense<0.000000e+00> : vector<5000x256xf32>
    %dot_general3A_5 = tpu.matmul %get3A_1, %get3A_4, %dot_general3A {dimension_numbers = #tpu.dot_dimension_numbers<[1], [0], [0], [1], [0, 0, 1, 1], [], []>, transpose_lhs_hint = false} : vector<5000x256xf32>, vector<256x256xf32>, vector<5000x256xf32> -> vector<5000x256xf32>
    %slice3A = vector.extract_strided_slice %dot_general3A_5 {offsets = [0, 0], sizes = [5000, 128], strides = [1, 1]} : vector<5000x256xf32> to vector<5000x128xf32>
    %swap3A = arith.constant 0 : index
    %swap3A_6 = arith.constant 0 : index
    %swap3A_7 = arith.constant 0 : index
    %swap3A_8 = vector.load %arg5[%swap3A, %swap3A_6, %swap3A_7] : memref<2x5000x128xf32, #tpu.memory_space<vmem>>, vector<1x5000x128xf32>
    %swap3A_9 = vector.shape_cast %swap3A_8 : vector<1x5000x128xf32> to vector<5000x128xf32>
    %swap3A_10 = vector.shape_cast %slice3A : vector<5000x128xf32> to vector<1x5000x128xf32>
    tpu.vector_store %arg5[%swap3A, %swap3A_6, %swap3A_7], %swap3A_10 {strides = array<i32>} : memref<2x5000x128xf32, #tpu.memory_space<vmem>>, vector<1x5000x128xf32>,
    %slice3A_11 = vector.extract_strided_slice %dot_general3A_5 {offsets = [0, 128], sizes = [5000, 128], strides = [1, 1]} : vector<5000x256xf32> to vector<5000x128xf32>
    %swap3A_12 = arith.constant 1 : index
    %swap3A_13 = arith.constant 0 : index
    %swap3A_14 = arith.constant 0 : index
    %swap3A_15 = vector.load %arg5[%swap3A_12, %swap3A_13, %swap3A_14] : memref<2x5000x128xf32, #tpu.memory_space<vmem>>, vector<1x5000x128xf32>
    %swap3A_16 = vector.shape_cast %swap3A_15 : vector<1x5000x128xf32> to vector<5000x128xf32>
    %swap3A_17 = vector.shape_cast %slice3A_11 : vector<5000x128xf32> to vector<1x5000x128xf32>
    tpu.vector_store %arg5[%swap3A_12, %swap3A_13, %swap3A_14], %swap3A_17 {strides = array<i32>} : memref<2x5000x128xf32, #tpu.memory_space<vmem>>, vector<1x5000x128xf32>,
    %get3A_18 = arith.constant 0 : index
    %get3A_19 = arith.constant 0 : index
    %get3A_20 = vector.load %arg3[%get3A_18, %get3A_19] : memref<256x256xf32, #tpu.memory_space<vmem>>, vector<256x256xf32>
    %dot_general3A_21 = arith.constant dense<0.000000e+00> : vector<5000x256xf32>
    %dot_general3A_22 = tpu.matmul %get3A_1, %get3A_20, %dot_general3A_21 {dimension_numbers = #tpu.dot_dimension_numbers<[1], [0], [0], [1], [0, 0, 1, 1], [], []>, transpose_lhs_hint = false} : vector<5000x256xf32>, vector<256x256xf32>, vector<5000x256xf32> -> vector<5000x256xf32>
    %get3A_23 = arith.constant 0 : index
    %get3A_24 = arith.constant 0 : index
    %get3A_25 = vector.load %arg4[%get3A_23, %get3A_24] : memref<1x256xf32, #tpu.memory_space<vmem>>, vector<1x256xf32>
    %add3A = vector.broadcast %get3A_25 : vector<1x256xf32> to vector<5000x256xf32>
    %add3A_26 = arith.addf %dot_general3A_22, %add3A : vector<5000x256xf32>
    %swap3A_27 = arith.constant 0 : index
    %swap3A_28 = arith.constant 0 : index
    %swap3A_29 = vector.load %arg6[%swap3A_27, %swap3A_28] : memref<5000x256xf32, #tpu.memory_space<vmem>>, vector<5000x256xf32>
    tpu.vector_store %arg6[%swap3A_27, %swap3A_28], %add3A_26 {strides = array<i32>} : memref<5000x256xf32, #tpu.memory_space<vmem>>, vector<5000x256xf32>,
    return
  }
  func.func @transform_0(%arg0: i32) -> (i32, i32) {
    %c0_i32 = arith.constant 0 : i32
    %c0_i32_0 = arith.constant 0 : i32
    return %arg0, %c0_i32 : i32, i32
  }
  func.func @transform_1(%arg0: i32) -> (i32, i32) {
    %c0_i32 = arith.constant 0 : i32
    %c0_i32_0 = arith.constant 0 : i32
    %c0_i32_1 = arith.constant 0 : i32
    return %c0_i32, %c0_i32_0 : i32, i32
  }
  func.func @transform_2(%arg0: i32) -> (i32, i32) {
    %c0_i32 = arith.constant 0 : i32
    %c0_i32_0 = arith.constant 0 : i32
    %c0_i32_1 = arith.constant 0 : i32
    return %c0_i32, %c0_i32_0 : i32, i32
  }
  func.func @transform_3(%arg0: i32) -> (i32, i32) {
    %c0_i32 = arith.constant 0 : i32
    %c0_i32_0 = arith.constant 0 : i32
    %c0_i32_1 = arith.constant 0 : i32
    return %c0_i32, %c0_i32_0 : i32, i32
  }
  func.func @transform_4(%arg0: i32) -> (i32, i32, i32) {
    %c0_i32 = arith.constant 0 : i32
    %c0_i32_0 = arith.constant 0 : i32
    %c0_i32_1 = arith.constant 0 : i32
    return %c0_i32, %arg0, %c0_i32_0 : i32, i32, i32
  }
  func.func @transform_5(%arg0: i32) -> (i32, i32) {
    %c0_i32 = arith.constant 0 : i32
    %c0_i32_0 = arith.constant 0 : i32
    return %arg0, %c0_i32 : i32, i32
  }
}

module attributes {stable_mosaic.version = 14 : i64} {
  func.func @_tc_mid_body(%arg0: i32, %arg1: memref<2x5000x128xf32, #tpu.memory_space<vmem>>, %arg2: memref<5000x256xf32, #tpu.memory_space<vmem>>, %arg3: memref<256x256xf32, #tpu.memory_space<vmem>>, %arg4: memref<256x256xf32, #tpu.memory_space<vmem>>, %arg5: memref<1x256xf32, #tpu.memory_space<vmem>>, %arg6: memref<2x5000x128xf32, #tpu.memory_space<vmem>>, %arg7: memref<5000x256xf32, #tpu.memory_space<vmem>>) attributes {dimension_semantics = [#tpu.dimension_semantics<arbitrary>], iteration_bounds = array<i64: 2>, scalar_prefetch = 0 : i64, scratch_operands = 0 : i64, tpu.core_type = #tpu.core_type<tc>, window_params = [{transform_indices = @transform_0, window_bounds = array<i64: 2, 5000, 128>}, {transform_indices = @transform_1, window_bounds = array<i64: 5000, 256>}, {pipeline_mode = #tpu.pipeline_mode<synchronous>, transform_indices = @transform_2, window_bounds = array<i64: 256, 256>}, {pipeline_mode = #tpu.pipeline_mode<synchronous>, transform_indices = @transform_3, window_bounds = array<i64: 256, 256>}, {pipeline_mode = #tpu.pipeline_mode<synchronous>, transform_indices = @transform_4, window_bounds = array<i64: 1, 256>}, {transform_indices = @transform_5, window_bounds = array<i64: 2, 5000, 128>}, {transform_indices = @transform_6, window_bounds = array<i64: 5000, 256>}]} {
    %get3A = arith.constant 0 : index
    %get3A_0 = arith.constant 0 : index
    %get3A_1 = arith.constant 0 : index
    %get3A_2 = vector.load %arg1[%get3A, %get3A_0, %get3A_1] : memref<2x5000x128xf32, #tpu.memory_space<vmem>>, vector<1x5000x128xf32>
    %get3A_3 = vector.shape_cast %get3A_2 : vector<1x5000x128xf32> to vector<5000x128xf32>
    %get3A_4 = arith.constant 1 : index
    %get3A_5 = arith.constant 0 : index
    %get3A_6 = arith.constant 0 : index
    %get3A_7 = vector.load %arg1[%get3A_4, %get3A_5, %get3A_6] : memref<2x5000x128xf32, #tpu.memory_space<vmem>>, vector<1x5000x128xf32>
    %get3A_8 = vector.shape_cast %get3A_7 : vector<1x5000x128xf32> to vector<5000x128xf32>
    %concatenate3A = tpu.concatenate %get3A_3, %get3A_8 in 1 : vector<5000x128xf32>, vector<5000x128xf32> -> vector<5000x256xf32>
    %get3A_9 = arith.constant 0 : index
    %get3A_10 = arith.constant 0 : index
    %get3A_11 = vector.load %arg2[%get3A_9, %get3A_10] : memref<5000x256xf32, #tpu.memory_space<vmem>>, vector<5000x256xf32>
    %add3A = arith.addf %concatenate3A, %get3A_11 : vector<5000x256xf32>
    %max3A = arith.constant 0.000000e+00 : f32
    %max3A_12 = vector.broadcast %max3A : f32 to vector<5000x256xf32>
    %max3A_13 = arith.maximumf %add3A, %max3A_12 : vector<5000x256xf32>
    %get3A_14 = arith.constant 0 : index
    %get3A_15 = arith.constant 0 : index
    %get3A_16 = vector.load %arg3[%get3A_14, %get3A_15] : memref<256x256xf32, #tpu.memory_space<vmem>>, vector<256x256xf32>
    %dot_general3A = arith.constant dense<0.000000e+00> : vector<5000x256xf32>
    %dot_general3A_17 = tpu.matmul %max3A_13, %get3A_16, %dot_general3A {dimension_numbers = #tpu.dot_dimension_numbers<[1], [0], [0], [1], [0, 0, 1, 1], [], []>, transpose_lhs_hint = false} : vector<5000x256xf32>, vector<256x256xf32>, vector<5000x256xf32> -> vector<5000x256xf32>
    %slice3A = vector.extract_strided_slice %dot_general3A_17 {offsets = [0, 0], sizes = [5000, 128], strides = [1, 1]} : vector<5000x256xf32> to vector<5000x128xf32>
    %swap3A = arith.constant 0 : index
    %swap3A_18 = arith.constant 0 : index
    %swap3A_19 = arith.constant 0 : index
    %swap3A_20 = vector.load %arg6[%swap3A, %swap3A_18, %swap3A_19] : memref<2x5000x128xf32, #tpu.memory_space<vmem>>, vector<1x5000x128xf32>
    %swap3A_21 = vector.shape_cast %swap3A_20 : vector<1x5000x128xf32> to vector<5000x128xf32>
    %swap3A_22 = vector.shape_cast %slice3A : vector<5000x128xf32> to vector<1x5000x128xf32>
    tpu.vector_store %arg6[%swap3A, %swap3A_18, %swap3A_19], %swap3A_22 {strides = array<i32>} : memref<2x5000x128xf32, #tpu.memory_space<vmem>>, vector<1x5000x128xf32>,
    %slice3A_23 = vector.extract_strided_slice %dot_general3A_17 {offsets = [0, 128], sizes = [5000, 128], strides = [1, 1]} : vector<5000x256xf32> to vector<5000x128xf32>
    %swap3A_24 = arith.constant 1 : index
    %swap3A_25 = arith.constant 0 : index
    %swap3A_26 = arith.constant 0 : index
    %swap3A_27 = vector.load %arg6[%swap3A_24, %swap3A_25, %swap3A_26] : memref<2x5000x128xf32, #tpu.memory_space<vmem>>, vector<1x5000x128xf32>
    %swap3A_28 = vector.shape_cast %swap3A_27 : vector<1x5000x128xf32> to vector<5000x128xf32>
    %swap3A_29 = vector.shape_cast %slice3A_23 : vector<5000x128xf32> to vector<1x5000x128xf32>
    tpu.vector_store %arg6[%swap3A_24, %swap3A_25, %swap3A_26], %swap3A_29 {strides = array<i32>} : memref<2x5000x128xf32, #tpu.memory_space<vmem>>, vector<1x5000x128xf32>,
    %get3A_30 = arith.constant 0 : index
    %get3A_31 = arith.constant 0 : index
    %get3A_32 = vector.load %arg4[%get3A_30, %get3A_31] : memref<256x256xf32, #tpu.memory_space<vmem>>, vector<256x256xf32>
    %dot_general3A_33 = arith.constant dense<0.000000e+00> : vector<5000x256xf32>
    %dot_general3A_34 = tpu.matmul %max3A_13, %get3A_32, %dot_general3A_33 {dimension_numbers = #tpu.dot_dimension_numbers<[1], [0], [0], [1], [0, 0, 1, 1], [], []>, transpose_lhs_hint = false} : vector<5000x256xf32>, vector<256x256xf32>, vector<5000x256xf32> -> vector<5000x256xf32>
    %get3A_35 = arith.constant 0 : index
    %get3A_36 = arith.constant 0 : index
    %get3A_37 = vector.load %arg5[%get3A_35, %get3A_36] : memref<1x256xf32, #tpu.memory_space<vmem>>, vector<1x256xf32>
    %add3A_38 = vector.broadcast %get3A_37 : vector<1x256xf32> to vector<5000x256xf32>
    %add3A_39 = arith.addf %dot_general3A_34, %add3A_38 : vector<5000x256xf32>
    %swap3A_40 = arith.constant 0 : index
    %swap3A_41 = arith.constant 0 : index
    %swap3A_42 = vector.load %arg7[%swap3A_40, %swap3A_41] : memref<5000x256xf32, #tpu.memory_space<vmem>>, vector<5000x256xf32>
    tpu.vector_store %arg7[%swap3A_40, %swap3A_41], %add3A_39 {strides = array<i32>} : memref<5000x256xf32, #tpu.memory_space<vmem>>, vector<5000x256xf32>,
    return
  }
  func.func @transform_0(%arg0: i32) -> (i32, i32, i32) {
    %c0_i32 = arith.constant 0 : i32
    %c0_i32_0 = arith.constant 0 : i32
    %c0_i32_1 = arith.constant 0 : i32
    return %c0_i32, %arg0, %c0_i32_0 : i32, i32, i32
  }
  func.func @transform_1(%arg0: i32) -> (i32, i32) {
    %c0_i32 = arith.constant 0 : i32
    %c0_i32_0 = arith.constant 0 : i32
    return %arg0, %c0_i32 : i32, i32
  }
  func.func @transform_2(%arg0: i32) -> (i32, i32) {
    %c0_i32 = arith.constant 0 : i32
    %c0_i32_0 = arith.constant 0 : i32
    %c0_i32_1 = arith.constant 0 : i32
    return %c0_i32, %c0_i32_0 : i32, i32
  }
  func.func @transform_3(%arg0: i32) -> (i32, i32) {
    %c0_i32 = arith.constant 0 : i32
    %c0_i32_0 = arith.constant 0 : i32
    %c0_i32_1 = arith.constant 0 : i32
    return %c0_i32, %c0_i32_0 : i32, i32
  }
  func.func @transform_4(%arg0: i32) -> (i32, i32) {
    %c0_i32 = arith.constant 0 : i32
    %c0_i32_0 = arith.constant 0 : i32
    %c0_i32_1 = arith.constant 0 : i32
    return %c0_i32, %c0_i32_0 : i32, i32
  }
  func.func @transform_5(%arg0: i32) -> (i32, i32, i32) {
    %c0_i32 = arith.constant 0 : i32
    %c0_i32_0 = arith.constant 0 : i32
    %c0_i32_1 = arith.constant 0 : i32
    return %c0_i32, %arg0, %c0_i32_0 : i32, i32, i32
  }
  func.func @transform_6(%arg0: i32) -> (i32, i32) {
    %c0_i32 = arith.constant 0 : i32
    %c0_i32_0 = arith.constant 0 : i32
    return %arg0, %c0_i32 : i32, i32
  }
}

module attributes {stable_mosaic.version = 14 : i64} {
  func.func @_tc_last_body(%arg0: i32, %arg1: memref<2x5000x128xf32, #tpu.memory_space<vmem>>, %arg2: memref<5000x256xf32, #tpu.memory_space<vmem>>, %arg3: memref<5000x256xf32, #tpu.memory_space<vmem>>) attributes {dimension_semantics = [#tpu.dimension_semantics<arbitrary>], iteration_bounds = array<i64: 2>, scalar_prefetch = 0 : i64, scratch_operands = 0 : i64, tpu.core_type = #tpu.core_type<tc>, window_params = [{transform_indices = @transform_0, window_bounds = array<i64: 2, 5000, 128>}, {transform_indices = @transform_1, window_bounds = array<i64: 5000, 256>}, {transform_indices = @transform_2, window_bounds = array<i64: 5000, 256>}]} {
    %get3A = arith.constant 0 : index
    %get3A_0 = arith.constant 0 : index
    %get3A_1 = arith.constant 0 : index
    %get3A_2 = vector.load %arg1[%get3A, %get3A_0, %get3A_1] : memref<2x5000x128xf32, #tpu.memory_space<vmem>>, vector<1x5000x128xf32>
    %get3A_3 = vector.shape_cast %get3A_2 : vector<1x5000x128xf32> to vector<5000x128xf32>
    %get3A_4 = arith.constant 1 : index
    %get3A_5 = arith.constant 0 : index
    %get3A_6 = arith.constant 0 : index
    %get3A_7 = vector.load %arg1[%get3A_4, %get3A_5, %get3A_6] : memref<2x5000x128xf32, #tpu.memory_space<vmem>>, vector<1x5000x128xf32>
    %get3A_8 = vector.shape_cast %get3A_7 : vector<1x5000x128xf32> to vector<5000x128xf32>
    %concatenate3A = tpu.concatenate %get3A_3, %get3A_8 in 1 : vector<5000x128xf32>, vector<5000x128xf32> -> vector<5000x256xf32>
    %get3A_9 = arith.constant 0 : index
    %get3A_10 = arith.constant 0 : index
    %get3A_11 = vector.load %arg2[%get3A_9, %get3A_10] : memref<5000x256xf32, #tpu.memory_space<vmem>>, vector<5000x256xf32>
    %add3A = arith.addf %concatenate3A, %get3A_11 : vector<5000x256xf32>
    %swap3A = arith.constant 0 : index
    %swap3A_12 = arith.constant 0 : index
    %swap3A_13 = vector.load %arg3[%swap3A, %swap3A_12] : memref<5000x256xf32, #tpu.memory_space<vmem>>, vector<5000x256xf32>
    tpu.vector_store %arg3[%swap3A, %swap3A_12], %add3A {strides = array<i32>} : memref<5000x256xf32, #tpu.memory_space<vmem>>, vector<5000x256xf32>,
    return
  }
  func.func @transform_0(%arg0: i32) -> (i32, i32, i32) {
    %c0_i32 = arith.constant 0 : i32
    %c0_i32_0 = arith.constant 0 : i32
    %c0_i32_1 = arith.constant 0 : i32
    return %c0_i32, %arg0, %c0_i32_0 : i32, i32, i32
  }
  func.func @transform_1(%arg0: i32) -> (i32, i32) {
    %c0_i32 = arith.constant 0 : i32
    %c0_i32_0 = arith.constant 0 : i32
    return %arg0, %c0_i32 : i32, i32
  }
  func.func @transform_2(%arg0: i32) -> (i32, i32) {
    %c0_i32 = arith.constant 0 : i32
    %c0_i32_0 = arith.constant 0 : i32
    return %arg0, %c0_i32 : i32, i32
  }
}

</mosaic_0001>

<sc_bundles>
// kernel: kernel.12.cloned.1.call-start
scs
__scs_entry_jumppad:
0x0: {  	(pc) =	sbr.rel $0x88, $3  }
0x1: {  	(tag) =	ssettag $0x0;
	lr =	simm.s32 $0x1  }
0x2: {  	[smem:$0x3F96] =	sst lr;
	_ =	strace $0xD0000000  }
0x3: {  	_ = 	snop  }
0x4: {  	_ = 	snop  }
0x5: {  	_ = 	snop  }
0x6: {  	_ = 	snop  }
0x7: {  	_ = 	snop  }
__scs_overlays_trampoline_lowered:
0x8: {  	[smem:$0x3FA5] =	sst s0  }
0x9: {  	[smem:$0x3FA6] =	sst s1  }
0xa: {  	[smem:$0x3FA7] =	sst s2  }
0xb: {  	[smem:$0x3FA8] =	sst s3  }
0xc: {  	[smem:$0x3FA9] =	sst s4  }
0xd: {  	[smem:$0x3FAA] =	sst s5  }
0xe: {  	[smem:$0x3FAB] =	sst s6  }
0xf: {  	[smem:$0x3FAC] =	sst s7  }
0x10: {  	[smem:$0x3FAD] =	sst s8  }
0x11: {  	[smem:$0x3FAE] =	sst s9;
	s0 =	simm.s32 @!p0 $0x0  }
0x12: {  	s1 =	sld [smem:$0x3F94];
	s0 =	simm.s32 @p0 $0x1  }
0x13: {  	[smem:$0x3FAF] =	sst s0;
	s0 =	simm.s32 @!p1 $0x0  }
0x14: {  	s2 =	sld [smem:$0x3F93];
	s0 =	simm.s32 @p1 $0x1  }
0x15: {  	[smem:$0x3FB0] =	sst s0;
	s0 =	simm.s32 @!p2 $0x0  }
0x16: {  	s3 =	sld [smem:$0x3FDB];
	s0 =	simm.s32 @p2 $0x1  }
0x17: {  	s4 =	simm.s32 $0x1BF5;
	[smem:$0x3FB2] =	sst s0  }
0x18: {  	s0 =	sld [smem:$0x3F95];
	_ =	swait.ge [sflag:s4], $0x0  }
0x19: {  	s7 =	sld [smem:$0x3F96]  }
0x1a: {  	s8 =	sadd.s32 $0xFFFFE003, lr  }
0x1b: {  	s9 =	sadd.s32 $0xFFFFFEF7, lr;
	s5 =	simm.s32 $0xFFFFFFFF;
	p2 =	slt.u32 s8, $0xFFFFF086  }
0x1c: {  	p1 =	slt.u32 s9, $0xF7A;
	s5 =	simm.s32 @!p2 $0x0  }
0x1d: {  	s5 =	simm.s32 @p1 $0x1;
	p0 =	seq.s32 s7, s2  }
0x1e: {  	s7 =	smul.u32 @!p0 $0xF7A, s2;
	p2 =	seq.s32 @!p0 s5, $0x0  }
0x1f: {  	s9 =	smul.u32 $0xF7A, s1;
	s8 =	simm.s32 @!p0 $0x1BF5;
	p2 =	por !p2, p0  }
0x20: {  	[sflag:s8] =	ssyncset.s32 @!p0 $0xFFFFF086;
	s6 =	sadd.s32 @!p0 s3, s7;
	s7 =	simm.s32 @!p0 $0x108  }
0x21: {  	s3 =	sadd.s32 s3, s9;
	s6 =	sadd.s32 @!p0 $0x88, s6;
	s7 =	simm.s32 @p2 $0x1082  }
0x22: {  	[simem:s7], [sflag:s8] =	dma.local @!p0 [hbm:s6], $0xF7A  }
0x23: {  	s9 =	sor.u32 $0xD0000000, s2;
	s6 =	simm.s32 $0x108;
	_ =	swait.ge @!p0 [sflag:s8], $0x0  }
0x24: {  	s3 =	sadd.s32 $0x88, s3;
	s6 =	simm.s32 @!p1 $0x1082;
	[sflag:s4] =	ssyncset.s32 $0xFFFFF086  }
0x25: {  	[simem:s6], [sflag:s4] =	dma.local [hbm:s3], $0xF7A  }
0x26: {  	[smem:$0x3F96] =	sst s1;
	(tag) =	ssettag s2;
	_ =	strace s9  }
0x27: {  	s1 =	sld [smem:$0x3FA6]  }
0x28: {  	s2 =	sld [smem:$0x3FA7]  }
0x29: {  	s4 =	sld [smem:$0x3FA9]  }
0x2a: {  	p0 =	seq.s32 s5, $0x0;
	s5 =	sld [smem:$0x3FAA]  }
0x2b: {  	s6 =	sld [smem:$0x3FAB]  }
0x2c: {  	s7 =	sld [smem:$0x3FAC]  }
0x2d: {  	s3 =	simm.s32 $0x108;
	s8 =	sld [smem:$0x3FAD]  }
0x2e: {  	s3 =	simm.s32 @!p0 $0x1082;
	s9 =	sld [smem:$0x3FAE]  }
0x2f: {  	lr =	sadd.s32 s0, s3;
	s0 =	sld [smem:$0x3FA5]  }
0x30: {  	s3 =	sld [smem:$0x3FA8]  }
0x31: {  	[smem:$0x3FB1] =	sst s10  }
0x32: {  	s10 =	sld [smem:$0x3FAF];
	_ =	sdelay $0x3  }
0x33: {  	p0 =	seq.s32 s10, $0x1;
	s10 =	sld [smem:$0x3FB1];
	_ =	sdelay $0x3  }
0x34: {  	[smem:$0x3FB1] =	sst s10  }
0x35: {  	s10 =	sld [smem:$0x3FB0];
	_ =	sdelay $0x3  }
0x36: {  	p1 =	seq.s32 s10, $0x1;
	s10 =	sld [smem:$0x3FB1];
	_ =	sdelay $0x3  }
0x37: {  	[smem:$0x3FB1] =	sst s10  }
0x38: {  	s10 =	sld [smem:$0x3FB2]  }
0x39: {  	_ = 	snop;
	(pc) =	sbr.ind lr, $3  }
0x3a: {  	_ = 	snop  }
0x3b: {  	_ = 	snop  }
0x3c: {  	p2 =	seq.s32 s10, $0x1;
	s10 =	sld [smem:$0x3FB1]  }
0x3d: {  	_ =	shalt  }
0x3e: {  	_ =	shalt  }
0x3f: {  	_ =	shalt  }
0x40: {  	_ =	shalt  }
0x41: {  	_ =	shalt  }
0x42: {  	_ =	shalt  }
0x43: {  	_ =	shalt  }
0x44: {  	_ =	shalt  }
0x45: {  	_ =	shalt  }
0x46: {  	_ =	shalt  }
0x47: {  	_ =	shalt  }
0x48: {  	_ =	shalt  }
0x49: {  	_ =	shalt  }
0x4a: {  	_ =	shalt  }
0x4b: {  	_ =	shalt  }
0x4c: {  	_ =	shalt  }
0x4d: {  	_ =	shalt  }
0x4e: {  	_ =	shalt  }
0x4f: {  	_ =	shalt  }
0x50: {  	_ =	shalt  }
0x51: {  	_ =	shalt  }
0x52: {  	_ =	shalt  }
0x53: {  	_ =	shalt  }
0x54: {  	_ =	shalt  }
0x55: {  	_ =	shalt  }
0x56: {  	_ =	shalt  }
0x57: {  	_ =	shalt  }
0x58: {  	_ =	shalt  }
0x59: {  	_ =	shalt  }
0x5a: {  	_ =	shalt  }
0x5b: {  	_ =	shalt  }
0x5c: {  	_ =	shalt  }
0x5d: {  	_ =	shalt  }
0x5e: {  	_ =	shalt  }
0x5f: {  	_ =	shalt  }
0x60: {  	_ =	shalt  }
0x61: {  	_ =	shalt  }
0x62: {  	_ =	shalt  }
0x63: {  	_ =	shalt  }
0x64: {  	_ =	shalt  }
0x65: {  	_ =	shalt  }
0x66: {  	_ =	shalt  }
0x67: {  	_ =	shalt  }
0x68: {  	_ =	shalt  }
0x69: {  	_ =	shalt  }
0x6a: {  	_ =	shalt  }
0x6b: {  	_ =	shalt  }
0x6c: {  	_ =	shalt  }
0x6d: {  	_ =	shalt  }
0x6e: {  	_ =	shalt  }
0x6f: {  	_ =	shalt  }
0x70: {  	_ =	shalt  }
0x71: {  	_ =	shalt  }
0x72: {  	_ =	shalt  }
0x73: {  	_ =	shalt  }
0x74: {  	_ =	shalt  }
0x75: {  	_ =	shalt  }
0x76: {  	_ =	shalt  }
0x77: {  	_ =	shalt  }
0x78: {  	_ =	shalt  }
0x79: {  	_ =	shalt  }
0x7a: {  	_ =	shalt  }
0x7b: {  	_ =	shalt  }
0x7c: {  	_ =	shalt  }
0x7d: {  	_ =	shalt  }
0x7e: {  	_ =	shalt  }
0x7f: {  	_ =	shalt  }
0x80: {  	_ =	shalt  }
0x81: {  	_ =	shalt  }
0x82: {  	_ =	shalt  }
0x83: {  	_ =	shalt  }
0x84: {  	_ =	shalt  }
0x85: {  	_ =	shalt  }
0x86: {  	_ =	shalt  }
0x87: {  	_ =	shalt  }
.Lfunc_end0:
.L_simem_size_0:
called_computation.1_lowered:
.L_overlay_start_0:
0x88: {  	s2 =	sld [smem:$0x3FD9]  }
0x89: {  	s3 =	sld [smem:$0x3FFE];
	_ =	sdelay $0x1  }
0x8a: {  	s1 =	srdreg.scid  }
0x8b: {  	s0 =	sand.u32 $0x1, s1  }
0x8c: {  	s17 =	sshll.u32 s0, $0xA;
	s2 =	sadd.s32 s3, s2  }
0x8d: {  	s2 =	sadd.s32 s2, s17  }
0x8e: {  	[smem:$0x3FBD] =	sst s2  }
0x8f: {  	_ = 	snop  }
0x90: {  	s2 =	sld [smem:$0x3FD0];
	(tm) =	ssettm $0x1  }
0x91: {  	s18 =	sld [smem:$0x3FFB];
	_ =	sdelay $0x3  }
0x92: {  	_ =	strace s18  }
0x93: {  	s3 =	sld [smem:$0x3FFC];
	_ =	sdelay $0x3  }
0x94: {  	_ =	strace s3  }
0x95: {  	s3 =	sld [smem:$0x3FFD];
	_ =	sdelay $0x3  }
0x96: {  	_ =	strace s3  }
0x97: {  	_ =	strace $0x8FFFFFFF  }
0x98: {  	s19 =	sld [smem:$0x3FDB];
	_ =	sdelay $0x1  }
0x99: {  	s4 =	simm.s32 $_scs_section_size  }
0x9a: {  	s5 =	simm.s32 $_size__tile_overlayer_lowered;
	s6 =	simm.s32 $_tile_overlayer_lowered  }
0x9b: {  	s22 =	simm.s32 $0x1BFF;
	s21 =	sshll.u32 s6, $0x1;
	s3 =	sadd.s32 s4, s19  }
0x9c: {  	s7 =	simm.s32 $0x0;
	s20 =	sshll.u32 s5, $0x1;
	s5 =	sadd.s32 s21, s3  }
0x9d: {  	[timem:s7], [sflag:s22] =	dma.local [hbm:s5], s20  }
0x9e: {  	_ =	swait.ge [sflag:s22], s20  }
0x9f: {  	s4 =	ssub.s32 $0x0, s20;
	[sflag:s22] =	ssyncset.done $0x0  }
0xa0: {  	[sflag:s22] =	ssyncadd.s32 s4;
	_ =	sdelay $0x1  }
0xa1: {  	s23 =	simm.s32 $0x1B8B  }
0xa2: {  	_ =	swait.ge [sflag:s23], $0x1  }
0xa3: {  	[sflag:s23] =	ssyncset.done $0x0  }
0xa4: {  	s25 =	simm.s32 $0x1B8E;
	s24 =	sld [smem:$0x3FFE];
	[sflag:s23] =	ssyncadd.s32 $0xFFFFFFFF  }
0xa5: {  	s26 =	simm.s32 $execute0_lowered;
	[smem:$0x3FD2] =	sst s25  }
0xa6: {  	s5 =	sshll.u32 s26, $0x1;
	_ =	strace $0x80000049;
	[dreg:$0x1] =	wrdreg $0xFFFFFFFF  }
0xa7: {  	s28 =	simm.s32 $_size_execute0_lowered;
	s3 =	sadd.s32 s3, s5;
	[dreg:$0x0] =	wrdreg $0x0  }
0xa8: {  	s5 =	sshll.u32 s28, $0x1;
	[dreg:$0x2] =	wrdreg s3  }
0xa9: {  	[dreg:$0x3] =	wrdreg s5  }
0xaa: {  	[dreg:$0x4] =	wrdreg $0xC0  }
0xab: {  	_ =	task [dreg:s7], $0x5FFFF  }
0xac: {  	[dreg:$0x1] =	wrdreg $0xFFFFFFFF  }
0xad: {  	[dreg:$0x0] =	wrdreg $0x60  }
0xae: {  	[dreg:$0x2] =	wrdreg s2  }
0xaf: {  	[dreg:$0x3] =	wrdreg s24  }
0xb0: {  	[dreg:$0x4] =	wrdreg $0xA9000  }
0xb1: {  	[dreg:$0x5] =	wrdreg $0x9  }
0xb2: {  	_ =	task.clear_ibuf [dreg:s7], $0x6FFFF;
	_ =	strace $0x90000049  }
0xb3: {  	s29 =	simm.s32 $0x9;
	_ =	strace $0x8000004B  }
0xb4: {  	_ =	swait.ge [sflag:s29], $0x1  }
0xb5: {  	[sflag:s29] =	ssyncadd.s32 $0xFFFFFFFF  }
0xb6: {  	_ =	strace $0x9000004B  }
0xb7: {  	_ =	sfence  }
0xb8: {  	s30 =	sld [smem:$0x0];
	_ =	sdelay $0x2  }
0xb9: {  	s31 =	sshll.u32 s1, $0xD;
	s1 =	sshrl.u32 s1, $0x2  }
0xba: {  	s3 =	sand.u32 $0x4000, s31;
	s1 =	sadd.s32 s1, s30  }
0xbb: {  	s0 =	sor.u32 s3, s0;
	s1 =	sshll.u32 s1, $0x11  }
0xbc: {  	s0 =	sor.u32 s1, s0  }
0xbd: {  	s0 =	sadd.s32 $0x8F2B, s0  }
0xbe: {  	[sflag:s0] =	ssyncadd.remote.s32 $0x1  }
0xbf: {  	_ =	sfence.sel $0xFFFF  }
0xc0: {  	[dreg:$0x0] =	wrdreg $0xFFFFFFFF;
	(pc) =	sbr.abs _section_cstart, $3  }
0xc1: {  	[dreg:$0x1] =	wrdreg $0xFFFFFFFF  }
0xc2: {  	_ =	task.clear_ibuf [dreg:s7], $0x2FFFF;
	_ =	strace $0x9FFFFFFF  }
0xc3: {  	(tm) =	ssettm $0x7FFFFFFF  }
tec
execute0_lowered:
.L_overlay_start_1:
0x0: {  	(tag) =	ssettag $0x1  }
0x1: {  	s2 =	rddreg [dreg:$0x0]  }
0x2: {  	s0 =	srdreg.scid;
	s1 =	rddreg [dreg:$0x1]  }
0x3: {  	s12 =	stileid.u32;
	s4 =	rddreg [dreg:$0x2];
	s5 =	simm.s32 $0x0  }
0x4: {  	s28 =	simm.s32 $0x1;
	s29 =	simm.s32 $0x5;
	s3 =	smul.u32 $0x2800, s12  }
0x5: {  	s30 =	simm.s32 $0x3;
	s31 =	simm.s32 $0x2;
	s7 =	smul.u32 $0x4F000, s12  }
0x6: {  	s0 =	sand.u32 $0x1, s0;
	[smem:$0x7FF] =	sst s5;
	s23 =	smul.u32 $0x13800, s12  }
0x7: {  	s8 =	sadd.s32 $0x5F800, s1;
	s24 =	smul.u32 $0x4E000, s12;
	p0 =	sne.s32 s12, $0xF  }
0x8: {  	s6 =	smul.u32 $0x28000, s0;
	_ =	strace $0x8000004A;
	s10 =	ssub.s32 $0x2, s0  }
0x9: {  	[dreg:$0x4] =	wrdreg s8;
	s0 =	smul.u32 $0x138800, s0;
	s7 =	sshrl.u32 s7, $0x2  }
0xa: {  	s11 =	sshrl.u32 s10, $0x1;
	s22 =	sshrl.u32 s3, $0x3;
	s6 =	sadd.s32 s3, s6  }
0xb: {  	s8 =	sadd.s32 s7, s4;
	s13 =	ssub.s32 s10, s11;
	s25 =	sadd.s32 s23, s0  }
0xc: {  	s0 =	sshrl.u32 s0, $0x3;
	s23 =	simm.s32 $0x6800;
	s7 =	simm.s32 $0x0  }
0xd: {  	s6 =	sshrl.u32 s6, $0x3;
	s18 =	sadd.s32 $0x4000, s8;
	s19 =	sadd.s32 $0x8000, s8  }
0xe: {  	s20 =	sadd.s32 $0xC000, s8;
	s21 =	sadd.s32 $0x10000, s8;
	[dreg:$0x5] =	wrdreg s18  }
0xf: {  	s10 =	sshrl.u32 s25, $0x3;
	s9 =	sadd.s32 s6, s1;
	[dreg:$0x6] =	wrdreg s19  }
0x10: {  	s6 =	sadd.s32 $0x2600, s1;
	s1 =	sadd.s32 $0x60000, s1;
	[dreg:$0x7] =	wrdreg s20  }
0x11: {  	[dreg:$0x8] =	wrdreg s21;
	s18 =	smax.u32 s13, $0x1;
	s19 =	simm.s32 $0x2800  }
0x12: {  	s20 =	simm.s32 $0x7;
	s21 =	simm.s32 $0x80;
	s9 =	sadd.s32 $0x7600, s9  }
0x13: {  	s14 =	sadd.s32 s6, s22;
	s0 =	sadd.s32 s1, s0;
	s16 =	sadd.s32 s1, s10  }
0x14: {  	s22 =	simm.s32 $0xA800;
	s1 =	simm.s32 $0x6;
	[dreg:$0x9] =	wrdreg s9  }
0x15: {  	s9 =	sshrl.u32 s24, $0x2;
	s17 =	sadd.s32 $0x27000, s0;
	s0 =	sadd.s32 $0x138000, s4  }
0x16: {  	s15 =	sadd.s32 $0x10, s14;
	s26 =	sadd.s32 s9, s4;
	s25 =	sshrl.u32 @!p0 s0, $0x3  }
0x17: {  	s0 =	simm.s32 $0x4;
	s24 =	sshrl.u32 s26, $0x3;
	s26 =	simm.s32 $0xA880  }
.LBB2_1:
0x18: {  	s9 =	rddreg [dreg:$0x4]  }
0x19: {  	[tilespmem:s19], [sflag:$0x7] =	stream.linear.gather [hbm4b:s9+s5], $0x4000, $0x38;
	[tilespmem:$0x1E500] =	vst v63  }
0x1a: {  	_ =	swait.ge [sflag:s20], $0x4000  }
0x1b: {  	[sflag:s20] =	ssyncset.done $0x0  }
0x1c: {  	[sflag:s20] =	ssyncadd.s32 $0xFFFFC000  }
0x1d: {  	[spmem:s8] =	stream.linear.scatter [tilespmem:s19], [sflag:$0x7], $0x4000, $0x38;
	[tilespmem:$0x1E500] =	vst v63  }
0x1e: {  	_ =	swait.ge [sflag:s20], $0x4000  }
0x1f: {  	[sflag:s20] =	ssyncset.done $0x0  }
0x20: {  	s10 =	rddreg [dreg:$0x5];
	[sflag:s20] =	ssyncadd.s32 $0xFFFFC000  }
0x21: {  	[spmem:s10] =	stream.linear.scatter [tilespmem:s19], [sflag:$0x7], $0x4000, $0x38;
	[tilespmem:$0x1E500] =	vst v63  }
0x22: {  	_ =	swait.ge [sflag:s20], $0x4000  }
0x23: {  	[sflag:s20] =	ssyncset.done $0x0  }
0x24: {  	s11 =	rddreg [dreg:$0x6];
	[sflag:s20] =	ssyncadd.s32 $0xFFFFC000  }
0x25: {  	[spmem:s11] =	stream.linear.scatter [tilespmem:s19], [sflag:$0x7], $0x4000, $0x38;
	[tilespmem:$0x1E500] =	vst v63  }
0x26: {  	_ =	swait.ge [sflag:s20], $0x4000  }
0x27: {  	[sflag:s20] =	ssyncset.done $0x0  }
0x28: {  	s12 =	rddreg [dreg:$0x7];
	[sflag:s20] =	ssyncadd.s32 $0xFFFFC000  }
0x29: {  	[spmem:s12] =	stream.linear.scatter [tilespmem:s19], [sflag:$0x7], $0x4000, $0x38;
	[tilespmem:$0x1E500] =	vst v63  }
0x2a: {  	_ =	swait.ge [sflag:s20], $0x4000  }
0x2b: {  	[sflag:s20] =	ssyncset.done $0x0  }
0x2c: {  	s13 =	rddreg [dreg:$0x8];
	[sflag:s20] =	ssyncadd.s32 $0xFFFFC000  }
0x2d: {  	[spmem:s13] =	stream.linear.scatter [tilespmem:s19], [sflag:$0x7], $0x3C00, $0x38;
	[tilespmem:$0x1E500] =	vst v63  }
0x2e: {  	_ =	swait.ge [sflag:s20], $0x3C00  }
0x2f: {  	[sflag:s20] =	ssyncset.done $0x0  }
0x30: {  	s10 =	rddreg [dreg:$0x9];
	[sflag:s20] =	ssyncadd.s32 $0xFFFFC400  }
0x31: {  	[tilespmem:s5], [sflag:$0x7] =	stream.linear.gather [hbm4b:s10+s5], $0x2800, $0x38;
	[tilespmem:$0x1E500] =	vst v63  }
0x32: {  	_ =	swait.ge [sflag:s20], $0x2800  }
0x33: {  	[sflag:s20] =	ssyncset.done $0x0  }
0x34: {  	[sflag:s20] =	ssyncadd.s32 $0xFFFFD800  }
0x35: {  	[tilespmem:s19], [sflag:$0x1] =	stream.indirect.gather [hbm4b:s2+s21], $0x80, s5, s21, $0xb8;
	[tilespmem:$0x1E500] =	vst v63  }
0x36: {  	_ = 	snop  }
0x37: {  	[tilespmem:s22], [sflag:$0x5] =	stream.linear.gather [hbm4b:s14+s5], $0x80, $0x38;
	[tilespmem:$0x1E500] =	vst v63  }
0x38: {  	_ = 	snop  }
0x39: {  	[tilespmem:s23], [sflag:$0x2] =	stream.indirect.gather [hbm4b:s2+s21], $0x80, s21, s21, $0xb8;
	[tilespmem:$0x1E500] =	vst v63  }
0x3a: {  	_ = 	snop  }
0x3b: {  	[tilespmem:s26], [sflag:$0x6] =	stream.linear.gather [hbm4b:s15+s5], $0x80, $0x38;
	[tilespmem:$0x1E500] =	vst v63  }
0x3c: {  	[bflag:$0x0] =	sbarrier.arrive $0xFFFF  }
0x3d: {  	_ =	swait.ge [sflag:s28], $0x4000  }
0x3e: {  	[sflag:s28] =	ssyncset.done $0x0  }
0x3f: {  	[sflag:s28] =	ssyncadd.s32 $0xFFFFC000  }
0x40: {  	_ =	swait.ge [sflag:s29], $0x80  }
0x41: {  	s11 =	simm.s32 $0x100;
	[sflag:s29] =	ssyncset.done $0x0  }
0x42: {  	s10 =	sand.u32 $0x7C00, s11;
	[sflag:s29] =	ssyncadd.s32 $0xFFFFFF80  }
0x43: {  	[spmem:s4] =	stream.indirect.scatter.add.f32 [tilespmem:s19], [sflag:$0x3], $0x80, s22, s21, $0xb8;
	[tilespmem:$0x1E500] =	vst v63  }
0x44: {  	s11 =	sand.u32 $0x300, s11;
	s10 =	sadd.s32 s3, s10;
	_ =	swait.ge [sflag:s30], $0x4000  }
0x45: {  	s10 =	sor.u32 s11, s10;
	[sflag:s30] =	ssyncset.done $0x0  }
0x46: {  	s9 =	simm.s32 $0x100;
	s10 =	sshrl.u32 s10, $0x3;
	[sflag:s30] =	ssyncadd.s32 $0xFFFFC000  }
0x47: {  	[tilespmem:s19], [sflag:$0x1] =	stream.indirect.gather [hbm4b:s2+s21], $0x80, s9, s21, $0xb8;
	[tilespmem:$0x1E500] =	vst v63  }
0x48: {  	s10 =	sadd.s32 s6, s10  }
0x49: {  	[tilespmem:s22], [sflag:$0x5] =	stream.linear.gather [hbm4b:s10+s5], $0x80, $0x38;
	[tilespmem:$0x1E500] =	vst v63  }
0x4a: {  	_ =	swait.ge [sflag:s31], $0x4000  }
0x4b: {  	[sflag:s31] =	ssyncset.done $0x0  }
0x4c: {  	[sflag:s31] =	ssyncadd.s32 $0xFFFFC000  }
0x4d: {  	_ =	swait.ge [sflag:s1], $0x80  }
0x4e: {  	s10 =	simm.s32 $0x180;
	[sflag:s1] =	ssyncset.done $0x0  }
0x4f: {  	s13 =	sand.u32 $0x7C00, s10;
	[sflag:s1] =	ssyncadd.s32 $0xFFFFFF80  }
0x50: {  	[spmem:s4] =	stream.indirect.scatter.add.f32 [tilespmem:s23], [sflag:$0x4], $0x80, s26, s21, $0xb8;
	[tilespmem:$0x1E500] =	vst v63  }
0x51: {  	s10 =	sand.u32 $0x380, s10;
	s11 =	sadd.s32 s3, s13;
	_ =	swait.ge [sflag:s0], $0x4000  }
0x52: {  	s12 =	simm.s32 $0x180;
	s11 =	sor.u32 s10, s11;
	[sflag:s0] =	ssyncset.done $0x0  }
0x53: {  	s10 =	simm.s32 $0x280;
	s11 =	sshrl.u32 s11, $0x3;
	[sflag:s0] =	ssyncadd.s32 $0xFFFFC000  }
0x54: {  	[tilespmem:s23], [sflag:$0x2] =	stream.indirect.gather [hbm4b:s2+s21], $0x80, s12, s21, $0xb8;
	[tilespmem:$0x1E500] =	vst v63  }
.LBB2_2:
0x55: {  	p1 =	sne.s32 s10, $0x2780;
	s11 =	sadd.s32 s6, s11;
	s9 =	sadd.s32 $0x100, s9  }
0x56: {  	[tilespmem:s26], [sflag:$0x6] =	stream.linear.gather [hbm4b:s11+s5], $0x80, $0x38;
	[tilespmem:$0x1E500] =	vst v63  }
0x57: {  	s11 =	smov.u32 s10;
	s10 =	sadd.s32 $0x100, s10;
	_ =	swait.ge [sflag:s28], $0x4000  }
0x58: {  	[sflag:s28] =	ssyncset.done $0x0  }
0x59: {  	[sflag:s28] =	ssyncadd.s32 $0xFFFFC000  }
0x5a: {  	_ =	swait.ge [sflag:s29], $0x80  }
0x5b: {  	[sflag:s29] =	ssyncset.done $0x0  }
0x5c: {  	s12 =	sadd.s32 $0xFFFFFF80, s11;
	[sflag:s29] =	ssyncadd.s32 $0xFFFFFF80  }
0x5d: {  	[spmem:s4] =	stream.indirect.scatter.add.f32 [tilespmem:s19], [sflag:$0x3], $0x80, s22, s21, $0xb8;
	[tilespmem:$0x1E500] =	vst v63  }
0x5e: {  	s13 =	sand.u32 $0x7C00, s12;
	_ =	swait.ge [sflag:s30], $0x4000  }
0x5f: {  	s12 =	sand.u32 $0x300, s12;
	s13 =	sadd.s32 s3, s13;
	[sflag:s30] =	ssyncset.done $0x0  }
0x60: {  	s12 =	sor.u32 s12, s13;
	[sflag:s30] =	ssyncadd.s32 $0xFFFFC000  }
0x61: {  	[tilespmem:s19], [sflag:$0x1] =	stream.indirect.gather [hbm4b:s2+s21], $0x80, s9, s21, $0xb8;
	[tilespmem:$0x1E500] =	vst v63  }
0x62: {  	s12 =	sshrl.u32 s12, $0x3  }
0x63: {  	s12 =	sadd.s32 s6, s12  }
0x64: {  	[tilespmem:s22], [sflag:$0x5] =	stream.linear.gather [hbm4b:s12+s5], $0x80, $0x38;
	[tilespmem:$0x1E500] =	vst v63  }
0x65: {  	_ =	swait.ge [sflag:s31], $0x4000  }
0x66: {  	[sflag:s31] =	ssyncset.done $0x0  }
0x67: {  	[sflag:s31] =	ssyncadd.s32 $0xFFFFC000  }
0x68: {  	_ =	swait.ge [sflag:s1], $0x80  }
0x69: {  	[sflag:s1] =	ssyncset.done $0x0  }
0x6a: {  	s12 =	sand.u32 $0x7C00, s11;
	[sflag:s1] =	ssyncadd.s32 $0xFFFFFF80  }
0x6b: {  	[spmem:s4] =	stream.indirect.scatter.add.f32 [tilespmem:s23], [sflag:$0x4], $0x80, s26, s21, $0xb8;
	[tilespmem:$0x1E500] =	vst v63  }
.Ltmp0:
0x6c: {  	_ = 	snop;
	(pc) =	sbr.rel @p1 .LBB2_2-.Ltmp0, $4  }
0x6d: {  	s11 =	sand.u32 $0x380, s11;
	s12 =	sadd.s32 s3, s12;
	_ =	swait.ge [sflag:s0], $0x4000  }
0x6e: {  	s11 =	sor.u32 s11, s12;
	[sflag:s0] =	ssyncset.done $0x0  }
0x6f: {  	s12 =	sadd.s32 $0x80, s9;
	s11 =	sshrl.u32 s11, $0x3;
	[sflag:s0] =	ssyncadd.s32 $0xFFFFC000  }
0x70: {  	[tilespmem:s23], [sflag:$0x2] =	stream.indirect.gather [hbm4b:s2+s21], $0x80, s12, s21, $0xb8;
	[tilespmem:$0x1E500] =	vst v63  }
0x71: {  	s9 =	sadd.s32 s6, s11  }
0x72: {  	[tilespmem:s26], [sflag:$0x6] =	stream.linear.gather [hbm4b:s9+s5], $0x80, $0x38;
	[tilespmem:$0x1E500] =	vst v63  }
0x73: {  	_ =	swait.ge [sflag:s28], $0x4000  }
0x74: {  	[sflag:s28] =	ssyncset.done $0x0  }
0x75: {  	[sflag:s28] =	ssyncadd.s32 $0xFFFFC000  }
0x76: {  	_ =	swait.ge [sflag:s29], $0x80  }
0x77: {  	[sflag:s29] =	ssyncset.done $0x0  }
0x78: {  	[sflag:s29] =	ssyncadd.s32 $0xFFFFFF80  }
0x79: {  	[spmem:s4] =	stream.indirect.scatter.add.f32 [tilespmem:s19], [sflag:$0x3], $0x80, s22, s21, $0xb8;
	[tilespmem:$0x1E500] =	vst v63  }
0x7a: {  	_ =	swait.ge [sflag:s30], $0x4000  }
0x7b: {  	[sflag:s30] =	ssyncset.done $0x0  }
0x7c: {  	[sflag:s30] =	ssyncadd.s32 $0xFFFFC000  }
0x7d: {  	_ =	swait.ge [sflag:s31], $0x4000  }
0x7e: {  	[sflag:s31] =	ssyncset.done $0x0  }
0x7f: {  	[sflag:s31] =	ssyncadd.s32 $0xFFFFC000  }
0x80: {  	_ =	swait.ge [sflag:s1], $0x80  }
0x81: {  	[sflag:s1] =	ssyncset.done $0x0  }
0x82: {  	[sflag:s1] =	ssyncadd.s32 $0xFFFFFF80  }
0x83: {  	[spmem:s4] =	stream.indirect.scatter.add.f32 [tilespmem:s23], [sflag:$0x4], $0x80, s26, s21, $0xb8;
	[tilespmem:$0x1E500] =	vst v63  }
0x84: {  	_ =	swait.ge [sflag:s0], $0x4000  }
0x85: {  	s13 =	stileid.u32;
	[sflag:s0] =	ssyncset.done $0x0  }
0x86: {  	s9 =	sshll.u32 s13, $0x6;
	[sflag:s0] =	ssyncadd.s32 $0xFFFFC000  }
0x87: {  	s9 =	sor.u32 $0x1C07, s9;
	[bflag:$0x0] =	sbarrier.arrive $0xFFFF  }
0x88: {  	[hbm:s16], [sflag:s9] =	dma.local [spmem:s24], $0x2700  }
0x89: {  	_ =	swait.ge [sflag:s20], $0x2700  }
0x8a: {  	s7 =	sadd.s32 $0x1, s7;
	[sflag:s20] =	ssyncset.done $0x0  }
0x8b: {  	p1 =	sne.s32 s7, s18;
	[sflag:s20] =	ssyncadd.s32 $0xFFFFD900  }
0x8c: {  	[hbm:s17], [sflag:s9] =	dma.local @!p0 [spmem:s25], $0x100  }
.Ltmp1:
0x8d: {  	_ = 	snop;
	(pc) =	sbr.rel @p1 .LBB2_1-.Ltmp1, $4  }
0x8e: {  	s9 =	simm.s32 @!p0 $0x7  }
0x8f: {  	_ =	swait.ge @!p0 [sflag:s9], $0x100  }
0x90: {  	[sflag:s9] =	ssyncset.done @!p0 $0x0  }
0x91: {  	[sflag:s9] =	ssyncadd.s32 @!p0 $0xFFFFFF00  }
0x92: {  	_ =	sfence.sel $0x180000  }
0x93: {  	[bflag:$0x0] =	sbarrier.arrive $0xFFFF  }
0x94: {  	_ =	strace $0x9000004A  }
0x95: {  	s0 =	stileid.u32;
	[bflag:$0x2] =	sbarrier.arrive $0xFFFF  }
0x96: {  	p0 =	sne.s32 s0, $0x0;
	s0 =	rddreg [dreg:$0x3]  }
0x97: {  	s0 =	sadd.s32 @!p0 $0x100000, s0  }
0x98: {  	[sflag:s0] =	ssyncadd.tile.s32 @!p0 $0x1;
	_ =	shalt  }
.Lfunc_end2:
_tile_overlayer_lowered:
.L_overlay_start_2:
0x99: {  	(tag) =	ssettag $0x2  }
0x9a: {  	s0 =	rddreg [dreg:$0x0];
	s2 =	stileid.u32  }
0x9b: {  	s1 =	rddreg [dreg:$0x1];
	p0 =	sne.s32 s2, $0x0  }
0x9c: {  	s3 =	rddreg [dreg:$0x2];
	[bflag:$0x3] =	sbarrier.arrive $0xFFFF;
	s2 =	simm.s32 @!p0 $0x1C07  }
0x9d: {  	[timem:s3], [sflag:s2] =	dma.local @!p0 [hbm:s0], s1  }
0x9e: {  	s0 =	simm.s32 @!p0 $0x7  }
0x9f: {  	_ =	swait.ge @!p0 [sflag:s0], s1  }
0xa0: {  	s1 =	ssub.s32 @!p0 $0x0, s1;
	[sflag:s0] =	ssyncset.done @!p0 $0x0  }
0xa1: {  	[sflag:s0] =	ssyncadd.s32 @!p0 s1  }
0xa2: {  	[bflag:$0x3] =	sbarrier.arrive $0xFFFF  }
0xa3: {  	_ =	shalt  }

// kernel: kernel.15.cloned.1.call-start
scs
__scs_entry_jumppad:
0x0: {  	(pc) =	sbr.rel $0x88, $3  }
0x1: {  	(tag) =	ssettag $0x0;
	lr =	simm.s32 $0x1  }
0x2: {  	[smem:$0x3F96] =	sst lr;
	_ =	strace $0xD0000000  }
0x3: {  	_ = 	snop  }
0x4: {  	_ = 	snop  }
0x5: {  	_ = 	snop  }
0x6: {  	_ = 	snop  }
0x7: {  	_ = 	snop  }
__scs_overlays_trampoline_lowered:
0x8: {  	[smem:$0x3FA5] =	sst s0  }
0x9: {  	[smem:$0x3FA6] =	sst s1  }
0xa: {  	[smem:$0x3FA7] =	sst s2  }
0xb: {  	[smem:$0x3FA8] =	sst s3  }
0xc: {  	[smem:$0x3FA9] =	sst s4  }
0xd: {  	[smem:$0x3FAA] =	sst s5  }
0xe: {  	[smem:$0x3FAB] =	sst s6  }
0xf: {  	[smem:$0x3FAC] =	sst s7  }
0x10: {  	[smem:$0x3FAD] =	sst s8  }
0x11: {  	[smem:$0x3FAE] =	sst s9;
	s0 =	simm.s32 @!p0 $0x0  }
0x12: {  	s1 =	sld [smem:$0x3F94];
	s0 =	simm.s32 @p0 $0x1  }
0x13: {  	[smem:$0x3FAF] =	sst s0;
	s0 =	simm.s32 @!p1 $0x0  }
0x14: {  	s2 =	sld [smem:$0x3F93];
	s0 =	simm.s32 @p1 $0x1  }
0x15: {  	[smem:$0x3FB0] =	sst s0;
	s0 =	simm.s32 @!p2 $0x0  }
0x16: {  	s3 =	sld [smem:$0x3FDB];
	s0 =	simm.s32 @p2 $0x1  }
0x17: {  	s4 =	simm.s32 $0x1BF5;
	[smem:$0x3FB2] =	sst s0  }
0x18: {  	s0 =	sld [smem:$0x3F95];
	_ =	swait.ge [sflag:s4], $0x0  }
0x19: {  	s7 =	sld [smem:$0x3F96]  }
0x1a: {  	s8 =	sadd.s32 $0xFFFFE003, lr  }
0x1b: {  	s9 =	sadd.s32 $0xFFFFFEF7, lr;
	s5 =	simm.s32 $0xFFFFFFFF;
	p2 =	slt.u32 s8, $0xFFFFF086  }
0x1c: {  	p1 =	slt.u32 s9, $0xF7A;
	s5 =	simm.s32 @!p2 $0x0  }
0x1d: {  	s5 =	simm.s32 @p1 $0x1;
	p0 =	seq.s32 s7, s2  }
0x1e: {  	s7 =	smul.u32 @!p0 $0xF7A, s2;
	p2 =	seq.s32 @!p0 s5, $0x0  }
0x1f: {  	s9 =	smul.u32 $0xF7A, s1;
	s8 =	simm.s32 @!p0 $0x1BF5;
	p2 =	por !p2, p0  }
0x20: {  	[sflag:s8] =	ssyncset.s32 @!p0 $0xFFFFF086;
	s6 =	sadd.s32 @!p0 s3, s7;
	s7 =	simm.s32 @!p0 $0x108  }
0x21: {  	s3 =	sadd.s32 s3, s9;
	s6 =	sadd.s32 @!p0 $0x88, s6;
	s7 =	simm.s32 @p2 $0x1082  }
0x22: {  	[simem:s7], [sflag:s8] =	dma.local @!p0 [hbm:s6], $0xF7A  }
0x23: {  	s9 =	sor.u32 $0xD0000000, s2;
	s6 =	simm.s32 $0x108;
	_ =	swait.ge @!p0 [sflag:s8], $0x0  }
0x24: {  	s3 =	sadd.s32 $0x88, s3;
	s6 =	simm.s32 @!p1 $0x1082;
	[sflag:s4] =	ssyncset.s32 $0xFFFFF086  }
0x25: {  	[simem:s6], [sflag:s4] =	dma.local [hbm:s3], $0xF7A  }
0x26: {  	[smem:$0x3F96] =	sst s1;
	(tag) =	ssettag s2;
	_ =	strace s9  }
0x27: {  	s1 =	sld [smem:$0x3FA6]  }
0x28: {  	s2 =	sld [smem:$0x3FA7]  }
0x29: {  	s4 =	sld [smem:$0x3FA9]  }
0x2a: {  	p0 =	seq.s32 s5, $0x0;
	s5 =	sld [smem:$0x3FAA]  }
0x2b: {  	s6 =	sld [smem:$0x3FAB]  }
0x2c: {  	s7 =	sld [smem:$0x3FAC]  }
0x2d: {  	s3 =	simm.s32 $0x108;
	s8 =	sld [smem:$0x3FAD]  }
0x2e: {  	s3 =	simm.s32 @!p0 $0x1082;
	s9 =	sld [smem:$0x3FAE]  }
0x2f: {  	lr =	sadd.s32 s0, s3;
	s0 =	sld [smem:$0x3FA5]  }
0x30: {  	s3 =	sld [smem:$0x3FA8]  }
0x31: {  	[smem:$0x3FB1] =	sst s10  }
0x32: {  	s10 =	sld [smem:$0x3FAF];
	_ =	sdelay $0x3  }
0x33: {  	p0 =	seq.s32 s10, $0x1;
	s10 =	sld [smem:$0x3FB1];
	_ =	sdelay $0x3  }
0x34: {  	[smem:$0x3FB1] =	sst s10  }
0x35: {  	s10 =	sld [smem:$0x3FB0];
	_ =	sdelay $0x3  }
0x36: {  	p1 =	seq.s32 s10, $0x1;
	s10 =	sld [smem:$0x3FB1];
	_ =	sdelay $0x3  }
0x37: {  	[smem:$0x3FB1] =	sst s10  }
0x38: {  	s10 =	sld [smem:$0x3FB2]  }
0x39: {  	_ = 	snop;
	(pc) =	sbr.ind lr, $3  }
0x3a: {  	_ = 	snop  }
0x3b: {  	_ = 	snop  }
0x3c: {  	p2 =	seq.s32 s10, $0x1;
	s10 =	sld [smem:$0x3FB1]  }
0x3d: {  	_ =	shalt  }
0x3e: {  	_ =	shalt  }
0x3f: {  	_ =	shalt  }
0x40: {  	_ =	shalt  }
0x41: {  	_ =	shalt  }
0x42: {  	_ =	shalt  }
0x43: {  	_ =	shalt  }
0x44: {  	_ =	shalt  }
0x45: {  	_ =	shalt  }
0x46: {  	_ =	shalt  }
0x47: {  	_ =	shalt  }
0x48: {  	_ =	shalt  }
0x49: {  	_ =	shalt  }
0x4a: {  	_ =	shalt  }
0x4b: {  	_ =	shalt  }
0x4c: {  	_ =	shalt  }
0x4d: {  	_ =	shalt  }
0x4e: {  	_ =	shalt  }
0x4f: {  	_ =	shalt  }
0x50: {  	_ =	shalt  }
0x51: {  	_ =	shalt  }
0x52: {  	_ =	shalt  }
0x53: {  	_ =	shalt  }
0x54: {  	_ =	shalt  }
0x55: {  	_ =	shalt  }
0x56: {  	_ =	shalt  }
0x57: {  	_ =	shalt  }
0x58: {  	_ =	shalt  }
0x59: {  	_ =	shalt  }
0x5a: {  	_ =	shalt  }
0x5b: {  	_ =	shalt  }
0x5c: {  	_ =	shalt  }
0x5d: {  	_ =	shalt  }
0x5e: {  	_ =	shalt  }
0x5f: {  	_ =	shalt  }
0x60: {  	_ =	shalt  }
0x61: {  	_ =	shalt  }
0x62: {  	_ =	shalt  }
0x63: {  	_ =	shalt  }
0x64: {  	_ =	shalt  }
0x65: {  	_ =	shalt  }
0x66: {  	_ =	shalt  }
0x67: {  	_ =	shalt  }
0x68: {  	_ =	shalt  }
0x69: {  	_ =	shalt  }
0x6a: {  	_ =	shalt  }
0x6b: {  	_ =	shalt  }
0x6c: {  	_ =	shalt  }
0x6d: {  	_ =	shalt  }
0x6e: {  	_ =	shalt  }
0x6f: {  	_ =	shalt  }
0x70: {  	_ =	shalt  }
0x71: {  	_ =	shalt  }
0x72: {  	_ =	shalt  }
0x73: {  	_ =	shalt  }
0x74: {  	_ =	shalt  }
0x75: {  	_ =	shalt  }
0x76: {  	_ =	shalt  }
0x77: {  	_ =	shalt  }
0x78: {  	_ =	shalt  }
0x79: {  	_ =	shalt  }
0x7a: {  	_ =	shalt  }
0x7b: {  	_ =	shalt  }
0x7c: {  	_ =	shalt  }
0x7d: {  	_ =	shalt  }
0x7e: {  	_ =	shalt  }
0x7f: {  	_ =	shalt  }
0x80: {  	_ =	shalt  }
0x81: {  	_ =	shalt  }
0x82: {  	_ =	shalt  }
0x83: {  	_ =	shalt  }
0x84: {  	_ =	shalt  }
0x85: {  	_ =	shalt  }
0x86: {  	_ =	shalt  }
0x87: {  	_ =	shalt  }
.Lfunc_end0:
.L_simem_size_0:
called_computation.2_lowered:
.L_overlay_start_0:
0x88: {  	s2 =	sld [smem:$0x3FD9]  }
0x89: {  	s3 =	sld [smem:$0x3FFE];
	_ =	sdelay $0x1  }
0x8a: {  	s1 =	srdreg.scid  }
0x8b: {  	s0 =	sand.u32 $0x1, s1  }
0x8c: {  	s17 =	sshll.u32 s0, $0xA;
	s2 =	sadd.s32 s3, s2  }
0x8d: {  	s2 =	sadd.s32 s2, s17  }
0x8e: {  	[smem:$0x3FBD] =	sst s2  }
0x8f: {  	_ = 	snop  }
0x90: {  	s2 =	sld [smem:$0x3FD0];
	(tm) =	ssettm $0x1  }
0x91: {  	s18 =	sld [smem:$0x3FFB];
	_ =	sdelay $0x3  }
0x92: {  	_ =	strace s18  }
0x93: {  	s3 =	sld [smem:$0x3FFC];
	_ =	sdelay $0x3  }
0x94: {  	_ =	strace s3  }
0x95: {  	s3 =	sld [smem:$0x3FFD];
	_ =	sdelay $0x3  }
0x96: {  	_ =	strace s3  }
0x97: {  	_ =	strace $0x8FFFFFFF  }
0x98: {  	s19 =	sld [smem:$0x3FDB];
	_ =	sdelay $0x1  }
0x99: {  	s4 =	simm.s32 $_scs_section_size  }
0x9a: {  	s5 =	simm.s32 $_size__tile_overlayer_lowered;
	s6 =	simm.s32 $_tile_overlayer_lowered  }
0x9b: {  	s22 =	simm.s32 $0x1BFF;
	s21 =	sshll.u32 s6, $0x1;
	s3 =	sadd.s32 s4, s19  }
0x9c: {  	s7 =	simm.s32 $0x0;
	s20 =	sshll.u32 s5, $0x1;
	s5 =	sadd.s32 s21, s3  }
0x9d: {  	[timem:s7], [sflag:s22] =	dma.local [hbm:s5], s20  }
0x9e: {  	_ =	swait.ge [sflag:s22], s20  }
0x9f: {  	s4 =	ssub.s32 $0x0, s20;
	[sflag:s22] =	ssyncset.done $0x0  }
0xa0: {  	[sflag:s22] =	ssyncadd.s32 s4;
	_ =	sdelay $0x1  }
0xa1: {  	s23 =	simm.s32 $0x1B8B  }
0xa2: {  	_ =	swait.ge [sflag:s23], $0x1  }
0xa3: {  	[sflag:s23] =	ssyncset.done $0x0  }
0xa4: {  	s25 =	simm.s32 $0x1B8E;
	s24 =	sld [smem:$0x3FFE];
	[sflag:s23] =	ssyncadd.s32 $0xFFFFFFFF  }
0xa5: {  	s26 =	simm.s32 $execute0_lowered;
	[smem:$0x3FD2] =	sst s25  }
0xa6: {  	s5 =	sshll.u32 s26, $0x1;
	_ =	strace $0x8000004C;
	[dreg:$0x1] =	wrdreg $0xFFFFFFFF  }
0xa7: {  	s28 =	simm.s32 $_size_execute0_lowered;
	s3 =	sadd.s32 s3, s5;
	[dreg:$0x0] =	wrdreg $0x0  }
0xa8: {  	s5 =	sshll.u32 s28, $0x1;
	[dreg:$0x2] =	wrdreg s3  }
0xa9: {  	[dreg:$0x3] =	wrdreg s5  }
0xaa: {  	[dreg:$0x4] =	wrdreg $0xC0  }
0xab: {  	_ =	task [dreg:s7], $0x5FFFF  }
0xac: {  	[dreg:$0x1] =	wrdreg $0xFFFFFFFF  }
0xad: {  	[dreg:$0x0] =	wrdreg $0x60  }
0xae: {  	[dreg:$0x2] =	wrdreg s2  }
0xaf: {  	[dreg:$0x3] =	wrdreg s24  }
0xb0: {  	[dreg:$0x4] =	wrdreg $0xA9000  }
0xb1: {  	[dreg:$0x5] =	wrdreg $0x9  }
0xb2: {  	_ =	task.clear_ibuf [dreg:s7], $0x6FFFF;
	_ =	strace $0x9000004C  }
0xb3: {  	s29 =	simm.s32 $0x9;
	_ =	strace $0x8000004E  }
0xb4: {  	_ =	swait.ge [sflag:s29], $0x1  }
0xb5: {  	[sflag:s29] =	ssyncadd.s32 $0xFFFFFFFF  }
0xb6: {  	_ =	strace $0x9000004E  }
0xb7: {  	_ =	sfence  }
0xb8: {  	s30 =	sld [smem:$0x0];
	_ =	sdelay $0x2  }
0xb9: {  	s31 =	sshll.u32 s1, $0xD;
	s1 =	sshrl.u32 s1, $0x2  }
0xba: {  	s3 =	sand.u32 $0x4000, s31;
	s1 =	sadd.s32 s1, s30  }
0xbb: {  	s0 =	sor.u32 s3, s0;
	s1 =	sshll.u32 s1, $0x11  }
0xbc: {  	s0 =	sor.u32 s1, s0  }
0xbd: {  	s0 =	sadd.s32 $0x8F2B, s0  }
0xbe: {  	[sflag:s0] =	ssyncadd.remote.s32 $0x1  }
0xbf: {  	_ =	sfence.sel $0xFFFF  }
0xc0: {  	[dreg:$0x0] =	wrdreg $0xFFFFFFFF;
	(pc) =	sbr.abs _section_cstart, $3  }
0xc1: {  	[dreg:$0x1] =	wrdreg $0xFFFFFFFF  }
0xc2: {  	_ =	task.clear_ibuf [dreg:s7], $0x2FFFF;
	_ =	strace $0x9FFFFFFF  }
0xc3: {  	(tm) =	ssettm $0x7FFFFFFF  }
tec
execute0_lowered:
.L_overlay_start_1:
0x0: {  	(tag) =	ssettag $0x1  }
0x1: {  	s2 =	rddreg [dreg:$0x0]  }
0x2: {  	s0 =	srdreg.scid;
	s1 =	rddreg [dreg:$0x1]  }
0x3: {  	s12 =	stileid.u32;
	s4 =	rddreg [dreg:$0x2];
	s5 =	simm.s32 $0x0  }
0x4: {  	s28 =	simm.s32 $0x1;
	s29 =	simm.s32 $0x5;
	s3 =	smul.u32 $0x2800, s12  }
0x5: {  	s30 =	simm.s32 $0x3;
	s31 =	simm.s32 $0x2;
	s7 =	smul.u32 $0x4F000, s12  }
0x6: {  	s0 =	sand.u32 $0x1, s0;
	[smem:$0x7FF] =	sst s5;
	s23 =	smul.u32 $0x13800, s12  }
0x7: {  	s8 =	sadd.s32 $0x5F800, s1;
	s24 =	smul.u32 $0x4E000, s12;
	p0 =	sne.s32 s12, $0xF  }
0x8: {  	s6 =	smul.u32 $0x28000, s0;
	_ =	strace $0x8000004D;
	s10 =	ssub.s32 $0x2, s0  }
0x9: {  	[dreg:$0x4] =	wrdreg s8;
	s0 =	smul.u32 $0x138800, s0;
	s7 =	sshrl.u32 s7, $0x2  }
0xa: {  	s11 =	sshrl.u32 s10, $0x1;
	s22 =	sshrl.u32 s3, $0x3;
	s6 =	sadd.s32 s3, s6  }
0xb: {  	s8 =	sadd.s32 s7, s4;
	s13 =	ssub.s32 s10, s11;
	s25 =	sadd.s32 s23, s0  }
0xc: {  	s0 =	sshrl.u32 s0, $0x3;
	s23 =	simm.s32 $0x6800;
	s7 =	simm.s32 $0x0  }
0xd: {  	s6 =	sshrl.u32 s6, $0x3;
	s18 =	sadd.s32 $0x4000, s8;
	s19 =	sadd.s32 $0x8000, s8  }
0xe: {  	s20 =	sadd.s32 $0xC000, s8;
	s21 =	sadd.s32 $0x10000, s8;
	[dreg:$0x5] =	wrdreg s18  }
0xf: {  	s10 =	sshrl.u32 s25, $0x3;
	s9 =	sadd.s32 s6, s1;
	[dreg:$0x6] =	wrdreg s19  }
0x10: {  	s6 =	sadd.s32 $0x2600, s1;
	s1 =	sadd.s32 $0x11600, s1;
	[dreg:$0x7] =	wrdreg s20  }
0x11: {  	[dreg:$0x8] =	wrdreg s21;
	s18 =	smax.u32 s13, $0x1;
	s19 =	simm.s32 $0x2800  }
0x12: {  	s20 =	simm.s32 $0x7;
	s21 =	simm.s32 $0x80;
	s9 =	sadd.s32 $0x7600, s9  }
0x13: {  	s14 =	sadd.s32 s6, s22;
	s0 =	sadd.s32 s1, s0;
	s16 =	sadd.s32 s1, s10  }
0x14: {  	s22 =	simm.s32 $0xA800;
	s1 =	simm.s32 $0x6;
	[dreg:$0x9] =	wrdreg s9  }
0x15: {  	s9 =	sshrl.u32 s24, $0x2;
	s17 =	sadd.s32 $0x27000, s0;
	s0 =	sadd.s32 $0x138000, s4  }
0x16: {  	s15 =	sadd.s32 $0x10, s14;
	s26 =	sadd.s32 s9, s4;
	s25 =	sshrl.u32 @!p0 s0, $0x3  }
0x17: {  	s0 =	simm.s32 $0x4;
	s24 =	sshrl.u32 s26, $0x3;
	s26 =	simm.s32 $0xA880  }
.LBB2_1:
0x18: {  	s9 =	rddreg [dreg:$0x4]  }
0x19: {  	[tilespmem:s19], [sflag:$0x7] =	stream.linear.gather [hbm4b:s9+s5], $0x4000, $0x38;
	[tilespmem:$0x1E500] =	vst v63  }
0x1a: {  	_ =	swait.ge [sflag:s20], $0x4000  }
0x1b: {  	[sflag:s20] =	ssyncset.done $0x0  }
0x1c: {  	[sflag:s20] =	ssyncadd.s32 $0xFFFFC000  }
0x1d: {  	[spmem:s8] =	stream.linear.scatter [tilespmem:s19], [sflag:$0x7], $0x4000, $0x38;
	[tilespmem:$0x1E500] =	vst v63  }
0x1e: {  	_ =	swait.ge [sflag:s20], $0x4000  }
0x1f: {  	[sflag:s20] =	ssyncset.done $0x0  }
0x20: {  	s10 =	rddreg [dreg:$0x5];
	[sflag:s20] =	ssyncadd.s32 $0xFFFFC000  }
0x21: {  	[spmem:s10] =	stream.linear.scatter [tilespmem:s19], [sflag:$0x7], $0x4000, $0x38;
	[tilespmem:$0x1E500] =	vst v63  }
0x22: {  	_ =	swait.ge [sflag:s20], $0x4000  }
0x23: {  	[sflag:s20] =	ssyncset.done $0x0  }
0x24: {  	s11 =	rddreg [dreg:$0x6];
	[sflag:s20] =	ssyncadd.s32 $0xFFFFC000  }
0x25: {  	[spmem:s11] =	stream.linear.scatter [tilespmem:s19], [sflag:$0x7], $0x4000, $0x38;
	[tilespmem:$0x1E500] =	vst v63  }
0x26: {  	_ =	swait.ge [sflag:s20], $0x4000  }
0x27: {  	[sflag:s20] =	ssyncset.done $0x0  }
0x28: {  	s12 =	rddreg [dreg:$0x7];
	[sflag:s20] =	ssyncadd.s32 $0xFFFFC000  }
0x29: {  	[spmem:s12] =	stream.linear.scatter [tilespmem:s19], [sflag:$0x7], $0x4000, $0x38;
	[tilespmem:$0x1E500] =	vst v63  }
0x2a: {  	_ =	swait.ge [sflag:s20], $0x4000  }
0x2b: {  	[sflag:s20] =	ssyncset.done $0x0  }
0x2c: {  	s13 =	rddreg [dreg:$0x8];
	[sflag:s20] =	ssyncadd.s32 $0xFFFFC000  }
0x2d: {  	[spmem:s13] =	stream.linear.scatter [tilespmem:s19], [sflag:$0x7], $0x3C00, $0x38;
	[tilespmem:$0x1E500] =	vst v63  }
0x2e: {  	_ =	swait.ge [sflag:s20], $0x3C00  }
0x2f: {  	[sflag:s20] =	ssyncset.done $0x0  }
0x30: {  	s10 =	rddreg [dreg:$0x9];
	[sflag:s20] =	ssyncadd.s32 $0xFFFFC400  }
0x31: {  	[tilespmem:s5], [sflag:$0x7] =	stream.linear.gather [hbm4b:s10+s5], $0x2800, $0x38;
	[tilespmem:$0x1E500] =	vst v63  }
0x32: {  	_ =	swait.ge [sflag:s20], $0x2800  }
0x33: {  	[sflag:s20] =	ssyncset.done $0x0  }
0x34: {  	[sflag:s20] =	ssyncadd.s32 $0xFFFFD800  }
0x35: {  	[tilespmem:s19], [sflag:$0x1] =	stream.indirect.gather [hbm4b:s2+s21], $0x80, s5, s21, $0xb8;
	[tilespmem:$0x1E500] =	vst v63  }
0x36: {  	_ = 	snop  }
0x37: {  	[tilespmem:s22], [sflag:$0x5] =	stream.linear.gather [hbm4b:s14+s5], $0x80, $0x38;
	[tilespmem:$0x1E500] =	vst v63  }
0x38: {  	_ = 	snop  }
0x39: {  	[tilespmem:s23], [sflag:$0x2] =	stream.indirect.gather [hbm4b:s2+s21], $0x80, s21, s21, $0xb8;
	[tilespmem:$0x1E500] =	vst v63  }
0x3a: {  	_ = 	snop  }
0x3b: {  	[tilespmem:s26], [sflag:$0x6] =	stream.linear.gather [hbm4b:s15+s5], $0x80, $0x38;
	[tilespmem:$0x1E500] =	vst v63  }
0x3c: {  	[bflag:$0x0] =	sbarrier.arrive $0xFFFF  }
0x3d: {  	_ =	swait.ge [sflag:s28], $0x4000  }
0x3e: {  	[sflag:s28] =	ssyncset.done $0x0  }
0x3f: {  	[sflag:s28] =	ssyncadd.s32 $0xFFFFC000  }
0x40: {  	_ =	swait.ge [sflag:s29], $0x80  }
0x41: {  	s11 =	simm.s32 $0x100;
	[sflag:s29] =	ssyncset.done $0x0  }
0x42: {  	s10 =	sand.u32 $0x7C00, s11;
	[sflag:s29] =	ssyncadd.s32 $0xFFFFFF80  }
0x43: {  	[spmem:s4] =	stream.indirect.scatter.add.f32 [tilespmem:s19], [sflag:$0x3], $0x80, s22, s21, $0xb8;
	[tilespmem:$0x1E500] =	vst v63  }
0x44: {  	s11 =	sand.u32 $0x300, s11;
	s10 =	sadd.s32 s3, s10;
	_ =	swait.ge [sflag:s30], $0x4000  }
0x45: {  	s10 =	sor.u32 s11, s10;
	[sflag:s30] =	ssyncset.done $0x0  }
0x46: {  	s9 =	simm.s32 $0x100;
	s10 =	sshrl.u32 s10, $0x3;
	[sflag:s30] =	ssyncadd.s32 $0xFFFFC000  }
0x47: {  	[tilespmem:s19], [sflag:$0x1] =	stream.indirect.gather [hbm4b:s2+s21], $0x80, s9, s21, $0xb8;
	[tilespmem:$0x1E500] =	vst v63  }
0x48: {  	s10 =	sadd.s32 s6, s10  }
0x49: {  	[tilespmem:s22], [sflag:$0x5] =	stream.linear.gather [hbm4b:s10+s5], $0x80, $0x38;
	[tilespmem:$0x1E500] =	vst v63  }
0x4a: {  	_ =	swait.ge [sflag:s31], $0x4000  }
0x4b: {  	[sflag:s31] =	ssyncset.done $0x0  }
0x4c: {  	[sflag:s31] =	ssyncadd.s32 $0xFFFFC000  }
0x4d: {  	_ =	swait.ge [sflag:s1], $0x80  }
0x4e: {  	s10 =	simm.s32 $0x180;
	[sflag:s1] =	ssyncset.done $0x0  }
0x4f: {  	s13 =	sand.u32 $0x7C00, s10;
	[sflag:s1] =	ssyncadd.s32 $0xFFFFFF80  }
0x50: {  	[spmem:s4] =	stream.indirect.scatter.add.f32 [tilespmem:s23], [sflag:$0x4], $0x80, s26, s21, $0xb8;
	[tilespmem:$0x1E500] =	vst v63  }
0x51: {  	s10 =	sand.u32 $0x380, s10;
	s11 =	sadd.s32 s3, s13;
	_ =	swait.ge [sflag:s0], $0x4000  }
0x52: {  	s12 =	simm.s32 $0x180;
	s11 =	sor.u32 s10, s11;
	[sflag:s0] =	ssyncset.done $0x0  }
0x53: {  	s10 =	simm.s32 $0x280;
	s11 =	sshrl.u32 s11, $0x3;
	[sflag:s0] =	ssyncadd.s32 $0xFFFFC000  }
0x54: {  	[tilespmem:s23], [sflag:$0x2] =	stream.indirect.gather [hbm4b:s2+s21], $0x80, s12, s21, $0xb8;
	[tilespmem:$0x1E500] =	vst v63  }
.LBB2_2:
0x55: {  	p1 =	sne.s32 s10, $0x2780;
	s11 =	sadd.s32 s6, s11;
	s9 =	sadd.s32 $0x100, s9  }
0x56: {  	[tilespmem:s26], [sflag:$0x6] =	stream.linear.gather [hbm4b:s11+s5], $0x80, $0x38;
	[tilespmem:$0x1E500] =	vst v63  }
0x57: {  	s11 =	smov.u32 s10;
	s10 =	sadd.s32 $0x100, s10;
	_ =	swait.ge [sflag:s28], $0x4000  }
0x58: {  	[sflag:s28] =	ssyncset.done $0x0  }
0x59: {  	[sflag:s28] =	ssyncadd.s32 $0xFFFFC000  }
0x5a: {  	_ =	swait.ge [sflag:s29], $0x80  }
0x5b: {  	[sflag:s29] =	ssyncset.done $0x0  }
0x5c: {  	s12 =	sadd.s32 $0xFFFFFF80, s11;
	[sflag:s29] =	ssyncadd.s32 $0xFFFFFF80  }
0x5d: {  	[spmem:s4] =	stream.indirect.scatter.add.f32 [tilespmem:s19], [sflag:$0x3], $0x80, s22, s21, $0xb8;
	[tilespmem:$0x1E500] =	vst v63  }
0x5e: {  	s13 =	sand.u32 $0x7C00, s12;
	_ =	swait.ge [sflag:s30], $0x4000  }
0x5f: {  	s12 =	sand.u32 $0x300, s12;
	s13 =	sadd.s32 s3, s13;
	[sflag:s30] =	ssyncset.done $0x0  }
0x60: {  	s12 =	sor.u32 s12, s13;
	[sflag:s30] =	ssyncadd.s32 $0xFFFFC000  }
0x61: {  	[tilespmem:s19], [sflag:$0x1] =	stream.indirect.gather [hbm4b:s2+s21], $0x80, s9, s21, $0xb8;
	[tilespmem:$0x1E500] =	vst v63  }
0x62: {  	s12 =	sshrl.u32 s12, $0x3  }
0x63: {  	s12 =	sadd.s32 s6, s12  }
0x64: {  	[tilespmem:s22], [sflag:$0x5] =	stream.linear.gather [hbm4b:s12+s5], $0x80, $0x38;
	[tilespmem:$0x1E500] =	vst v63  }
0x65: {  	_ =	swait.ge [sflag:s31], $0x4000  }
0x66: {  	[sflag:s31] =	ssyncset.done $0x0  }
0x67: {  	[sflag:s31] =	ssyncadd.s32 $0xFFFFC000  }
0x68: {  	_ =	swait.ge [sflag:s1], $0x80  }
0x69: {  	[sflag:s1] =	ssyncset.done $0x0  }
0x6a: {  	s12 =	sand.u32 $0x7C00, s11;
	[sflag:s1] =	ssyncadd.s32 $0xFFFFFF80  }
0x6b: {  	[spmem:s4] =	stream.indirect.scatter.add.f32 [tilespmem:s23], [sflag:$0x4], $0x80, s26, s21, $0xb8;
	[tilespmem:$0x1E500] =	vst v63  }
.Ltmp0:
0x6c: {  	_ = 	snop;
	(pc) =	sbr.rel @p1 .LBB2_2-.Ltmp0, $4  }
0x6d: {  	s11 =	sand.u32 $0x380, s11;
	s12 =	sadd.s32 s3, s12;
	_ =	swait.ge [sflag:s0], $0x4000  }
0x6e: {  	s11 =	sor.u32 s11, s12;
	[sflag:s0] =	ssyncset.done $0x0  }
0x6f: {  	s12 =	sadd.s32 $0x80, s9;
	s11 =	sshrl.u32 s11, $0x3;
	[sflag:s0] =	ssyncadd.s32 $0xFFFFC000  }
0x70: {  	[tilespmem:s23], [sflag:$0x2] =	stream.indirect.gather [hbm4b:s2+s21], $0x80, s12, s21, $0xb8;
	[tilespmem:$0x1E500] =	vst v63  }
0x71: {  	s9 =	sadd.s32 s6, s11  }
0x72: {  	[tilespmem:s26], [sflag:$0x6] =	stream.linear.gather [hbm4b:s9+s5], $0x80, $0x38;
	[tilespmem:$0x1E500] =	vst v63  }
0x73: {  	_ =	swait.ge [sflag:s28], $0x4000  }
0x74: {  	[sflag:s28] =	ssyncset.done $0x0  }
0x75: {  	[sflag:s28] =	ssyncadd.s32 $0xFFFFC000  }
0x76: {  	_ =	swait.ge [sflag:s29], $0x80  }
0x77: {  	[sflag:s29] =	ssyncset.done $0x0  }
0x78: {  	[sflag:s29] =	ssyncadd.s32 $0xFFFFFF80  }
0x79: {  	[spmem:s4] =	stream.indirect.scatter.add.f32 [tilespmem:s19], [sflag:$0x3], $0x80, s22, s21, $0xb8;
	[tilespmem:$0x1E500] =	vst v63  }
0x7a: {  	_ =	swait.ge [sflag:s30], $0x4000  }
0x7b: {  	[sflag:s30] =	ssyncset.done $0x0  }
0x7c: {  	[sflag:s30] =	ssyncadd.s32 $0xFFFFC000  }
0x7d: {  	_ =	swait.ge [sflag:s31], $0x4000  }
0x7e: {  	[sflag:s31] =	ssyncset.done $0x0  }
0x7f: {  	[sflag:s31] =	ssyncadd.s32 $0xFFFFC000  }
0x80: {  	_ =	swait.ge [sflag:s1], $0x80  }
0x81: {  	[sflag:s1] =	ssyncset.done $0x0  }
0x82: {  	[sflag:s1] =	ssyncadd.s32 $0xFFFFFF80  }
0x83: {  	[spmem:s4] =	stream.indirect.scatter.add.f32 [tilespmem:s23], [sflag:$0x4], $0x80, s26, s21, $0xb8;
	[tilespmem:$0x1E500] =	vst v63  }
0x84: {  	_ =	swait.ge [sflag:s0], $0x4000  }
0x85: {  	s13 =	stileid.u32;
	[sflag:s0] =	ssyncset.done $0x0  }
0x86: {  	s9 =	sshll.u32 s13, $0x6;
	[sflag:s0] =	ssyncadd.s32 $0xFFFFC000  }
0x87: {  	s9 =	sor.u32 $0x1C07, s9;
	[bflag:$0x0] =	sbarrier.arrive $0xFFFF  }
0x88: {  	[hbm:s16], [sflag:s9] =	dma.local [spmem:s24], $0x2700  }
0x89: {  	_ =	swait.ge [sflag:s20], $0x2700  }
0x8a: {  	s7 =	sadd.s32 $0x1, s7;
	[sflag:s20] =	ssyncset.done $0x0  }
0x8b: {  	p1 =	sne.s32 s7, s18;
	[sflag:s20] =	ssyncadd.s32 $0xFFFFD900  }
0x8c: {  	[hbm:s17], [sflag:s9] =	dma.local @!p0 [spmem:s25], $0x100  }
.Ltmp1:
0x8d: {  	_ = 	snop;
	(pc) =	sbr.rel @p1 .LBB2_1-.Ltmp1, $4  }
0x8e: {  	s9 =	simm.s32 @!p0 $0x7  }
0x8f: {  	_ =	swait.ge @!p0 [sflag:s9], $0x100  }
0x90: {  	[sflag:s9] =	ssyncset.done @!p0 $0x0  }
0x91: {  	[sflag:s9] =	ssyncadd.s32 @!p0 $0xFFFFFF00  }
0x92: {  	_ =	sfence.sel $0x180000  }
0x93: {  	[bflag:$0x0] =	sbarrier.arrive $0xFFFF  }
0x94: {  	_ =	strace $0x9000004D  }
0x95: {  	s0 =	stileid.u32;
	[bflag:$0x2] =	sbarrier.arrive $0xFFFF  }
0x96: {  	p0 =	sne.s32 s0, $0x0;
	s0 =	rddreg [dreg:$0x3]  }
0x97: {  	s0 =	sadd.s32 @!p0 $0x100000, s0  }
0x98: {  	[sflag:s0] =	ssyncadd.tile.s32 @!p0 $0x1;
	_ =	shalt  }
.Lfunc_end2:
_tile_overlayer_lowered:
.L_overlay_start_2:
0x99: {  	(tag) =	ssettag $0x2  }
0x9a: {  	s0 =	rddreg [dreg:$0x0];
	s2 =	stileid.u32  }
0x9b: {  	s1 =	rddreg [dreg:$0x1];
	p0 =	sne.s32 s2, $0x0  }
0x9c: {  	s3 =	rddreg [dreg:$0x2];
	[bflag:$0x3] =	sbarrier.arrive $0xFFFF;
	s2 =	simm.s32 @!p0 $0x1C07  }
0x9d: {  	[timem:s3], [sflag:s2] =	dma.local @!p0 [hbm:s0], s1  }
0x9e: {  	s0 =	simm.s32 @!p0 $0x7  }
0x9f: {  	_ =	swait.ge @!p0 [sflag:s0], s1  }
0xa0: {  	s1 =	ssub.s32 @!p0 $0x0, s1;
	[sflag:s0] =	ssyncset.done @!p0 $0x0  }
0xa1: {  	[sflag:s0] =	ssyncadd.s32 @!p0 s1  }
0xa2: {  	[bflag:$0x3] =	sbarrier.arrive $0xFFFF  }
0xa3: {  	_ =	shalt  }

// kernel: kernel.9.cloned.1.call-start
scs
__scs_entry_jumppad:
0x0: {  	(pc) =	sbr.rel $0x88, $3  }
0x1: {  	(tag) =	ssettag $0x0;
	lr =	simm.s32 $0x1  }
0x2: {  	[smem:$0x3F96] =	sst lr;
	_ =	strace $0xD0000000  }
0x3: {  	_ = 	snop  }
0x4: {  	_ = 	snop  }
0x5: {  	_ = 	snop  }
0x6: {  	_ = 	snop  }
0x7: {  	_ = 	snop  }
__scs_overlays_trampoline_lowered:
0x8: {  	[smem:$0x3FA5] =	sst s0  }
0x9: {  	[smem:$0x3FA6] =	sst s1  }
0xa: {  	[smem:$0x3FA7] =	sst s2  }
0xb: {  	[smem:$0x3FA8] =	sst s3  }
0xc: {  	[smem:$0x3FA9] =	sst s4  }
0xd: {  	[smem:$0x3FAA] =	sst s5  }
0xe: {  	[smem:$0x3FAB] =	sst s6  }
0xf: {  	[smem:$0x3FAC] =	sst s7  }
0x10: {  	[smem:$0x3FAD] =	sst s8  }
0x11: {  	[smem:$0x3FAE] =	sst s9;
	s0 =	simm.s32 @!p0 $0x0  }
0x12: {  	s1 =	sld [smem:$0x3F94];
	s0 =	simm.s32 @p0 $0x1  }
0x13: {  	[smem:$0x3FAF] =	sst s0;
	s0 =	simm.s32 @!p1 $0x0  }
0x14: {  	s2 =	sld [smem:$0x3F93];
	s0 =	simm.s32 @p1 $0x1  }
0x15: {  	[smem:$0x3FB0] =	sst s0;
	s0 =	simm.s32 @!p2 $0x0  }
0x16: {  	s3 =	sld [smem:$0x3FDB];
	s0 =	simm.s32 @p2 $0x1  }
0x17: {  	s4 =	simm.s32 $0x1BF5;
	[smem:$0x3FB2] =	sst s0  }
0x18: {  	s0 =	sld [smem:$0x3F95];
	_ =	swait.ge [sflag:s4], $0x0  }
0x19: {  	s7 =	sld [smem:$0x3F96]  }
0x1a: {  	s8 =	sadd.s32 $0xFFFFE003, lr  }
0x1b: {  	s9 =	sadd.s32 $0xFFFFFEF7, lr;
	s5 =	simm.s32 $0xFFFFFFFF;
	p2 =	slt.u32 s8, $0xFFFFF086  }
0x1c: {  	p1 =	slt.u32 s9, $0xF7A;
	s5 =	simm.s32 @!p2 $0x0  }
0x1d: {  	s5 =	simm.s32 @p1 $0x1;
	p0 =	seq.s32 s7, s2  }
0x1e: {  	s7 =	smul.u32 @!p0 $0xF7A, s2;
	p2 =	seq.s32 @!p0 s5, $0x0  }
0x1f: {  	s9 =	smul.u32 $0xF7A, s1;
	s8 =	simm.s32 @!p0 $0x1BF5;
	p2 =	por !p2, p0  }
0x20: {  	[sflag:s8] =	ssyncset.s32 @!p0 $0xFFFFF086;
	s6 =	sadd.s32 @!p0 s3, s7;
	s7 =	simm.s32 @!p0 $0x108  }
0x21: {  	s3 =	sadd.s32 s3, s9;
	s6 =	sadd.s32 @!p0 $0x88, s6;
	s7 =	simm.s32 @p2 $0x1082  }
0x22: {  	[simem:s7], [sflag:s8] =	dma.local @!p0 [hbm:s6], $0xF7A  }
0x23: {  	s9 =	sor.u32 $0xD0000000, s2;
	s6 =	simm.s32 $0x108;
	_ =	swait.ge @!p0 [sflag:s8], $0x0  }
0x24: {  	s3 =	sadd.s32 $0x88, s3;
	s6 =	simm.s32 @!p1 $0x1082;
	[sflag:s4] =	ssyncset.s32 $0xFFFFF086  }
0x25: {  	[simem:s6], [sflag:s4] =	dma.local [hbm:s3], $0xF7A  }
0x26: {  	[smem:$0x3F96] =	sst s1;
	(tag) =	ssettag s2;
	_ =	strace s9  }
0x27: {  	s1 =	sld [smem:$0x3FA6]  }
0x28: {  	s2 =	sld [smem:$0x3FA7]  }
0x29: {  	s4 =	sld [smem:$0x3FA9]  }
0x2a: {  	p0 =	seq.s32 s5, $0x0;
	s5 =	sld [smem:$0x3FAA]  }
0x2b: {  	s6 =	sld [smem:$0x3FAB]  }
0x2c: {  	s7 =	sld [smem:$0x3FAC]  }
0x2d: {  	s3 =	simm.s32 $0x108;
	s8 =	sld [smem:$0x3FAD]  }
0x2e: {  	s3 =	simm.s32 @!p0 $0x1082;
	s9 =	sld [smem:$0x3FAE]  }
0x2f: {  	lr =	sadd.s32 s0, s3;
	s0 =	sld [smem:$0x3FA5]  }
0x30: {  	s3 =	sld [smem:$0x3FA8]  }
0x31: {  	[smem:$0x3FB1] =	sst s10  }
0x32: {  	s10 =	sld [smem:$0x3FAF];
	_ =	sdelay $0x3  }
0x33: {  	p0 =	seq.s32 s10, $0x1;
	s10 =	sld [smem:$0x3FB1];
	_ =	sdelay $0x3  }
0x34: {  	[smem:$0x3FB1] =	sst s10  }
0x35: {  	s10 =	sld [smem:$0x3FB0];
	_ =	sdelay $0x3  }
0x36: {  	p1 =	seq.s32 s10, $0x1;
	s10 =	sld [smem:$0x3FB1];
	_ =	sdelay $0x3  }
0x37: {  	[smem:$0x3FB1] =	sst s10  }
0x38: {  	s10 =	sld [smem:$0x3FB2]  }
0x39: {  	_ = 	snop;
	(pc) =	sbr.ind lr, $3  }
0x3a: {  	_ = 	snop  }
0x3b: {  	_ = 	snop  }
0x3c: {  	p2 =	seq.s32 s10, $0x1;
	s10 =	sld [smem:$0x3FB1]  }
0x3d: {  	_ =	shalt  }
0x3e: {  	_ =	shalt  }
0x3f: {  	_ =	shalt  }
0x40: {  	_ =	shalt  }
0x41: {  	_ =	shalt  }
0x42: {  	_ =	shalt  }
0x43: {  	_ =	shalt  }
0x44: {  	_ =	shalt  }
0x45: {  	_ =	shalt  }
0x46: {  	_ =	shalt  }
0x47: {  	_ =	shalt  }
0x48: {  	_ =	shalt  }
0x49: {  	_ =	shalt  }
0x4a: {  	_ =	shalt  }
0x4b: {  	_ =	shalt  }
0x4c: {  	_ =	shalt  }
0x4d: {  	_ =	shalt  }
0x4e: {  	_ =	shalt  }
0x4f: {  	_ =	shalt  }
0x50: {  	_ =	shalt  }
0x51: {  	_ =	shalt  }
0x52: {  	_ =	shalt  }
0x53: {  	_ =	shalt  }
0x54: {  	_ =	shalt  }
0x55: {  	_ =	shalt  }
0x56: {  	_ =	shalt  }
0x57: {  	_ =	shalt  }
0x58: {  	_ =	shalt  }
0x59: {  	_ =	shalt  }
0x5a: {  	_ =	shalt  }
0x5b: {  	_ =	shalt  }
0x5c: {  	_ =	shalt  }
0x5d: {  	_ =	shalt  }
0x5e: {  	_ =	shalt  }
0x5f: {  	_ =	shalt  }
0x60: {  	_ =	shalt  }
0x61: {  	_ =	shalt  }
0x62: {  	_ =	shalt  }
0x63: {  	_ =	shalt  }
0x64: {  	_ =	shalt  }
0x65: {  	_ =	shalt  }
0x66: {  	_ =	shalt  }
0x67: {  	_ =	shalt  }
0x68: {  	_ =	shalt  }
0x69: {  	_ =	shalt  }
0x6a: {  	_ =	shalt  }
0x6b: {  	_ =	shalt  }
0x6c: {  	_ =	shalt  }
0x6d: {  	_ =	shalt  }
0x6e: {  	_ =	shalt  }
0x6f: {  	_ =	shalt  }
0x70: {  	_ =	shalt  }
0x71: {  	_ =	shalt  }
0x72: {  	_ =	shalt  }
0x73: {  	_ =	shalt  }
0x74: {  	_ =	shalt  }
0x75: {  	_ =	shalt  }
0x76: {  	_ =	shalt  }
0x77: {  	_ =	shalt  }
0x78: {  	_ =	shalt  }
0x79: {  	_ =	shalt  }
0x7a: {  	_ =	shalt  }
0x7b: {  	_ =	shalt  }
0x7c: {  	_ =	shalt  }
0x7d: {  	_ =	shalt  }
0x7e: {  	_ =	shalt  }
0x7f: {  	_ =	shalt  }
0x80: {  	_ =	shalt  }
0x81: {  	_ =	shalt  }
0x82: {  	_ =	shalt  }
0x83: {  	_ =	shalt  }
0x84: {  	_ =	shalt  }
0x85: {  	_ =	shalt  }
0x86: {  	_ =	shalt  }
0x87: {  	_ =	shalt  }
.Lfunc_end0:
.L_simem_size_0:
called_computation_lowered:
.L_overlay_start_0:
0x88: {  	s2 =	sld [smem:$0x3FD9]  }
0x89: {  	s3 =	sld [smem:$0x3FFE];
	_ =	sdelay $0x1  }
0x8a: {  	s1 =	srdreg.scid  }
0x8b: {  	s0 =	sand.u32 $0x1, s1  }
0x8c: {  	s17 =	sshll.u32 s0, $0xA;
	s2 =	sadd.s32 s3, s2  }
0x8d: {  	s2 =	sadd.s32 s2, s17  }
0x8e: {  	[smem:$0x3FBD] =	sst s2  }
0x8f: {  	_ = 	snop  }
0x90: {  	s2 =	sld [smem:$0x3FD0];
	(tm) =	ssettm $0x1  }
0x91: {  	s18 =	sld [smem:$0x3FFB];
	_ =	sdelay $0x3  }
0x92: {  	_ =	strace s18  }
0x93: {  	s3 =	sld [smem:$0x3FFC];
	_ =	sdelay $0x3  }
0x94: {  	_ =	strace s3  }
0x95: {  	s3 =	sld [smem:$0x3FFD];
	_ =	sdelay $0x3  }
0x96: {  	_ =	strace s3  }
0x97: {  	_ =	strace $0x8FFFFFFF  }
0x98: {  	s19 =	sld [smem:$0x3FDB];
	_ =	sdelay $0x1  }
0x99: {  	s4 =	simm.s32 $_scs_section_size  }
0x9a: {  	s5 =	simm.s32 $_size__tile_overlayer_lowered;
	s6 =	simm.s32 $_tile_overlayer_lowered  }
0x9b: {  	s22 =	simm.s32 $0x1BFF;
	s21 =	sshll.u32 s6, $0x1;
	s3 =	sadd.s32 s4, s19  }
0x9c: {  	s7 =	simm.s32 $0x0;
	s20 =	sshll.u32 s5, $0x1;
	s5 =	sadd.s32 s21, s3  }
0x9d: {  	[timem:s7], [sflag:s22] =	dma.local [hbm:s5], s20  }
0x9e: {  	_ =	swait.ge [sflag:s22], s20  }
0x9f: {  	s4 =	ssub.s32 $0x0, s20;
	[sflag:s22] =	ssyncset.done $0x0  }
0xa0: {  	[sflag:s22] =	ssyncadd.s32 s4;
	_ =	sdelay $0x1  }
0xa1: {  	s23 =	simm.s32 $0x1B8B  }
0xa2: {  	_ =	swait.ge [sflag:s23], $0x1  }
0xa3: {  	[sflag:s23] =	ssyncset.done $0x0  }
0xa4: {  	s25 =	simm.s32 $0x1B8E;
	s24 =	sld [smem:$0x3FFE];
	[sflag:s23] =	ssyncadd.s32 $0xFFFFFFFF  }
0xa5: {  	s26 =	simm.s32 $execute0_lowered;
	[smem:$0x3FD2] =	sst s25  }
0xa6: {  	s5 =	sshll.u32 s26, $0x1;
	_ =	strace $0x80000046;
	[dreg:$0x1] =	wrdreg $0xFFFFFFFF  }
0xa7: {  	s28 =	simm.s32 $_size_execute0_lowered;
	s3 =	sadd.s32 s3, s5;
	[dreg:$0x0] =	wrdreg $0x0  }
0xa8: {  	s5 =	sshll.u32 s28, $0x1;
	[dreg:$0x2] =	wrdreg s3  }
0xa9: {  	[dreg:$0x3] =	wrdreg s5  }
0xaa: {  	[dreg:$0x4] =	wrdreg $0xC0  }
0xab: {  	_ =	task [dreg:s7], $0x5FFFF  }
0xac: {  	[dreg:$0x1] =	wrdreg $0xFFFFFFFF  }
0xad: {  	[dreg:$0x0] =	wrdreg $0x60  }
0xae: {  	[dreg:$0x2] =	wrdreg s2  }
0xaf: {  	[dreg:$0x3] =	wrdreg s24  }
0xb0: {  	[dreg:$0x4] =	wrdreg $0xA9000  }
0xb1: {  	[dreg:$0x5] =	wrdreg $0x9  }
0xb2: {  	_ =	task.clear_ibuf [dreg:s7], $0x6FFFF;
	_ =	strace $0x90000046  }
0xb3: {  	s29 =	simm.s32 $0x9;
	_ =	strace $0x80000048  }
0xb4: {  	_ =	swait.ge [sflag:s29], $0x1  }
0xb5: {  	[sflag:s29] =	ssyncadd.s32 $0xFFFFFFFF  }
0xb6: {  	_ =	strace $0x90000048  }
0xb7: {  	_ =	sfence  }
0xb8: {  	s30 =	sld [smem:$0x0];
	_ =	sdelay $0x2  }
0xb9: {  	s31 =	sshll.u32 s1, $0xD;
	s1 =	sshrl.u32 s1, $0x2  }
0xba: {  	s3 =	sand.u32 $0x4000, s31;
	s1 =	sadd.s32 s1, s30  }
0xbb: {  	s0 =	sor.u32 s3, s0;
	s1 =	sshll.u32 s1, $0x11  }
0xbc: {  	s0 =	sor.u32 s1, s0  }
0xbd: {  	s0 =	sadd.s32 $0x8F2B, s0  }
0xbe: {  	[sflag:s0] =	ssyncadd.remote.s32 $0x1  }
0xbf: {  	_ =	sfence.sel $0xFFFF  }
0xc0: {  	[dreg:$0x0] =	wrdreg $0xFFFFFFFF;
	(pc) =	sbr.abs _section_cstart, $3  }
0xc1: {  	[dreg:$0x1] =	wrdreg $0xFFFFFFFF  }
0xc2: {  	_ =	task.clear_ibuf [dreg:s7], $0x2FFFF;
	_ =	strace $0x9FFFFFFF  }
0xc3: {  	(tm) =	ssettm $0x7FFFFFFF  }
tec
execute0_lowered:
.L_overlay_start_1:
0x0: {  	(tag) =	ssettag $0x1  }
0x1: {  	s2 =	rddreg [dreg:$0x0]  }
0x2: {  	s0 =	srdreg.scid;
	s1 =	rddreg [dreg:$0x1]  }
0x3: {  	s12 =	stileid.u32;
	s4 =	rddreg [dreg:$0x2];
	s5 =	simm.s32 $0x0  }
0x4: {  	s28 =	simm.s32 $0x1;
	s29 =	simm.s32 $0x5;
	s3 =	smul.u32 $0x2800, s12  }
0x5: {  	s30 =	simm.s32 $0x3;
	s31 =	simm.s32 $0x2;
	s7 =	smul.u32 $0x4F000, s12  }
0x6: {  	s0 =	sand.u32 $0x1, s0;
	[smem:$0x7FF] =	sst s5;
	s23 =	smul.u32 $0x13800, s12  }
0x7: {  	s8 =	sadd.s32 $0x5F800, s1;
	s24 =	smul.u32 $0x4E000, s12;
	p0 =	sne.s32 s12, $0xF  }
0x8: {  	s6 =	smul.u32 $0x28000, s0;
	_ =	strace $0x80000047;
	s10 =	ssub.s32 $0x2, s0  }
0x9: {  	[dreg:$0x4] =	wrdreg s8;
	s0 =	smul.u32 $0x138800, s0;
	s7 =	sshrl.u32 s7, $0x2  }
0xa: {  	s11 =	sshrl.u32 s10, $0x1;
	s22 =	sshrl.u32 s3, $0x3;
	s6 =	sadd.s32 s3, s6  }
0xb: {  	s8 =	sadd.s32 s7, s4;
	s13 =	ssub.s32 s10, s11;
	s25 =	sadd.s32 s23, s0  }
0xc: {  	s0 =	sshrl.u32 s0, $0x3;
	s23 =	simm.s32 $0x6800;
	s7 =	simm.s32 $0x0  }
0xd: {  	s6 =	sshrl.u32 s6, $0x3;
	s18 =	sadd.s32 $0x4000, s8;
	s19 =	sadd.s32 $0x8000, s8  }
0xe: {  	s20 =	sadd.s32 $0xC000, s8;
	s21 =	sadd.s32 $0x10000, s8;
	[dreg:$0x5] =	wrdreg s18  }
0xf: {  	s10 =	sshrl.u32 s25, $0x3;
	s9 =	sadd.s32 s6, s1;
	[dreg:$0x6] =	wrdreg s19  }
0x10: {  	s6 =	sadd.s32 $0x2600, s1;
	s1 =	sadd.s32 $0x60000, s1;
	[dreg:$0x7] =	wrdreg s20  }
0x11: {  	[dreg:$0x8] =	wrdreg s21;
	s18 =	smax.u32 s13, $0x1;
	s19 =	simm.s32 $0x2800  }
0x12: {  	s20 =	simm.s32 $0x7;
	s21 =	simm.s32 $0x80;
	s9 =	sadd.s32 $0x7600, s9  }
0x13: {  	s14 =	sadd.s32 s6, s22;
	s0 =	sadd.s32 s1, s0;
	s16 =	sadd.s32 s1, s10  }
0x14: {  	s22 =	simm.s32 $0xA800;
	s1 =	simm.s32 $0x6;
	[dreg:$0x9] =	wrdreg s9  }
0x15: {  	s9 =	sshrl.u32 s24, $0x2;
	s17 =	sadd.s32 $0x27000, s0;
	s0 =	sadd.s32 $0x138000, s4  }
0x16: {  	s15 =	sadd.s32 $0x10, s14;
	s26 =	sadd.s32 s9, s4;
	s25 =	sshrl.u32 @!p0 s0, $0x3  }
0x17: {  	s0 =	simm.s32 $0x4;
	s24 =	sshrl.u32 s26, $0x3;
	s26 =	simm.s32 $0xA880  }
.LBB2_1:
0x18: {  	s9 =	rddreg [dreg:$0x4]  }
0x19: {  	[tilespmem:s19], [sflag:$0x7] =	stream.linear.gather [hbm4b:s9+s5], $0x4000, $0x38;
	[tilespmem:$0x1E500] =	vst v63  }
0x1a: {  	_ =	swait.ge [sflag:s20], $0x4000  }
0x1b: {  	[sflag:s20] =	ssyncset.done $0x0  }
0x1c: {  	[sflag:s20] =	ssyncadd.s32 $0xFFFFC000  }
0x1d: {  	[spmem:s8] =	stream.linear.scatter [tilespmem:s19], [sflag:$0x7], $0x4000, $0x38;
	[tilespmem:$0x1E500] =	vst v63  }
0x1e: {  	_ =	swait.ge [sflag:s20], $0x4000  }
0x1f: {  	[sflag:s20] =	ssyncset.done $0x0  }
0x20: {  	s10 =	rddreg [dreg:$0x5];
	[sflag:s20] =	ssyncadd.s32 $0xFFFFC000  }
0x21: {  	[spmem:s10] =	stream.linear.scatter [tilespmem:s19], [sflag:$0x7], $0x4000, $0x38;
	[tilespmem:$0x1E500] =	vst v63  }
0x22: {  	_ =	swait.ge [sflag:s20], $0x4000  }
0x23: {  	[sflag:s20] =	ssyncset.done $0x0  }
0x24: {  	s11 =	rddreg [dreg:$0x6];
	[sflag:s20] =	ssyncadd.s32 $0xFFFFC000  }
0x25: {  	[spmem:s11] =	stream.linear.scatter [tilespmem:s19], [sflag:$0x7], $0x4000, $0x38;
	[tilespmem:$0x1E500] =	vst v63  }
0x26: {  	_ =	swait.ge [sflag:s20], $0x4000  }
0x27: {  	[sflag:s20] =	ssyncset.done $0x0  }
0x28: {  	s12 =	rddreg [dreg:$0x7];
	[sflag:s20] =	ssyncadd.s32 $0xFFFFC000  }
0x29: {  	[spmem:s12] =	stream.linear.scatter [tilespmem:s19], [sflag:$0x7], $0x4000, $0x38;
	[tilespmem:$0x1E500] =	vst v63  }
0x2a: {  	_ =	swait.ge [sflag:s20], $0x4000  }
0x2b: {  	[sflag:s20] =	ssyncset.done $0x0  }
0x2c: {  	s13 =	rddreg [dreg:$0x8];
	[sflag:s20] =	ssyncadd.s32 $0xFFFFC000  }
0x2d: {  	[spmem:s13] =	stream.linear.scatter [tilespmem:s19], [sflag:$0x7], $0x3C00, $0x38;
	[tilespmem:$0x1E500] =	vst v63  }
0x2e: {  	_ =	swait.ge [sflag:s20], $0x3C00  }
0x2f: {  	[sflag:s20] =	ssyncset.done $0x0  }
0x30: {  	s10 =	rddreg [dreg:$0x9];
	[sflag:s20] =	ssyncadd.s32 $0xFFFFC400  }
0x31: {  	[tilespmem:s5], [sflag:$0x7] =	stream.linear.gather [hbm4b:s10+s5], $0x2800, $0x38;
	[tilespmem:$0x1E500] =	vst v63  }
0x32: {  	_ =	swait.ge [sflag:s20], $0x2800  }
0x33: {  	[sflag:s20] =	ssyncset.done $0x0  }
0x34: {  	[sflag:s20] =	ssyncadd.s32 $0xFFFFD800  }
0x35: {  	[tilespmem:s19], [sflag:$0x1] =	stream.indirect.gather [hbm4b:s2+s21], $0x80, s5, s21, $0xb8;
	[tilespmem:$0x1E500] =	vst v63  }
0x36: {  	_ = 	snop  }
0x37: {  	[tilespmem:s22], [sflag:$0x5] =	stream.linear.gather [hbm4b:s14+s5], $0x80, $0x38;
	[tilespmem:$0x1E500] =	vst v63  }
0x38: {  	_ = 	snop  }
0x39: {  	[tilespmem:s23], [sflag:$0x2] =	stream.indirect.gather [hbm4b:s2+s21], $0x80, s21, s21, $0xb8;
	[tilespmem:$0x1E500] =	vst v63  }
0x3a: {  	_ = 	snop  }
0x3b: {  	[tilespmem:s26], [sflag:$0x6] =	stream.linear.gather [hbm4b:s15+s5], $0x80, $0x38;
	[tilespmem:$0x1E500] =	vst v63  }
0x3c: {  	[bflag:$0x0] =	sbarrier.arrive $0xFFFF  }
0x3d: {  	_ =	swait.ge [sflag:s28], $0x4000  }
0x3e: {  	[sflag:s28] =	ssyncset.done $0x0  }
0x3f: {  	[sflag:s28] =	ssyncadd.s32 $0xFFFFC000  }
0x40: {  	_ =	swait.ge [sflag:s29], $0x80  }
0x41: {  	s11 =	simm.s32 $0x100;
	[sflag:s29] =	ssyncset.done $0x0  }
0x42: {  	s10 =	sand.u32 $0x7C00, s11;
	[sflag:s29] =	ssyncadd.s32 $0xFFFFFF80  }
0x43: {  	[spmem:s4] =	stream.indirect.scatter.add.f32 [tilespmem:s19], [sflag:$0x3], $0x80, s22, s21, $0xb8;
	[tilespmem:$0x1E500] =	vst v63  }
0x44: {  	s11 =	sand.u32 $0x300, s11;
	s10 =	sadd.s32 s3, s10;
	_ =	swait.ge [sflag:s30], $0x4000  }
0x45: {  	s10 =	sor.u32 s11, s10;
	[sflag:s30] =	ssyncset.done $0x0  }
0x46: {  	s9 =	simm.s32 $0x100;
	s10 =	sshrl.u32 s10, $0x3;
	[sflag:s30] =	ssyncadd.s32 $0xFFFFC000  }
0x47: {  	[tilespmem:s19], [sflag:$0x1] =	stream.indirect.gather [hbm4b:s2+s21], $0x80, s9, s21, $0xb8;
	[tilespmem:$0x1E500] =	vst v63  }
0x48: {  	s10 =	sadd.s32 s6, s10  }
0x49: {  	[tilespmem:s22], [sflag:$0x5] =	stream.linear.gather [hbm4b:s10+s5], $0x80, $0x38;
	[tilespmem:$0x1E500] =	vst v63  }
0x4a: {  	_ =	swait.ge [sflag:s31], $0x4000  }
0x4b: {  	[sflag:s31] =	ssyncset.done $0x0  }
0x4c: {  	[sflag:s31] =	ssyncadd.s32 $0xFFFFC000  }
0x4d: {  	_ =	swait.ge [sflag:s1], $0x80  }
0x4e: {  	s10 =	simm.s32 $0x180;
	[sflag:s1] =	ssyncset.done $0x0  }
0x4f: {  	s13 =	sand.u32 $0x7C00, s10;
	[sflag:s1] =	ssyncadd.s32 $0xFFFFFF80  }
0x50: {  	[spmem:s4] =	stream.indirect.scatter.add.f32 [tilespmem:s23], [sflag:$0x4], $0x80, s26, s21, $0xb8;
	[tilespmem:$0x1E500] =	vst v63  }
0x51: {  	s10 =	sand.u32 $0x380, s10;
	s11 =	sadd.s32 s3, s13;
	_ =	swait.ge [sflag:s0], $0x4000  }
0x52: {  	s12 =	simm.s32 $0x180;
	s11 =	sor.u32 s10, s11;
	[sflag:s0] =	ssyncset.done $0x0  }
0x53: {  	s10 =	simm.s32 $0x280;
	s11 =	sshrl.u32 s11, $0x3;
	[sflag:s0] =	ssyncadd.s32 $0xFFFFC000  }
0x54: {  	[tilespmem:s23], [sflag:$0x2] =	stream.indirect.gather [hbm4b:s2+s21], $0x80, s12, s21, $0xb8;
	[tilespmem:$0x1E500] =	vst v63  }
.LBB2_2:
0x55: {  	p1 =	sne.s32 s10, $0x2780;
	s11 =	sadd.s32 s6, s11;
	s9 =	sadd.s32 $0x100, s9  }
0x56: {  	[tilespmem:s26], [sflag:$0x6] =	stream.linear.gather [hbm4b:s11+s5], $0x80, $0x38;
	[tilespmem:$0x1E500] =	vst v63  }
0x57: {  	s11 =	smov.u32 s10;
	s10 =	sadd.s32 $0x100, s10;
	_ =	swait.ge [sflag:s28], $0x4000  }
0x58: {  	[sflag:s28] =	ssyncset.done $0x0  }
0x59: {  	[sflag:s28] =	ssyncadd.s32 $0xFFFFC000  }
0x5a: {  	_ =	swait.ge [sflag:s29], $0x80  }
0x5b: {  	[sflag:s29] =	ssyncset.done $0x0  }
0x5c: {  	s12 =	sadd.s32 $0xFFFFFF80, s11;
	[sflag:s29] =	ssyncadd.s32 $0xFFFFFF80  }
0x5d: {  	[spmem:s4] =	stream.indirect.scatter.add.f32 [tilespmem:s19], [sflag:$0x3], $0x80, s22, s21, $0xb8;
	[tilespmem:$0x1E500] =	vst v63  }
0x5e: {  	s13 =	sand.u32 $0x7C00, s12;
	_ =	swait.ge [sflag:s30], $0x4000  }
0x5f: {  	s12 =	sand.u32 $0x300, s12;
	s13 =	sadd.s32 s3, s13;
	[sflag:s30] =	ssyncset.done $0x0  }
0x60: {  	s12 =	sor.u32 s12, s13;
	[sflag:s30] =	ssyncadd.s32 $0xFFFFC000  }
0x61: {  	[tilespmem:s19], [sflag:$0x1] =	stream.indirect.gather [hbm4b:s2+s21], $0x80, s9, s21, $0xb8;
	[tilespmem:$0x1E500] =	vst v63  }
0x62: {  	s12 =	sshrl.u32 s12, $0x3  }
0x63: {  	s12 =	sadd.s32 s6, s12  }
0x64: {  	[tilespmem:s22], [sflag:$0x5] =	stream.linear.gather [hbm4b:s12+s5], $0x80, $0x38;
	[tilespmem:$0x1E500] =	vst v63  }
0x65: {  	_ =	swait.ge [sflag:s31], $0x4000  }
0x66: {  	[sflag:s31] =	ssyncset.done $0x0  }
0x67: {  	[sflag:s31] =	ssyncadd.s32 $0xFFFFC000  }
0x68: {  	_ =	swait.ge [sflag:s1], $0x80  }
0x69: {  	[sflag:s1] =	ssyncset.done $0x0  }
0x6a: {  	s12 =	sand.u32 $0x7C00, s11;
	[sflag:s1] =	ssyncadd.s32 $0xFFFFFF80  }
0x6b: {  	[spmem:s4] =	stream.indirect.scatter.add.f32 [tilespmem:s23], [sflag:$0x4], $0x80, s26, s21, $0xb8;
	[tilespmem:$0x1E500] =	vst v63  }
.Ltmp0:
0x6c: {  	_ = 	snop;
	(pc) =	sbr.rel @p1 .LBB2_2-.Ltmp0, $4  }
0x6d: {  	s11 =	sand.u32 $0x380, s11;
	s12 =	sadd.s32 s3, s12;
	_ =	swait.ge [sflag:s0], $0x4000  }
0x6e: {  	s11 =	sor.u32 s11, s12;
	[sflag:s0] =	ssyncset.done $0x0  }
0x6f: {  	s12 =	sadd.s32 $0x80, s9;
	s11 =	sshrl.u32 s11, $0x3;
	[sflag:s0] =	ssyncadd.s32 $0xFFFFC000  }
0x70: {  	[tilespmem:s23], [sflag:$0x2] =	stream.indirect.gather [hbm4b:s2+s21], $0x80, s12, s21, $0xb8;
	[tilespmem:$0x1E500] =	vst v63  }
0x71: {  	s9 =	sadd.s32 s6, s11  }
0x72: {  	[tilespmem:s26], [sflag:$0x6] =	stream.linear.gather [hbm4b:s9+s5], $0x80, $0x38;
	[tilespmem:$0x1E500] =	vst v63  }
0x73: {  	_ =	swait.ge [sflag:s28], $0x4000  }
0x74: {  	[sflag:s28] =	ssyncset.done $0x0  }
0x75: {  	[sflag:s28] =	ssyncadd.s32 $0xFFFFC000  }
0x76: {  	_ =	swait.ge [sflag:s29], $0x80  }
0x77: {  	[sflag:s29] =	ssyncset.done $0x0  }
0x78: {  	[sflag:s29] =	ssyncadd.s32 $0xFFFFFF80  }
0x79: {  	[spmem:s4] =	stream.indirect.scatter.add.f32 [tilespmem:s19], [sflag:$0x3], $0x80, s22, s21, $0xb8;
	[tilespmem:$0x1E500] =	vst v63  }
0x7a: {  	_ =	swait.ge [sflag:s30], $0x4000  }
0x7b: {  	[sflag:s30] =	ssyncset.done $0x0  }
0x7c: {  	[sflag:s30] =	ssyncadd.s32 $0xFFFFC000  }
0x7d: {  	_ =	swait.ge [sflag:s31], $0x4000  }
0x7e: {  	[sflag:s31] =	ssyncset.done $0x0  }
0x7f: {  	[sflag:s31] =	ssyncadd.s32 $0xFFFFC000  }
0x80: {  	_ =	swait.ge [sflag:s1], $0x80  }
0x81: {  	[sflag:s1] =	ssyncset.done $0x0  }
0x82: {  	[sflag:s1] =	ssyncadd.s32 $0xFFFFFF80  }
0x83: {  	[spmem:s4] =	stream.indirect.scatter.add.f32 [tilespmem:s23], [sflag:$0x4], $0x80, s26, s21, $0xb8;
	[tilespmem:$0x1E500] =	vst v63  }
0x84: {  	_ =	swait.ge [sflag:s0], $0x4000  }
0x85: {  	s13 =	stileid.u32;
	[sflag:s0] =	ssyncset.done $0x0  }
0x86: {  	s9 =	sshll.u32 s13, $0x6;
	[sflag:s0] =	ssyncadd.s32 $0xFFFFC000  }
0x87: {  	s9 =	sor.u32 $0x1C07, s9;
	[bflag:$0x0] =	sbarrier.arrive $0xFFFF  }
0x88: {  	[hbm:s16], [sflag:s9] =	dma.local [spmem:s24], $0x2700  }
0x89: {  	_ =	swait.ge [sflag:s20], $0x2700  }
0x8a: {  	s7 =	sadd.s32 $0x1, s7;
	[sflag:s20] =	ssyncset.done $0x0  }
0x8b: {  	p1 =	sne.s32 s7, s18;
	[sflag:s20] =	ssyncadd.s32 $0xFFFFD900  }
0x8c: {  	[hbm:s17], [sflag:s9] =	dma.local @!p0 [spmem:s25], $0x100  }
.Ltmp1:
0x8d: {  	_ = 	snop;
	(pc) =	sbr.rel @p1 .LBB2_1-.Ltmp1, $4  }
0x8e: {  	s9 =	simm.s32 @!p0 $0x7  }
0x8f: {  	_ =	swait.ge @!p0 [sflag:s9], $0x100  }
0x90: {  	[sflag:s9] =	ssyncset.done @!p0 $0x0  }
0x91: {  	[sflag:s9] =	ssyncadd.s32 @!p0 $0xFFFFFF00  }
0x92: {  	_ =	sfence.sel $0x180000  }
0x93: {  	[bflag:$0x0] =	sbarrier.arrive $0xFFFF  }
0x94: {  	_ =	strace $0x90000047  }
0x95: {  	s0 =	stileid.u32;
	[bflag:$0x2] =	sbarrier.arrive $0xFFFF  }
0x96: {  	p0 =	sne.s32 s0, $0x0;
	s0 =	rddreg [dreg:$0x3]  }
0x97: {  	s0 =	sadd.s32 @!p0 $0x100000, s0  }
0x98: {  	[sflag:s0] =	ssyncadd.tile.s32 @!p0 $0x1;
	_ =	shalt  }
.Lfunc_end2:
_tile_overlayer_lowered:
.L_overlay_start_2:
0x99: {  	(tag) =	ssettag $0x2  }
0x9a: {  	s0 =	rddreg [dreg:$0x0];
	s2 =	stileid.u32  }
0x9b: {  	s1 =	rddreg [dreg:$0x1];
	p0 =	sne.s32 s2, $0x0  }
0x9c: {  	s3 =	rddreg [dreg:$0x2];
	[bflag:$0x3] =	sbarrier.arrive $0xFFFF;
	s2 =	simm.s32 @!p0 $0x1C07  }
0x9d: {  	[timem:s3], [sflag:s2] =	dma.local @!p0 [hbm:s0], s1  }
0x9e: {  	s0 =	simm.s32 @!p0 $0x7  }
0x9f: {  	_ =	swait.ge @!p0 [sflag:s0], s1  }
0xa0: {  	s1 =	ssub.s32 @!p0 $0x0, s1;
	[sflag:s0] =	ssyncset.done @!p0 $0x0  }
0xa1: {  	[sflag:s0] =	ssyncadd.s32 @!p0 s1  }
0xa2: {  	[bflag:$0x3] =	sbarrier.arrive $0xFFFF  }
0xa3: {  	_ =	shalt  }

</sc_bundles>
